<compile_context>
chip_gen: v7x
topology: tpu7x:2x2x1
jax: 0.10.2.dev20260603
libtpu: 0.0.44.dev20260713+nightly
codegen_flags: <defaults>
</compile_context>

<pallas_src>
import functools

import jax
import jax.numpy as jnp
from jax import lax
from jax.experimental import pallas as pl
from jax.experimental.pallas import tpu as pltpu
from jax.experimental.pallas import tpu_sc as plsc

B = 32
N = 8192
G = 128
K = 32
EMBED_DIM = 768
HIDDEN = 512

NC = 2
NS = 16



def _fps_body(x_ref, y_ref, z_ref, idx_ref, cx_ref, cy_ref, cz_ref):
    x = x_ref[:]
    y = y_ref[:]
    z = z_ref[:]
    f32 = jnp.float32
    mx = jnp.mean(x, axis=1, keepdims=True)
    my = jnp.mean(y, axis=1, keepdims=True)
    mz = jnp.mean(z, axis=1, keepdims=True)
    dx, dy, dz = x - mx, y - my, z - mz
    dist0 = dx * dx + dy * dy + dz * dz
    iota = lax.broadcasted_iota(jnp.int32, (B, N), 1)

    def argmax_first(d):
        m = jnp.max(d, axis=1, keepdims=True)
        return jnp.min(jnp.where(d == m, iota, N), axis=1, keepdims=True)

    farthest = argmax_first(dist0)
    distance = jnp.full((B, N), 1e10, dtype=f32)
    iota_g = lax.broadcasted_iota(jnp.int32, (B, G), 1)
    acc_i = jnp.zeros((B, G), jnp.int32)
    acc_x = jnp.zeros((B, G), f32)
    acc_y = jnp.zeros((B, G), f32)
    acc_z = jnp.zeros((B, G), f32)

    def step(i, carry):
        distance, farthest, acc_i, acc_x, acc_y, acc_z = carry
        sel = iota == farthest
        zero = jnp.zeros((), f32)
        cx = jnp.sum(jnp.where(sel, x, zero), axis=1, keepdims=True)
        cy = jnp.sum(jnp.where(sel, y, zero), axis=1, keepdims=True)
        cz = jnp.sum(jnp.where(sel, z, zero), axis=1, keepdims=True)
        here = iota_g == i
        acc_i = jnp.where(here, farthest, acc_i)
        acc_x = jnp.where(here, cx, acc_x)
        acc_y = jnp.where(here, cy, acc_y)
        acc_z = jnp.where(here, cz, acc_z)
        ex, ey, ez = x - cx, y - cy, z - cz
        dist = ex * ex + ey * ey + ez * ez
        distance = jnp.minimum(distance, dist)
        farthest = argmax_first(distance)
        return distance, farthest, acc_i, acc_x, acc_y, acc_z

    carry = (distance, farthest, acc_i, acc_x, acc_y, acc_z)
    carry = lax.fori_loop(0, G, step, carry)
    _, _, acc_i, acc_x, acc_y, acc_z = carry
    idx_ref[:] = acc_i
    cx_ref[:] = acc_x
    cy_ref[:] = acc_y
    cz_ref[:] = acc_z


def _fps_pallas(xp, yp, zp):
    out_shapes = (
        jax.ShapeDtypeStruct((B, G), jnp.int32),
        jax.ShapeDtypeStruct((B, G), jnp.float32),
        jax.ShapeDtypeStruct((B, G), jnp.float32),
        jax.ShapeDtypeStruct((B, G), jnp.float32),
    )
    return pl.pallas_call(_fps_body, out_shape=out_shapes)(xp, yp, zp)



_NCHUNK = 64
_CW = N // _NCHUNK


def _dist_body(x_ref, y_ref, z_ref, cx_ref, cy_ref, cz_ref, d2_ref, thr_ref):
    x = x_ref[0]
    y = y_ref[0]
    z = z_ref[0]
    cx = cx_ref[0]
    cy = cy_ref[0]
    cz = cz_ref[0]
    ex = cx - x
    ey = cy - y
    ez = cz - z
    d = ex * ex + ey * ey + ez * ez
    d2_ref[0] = d
    mins = [
        jnp.min(d[:, j * _CW:(j + 1) * _CW], axis=1, keepdims=True)
        for j in range(_NCHUNK)
    ]
    m = jnp.concatenate(mins, axis=1)
    iota_c = lax.broadcasted_iota(jnp.int32, (G, _NCHUNK), 1)
    inf = jnp.float32(jnp.inf)
    for _ in range(K - 1):
        mn = jnp.min(m, axis=1, keepdims=True)
        first = jnp.min(jnp.where(m == mn, iota_c, _NCHUNK), axis=1,
                        keepdims=True)
        m = jnp.where(iota_c == first, inf, m)
    thr_ref[0, 0] = jnp.min(m, axis=1)


def _dist_pallas(xp, yp, zp, cx, cy, cz):
    f32 = jnp.float32
    return pl.pallas_call(
        _dist_body,
        grid=(B,),
        in_specs=[
            pl.BlockSpec((1, 1, N), lambda b: (b, 0, 0)),
            pl.BlockSpec((1, 1, N), lambda b: (b, 0, 0)),
            pl.BlockSpec((1, 1, N), lambda b: (b, 0, 0)),
            pl.BlockSpec((1, G, 1), lambda b: (b, 0, 0)),
            pl.BlockSpec((1, G, 1), lambda b: (b, 0, 0)),
            pl.BlockSpec((1, G, 1), lambda b: (b, 0, 0)),
        ],
        out_specs=[
            pl.BlockSpec((1, G, N), lambda b: (b, 0, 0)),
            pl.BlockSpec((1, 1, G), lambda b: (b, 0, 0)),
        ],
        out_shape=(
            jax.ShapeDtypeStruct((B, G, N), f32),
            jax.ShapeDtypeStruct((B, 1, G), f32),
        ),
    )(xp[:, None, :], yp[:, None, :], zp[:, None, :],
      cx[:, :, None], cy[:, :, None], cz[:, :, None])



_CAND = N + 32
_BIGI = 1 << 30


def _knn_sc_body(d2_h, xp_h, yp_h, zp_h, cx_h, cy_h, cz_h, thr_h,
                 gidx_h, rx_h, ry_h, rz_h,
                 xv, yv, zv, cxv, cyv, czv, tv,
                 dA, dB, cd, ci, oi, ox, oy, oz, sA, sB):
    f32 = jnp.float32
    i32 = jnp.int32
    inf = f32(jnp.inf)
    wid = lax.axis_index("s") * NC + lax.axis_index("c")
    lane = lax.broadcasted_iota(i32, (16,), 0)
    inf_v = jnp.full((16,), inf, f32)
    big_v = jnp.full((16,), _BIGI, i32)

    pltpu.sync_copy(xp_h.at[wid], xv)
    pltpu.sync_copy(yp_h.at[wid], yv)
    pltpu.sync_copy(zp_h.at[wid], zv)
    pltpu.sync_copy(cx_h.at[wid], cxv.at[pl.ds(0, G)])
    pltpu.sync_copy(cy_h.at[wid], cyv.at[pl.ds(0, G)])
    pltpu.sync_copy(cz_h.at[wid], czv.at[pl.ds(0, G)])
    pltpu.sync_copy(thr_h.at[wid], tv.at[pl.ds(0, G)])

    def row_dma(g, buf, sem):
        return pltpu.make_async_copy(d2_h.at[wid, g], buf, sem)

    row_dma(0, dA, sA).start()
    row_dma(1, dB, sB).start()

    def lex_min_lanes(md, mi):
        for sh in (8, 4, 2, 1):
            perm = (lane + sh) & 15
            md2 = jnp.take(md, perm)
            mi2 = jnp.take(mi, perm)
            c = (md2 < md) | ((md2 == md) & (mi2 < mi))
            md = jnp.where(c, md2, md)
            mi = jnp.where(c, mi2, mi)
        return md, mi

    def select_g(g, dref):
        scx = cxv[pl.ds(g, 16)][0]
        scy = cyv[pl.ds(g, 16)][0]
        scz = czv[pl.ds(g, 16)][0]
        t = tv[pl.ds(g, 16)][0]

        @plsc.parallel_loop(0, N // 16, carry=i32(0), unroll=8)
        def cnt(i, off):
            dv = dref[pl.ds(i * 16, 16)]
            m = dv <= t
            iv = lane + i * 16
            plsc.store_compressed(cd.at[pl.ds(off, 16)], dv, mask=m)
            plsc.store_compressed(ci.at[pl.ds(off, 16)], iv, mask=m)
            pc = plsc.all_reduce_population_count(m)
            return off + pc[0]
        cd[pl.ds(cnt, 16)] = inf_v
        ci[pl.ds(cnt, 16)] = big_v
        nv = cnt // 16 + 1

        def kbody(k, carry):
            lastd, lasti, acc = carry

            def sbody(j, mm):
                md, mi = mm
                dv = cd[pl.ds(j * 16, 16)]
                iv = ci[pl.ds(j * 16, 16)]
                valid = (dv > lastd) | ((dv == lastd) & (iv > lasti))
                dv2 = jnp.where(valid, dv, inf_v)
                iv2 = jnp.where(valid, iv, big_v)
                better = (dv2 < md) | ((dv2 == md) & (iv2 < mi))
                return (jnp.where(better, dv2, md),
                        jnp.where(better, iv2, mi))

            md, mi = lax.fori_loop(0, nv, sbody, (inf_v, big_v))
            gm, gi = lex_min_lanes(md, mi)
            acc = jnp.where(lane == (k % 16), gi, acc)

            @pl.when(k % 16 == 15)
            def _():
                oi[pl.ds(g * K + (k // 16) * 16, 16)] = acc

            return gm, gi, acc

        lax.fori_loop(0, K, kbody,
                      (jnp.full((16,), -jnp.inf, f32),
                       jnp.full((16,), -1, i32),
                       jnp.zeros((16,), i32)))

        for h in range(K // 16):
            ivv = oi[pl.ds(g * K + h * 16, 16)]
            gx = plsc.load_gather(xv, [ivv])
            gy = plsc.load_gather(yv, [ivv])
            gz = plsc.load_gather(zv, [ivv])
            ox[pl.ds(g * K + h * 16, 16)] = gx - scx
            oy[pl.ds(g * K + h * 16, 16)] = gy - scy
            oz[pl.ds(g * K + h * 16, 16)] = gz - scz

    def pair(i, _):
        g0 = i * 2
        g1 = g0 + 1
        row_dma(g0, dA, sA).wait()
        select_g(g0, dA)

        @pl.when(g0 + 2 < G)
        def _():
            row_dma(g0 + 2, dA, sA).start()

        row_dma(g1, dB, sB).wait()
        select_g(g1, dB)

        @pl.when(g1 + 2 < G)
        def _():
            row_dma(g1 + 2, dB, sB).start()

        return 0

    lax.fori_loop(0, G // 2, pair, 0)

    pltpu.sync_copy(oi, gidx_h.at[wid])
    pltpu.sync_copy(ox, rx_h.at[wid])
    pltpu.sync_copy(oy, ry_h.at[wid])
    pltpu.sync_copy(oz, rz_h.at[wid])


def _knn_sc(d2, xp, yp, zp, cx, cy, cz, thr):
    f32 = jnp.float32
    i32 = jnp.int32
    mesh = plsc.VectorSubcoreMesh(core_axis_name="c", subcore_axis_name="s",
                                  num_cores=NC, num_subcores=NS)
    out_type = (
        jax.ShapeDtypeStruct((B, G * K), i32),
        jax.ShapeDtypeStruct((B, G * K), f32),
        jax.ShapeDtypeStruct((B, G * K), f32),
        jax.ShapeDtypeStruct((B, G * K), f32),
    )
    scratch = [
        pltpu.VMEM((N,), f32),
        pltpu.VMEM((N,), f32),
        pltpu.VMEM((N,), f32),
        pltpu.VMEM((G + 16,), f32),
        pltpu.VMEM((G + 16,), f32),
        pltpu.VMEM((G + 16,), f32),
        pltpu.VMEM((G + 16,), f32),
        pltpu.VMEM((N,), f32),
        pltpu.VMEM((N,), f32),
        pltpu.VMEM((_CAND,), f32),
        pltpu.VMEM((_CAND,), i32),
        pltpu.VMEM((G * K,), i32),
        pltpu.VMEM((G * K,), f32),
        pltpu.VMEM((G * K,), f32),
        pltpu.VMEM((G * K,), f32),
        pltpu.SemaphoreType.DMA,
        pltpu.SemaphoreType.DMA,
    ]
    fn = pl.kernel(_knn_sc_body, out_type=out_type, mesh=mesh,
                   scratch_types=scratch,
                   compiler_params=pltpu.CompilerParams(
                       needs_layout_passes=False))
    return fn(d2, xp, yp, zp, cx, cy, cz, thr)



_BT = 2048
_M = B * G * K


def _mlp_body(rx_ref, ry_ref, rz_ref, w1_ref, b1_ref, w2_ref, b2_ref,
              w3_ref, b3_ref, w4_ref, b4_ref, out_ref):
    f32 = jnp.float32
    bf16 = jnp.bfloat16

    def gelu(v):
        return 0.5 * v * (1.0 + lax.erf(v * 0.7071067811865476))

    x3 = jnp.concatenate([rx_ref[:], ry_ref[:], rz_ref[:]], axis=1)
    h = lax.dot_general(x3, w1_ref[:], (((1,), (0,)), ((), ())),
                        preferred_element_type=f32) + b1_ref[:]
    h = gelu(h)
    h = lax.dot_general(h.astype(bf16), w2_ref[:].astype(bf16),
                        (((1,), (0,)), ((), ())),
                        preferred_element_type=f32) + b2_ref[:]
    h = gelu(h)
    h = lax.dot_general(h.astype(bf16), w3_ref[:].astype(bf16),
                        (((1,), (0,)), ((), ())),
                        preferred_element_type=f32) + b3_ref[:]
    h = gelu(h)
    h = lax.dot_general(h.astype(bf16), w4_ref[:].astype(bf16),
                        (((1,), (0,)), ((), ())),
                        preferred_element_type=f32) + b4_ref[:]
    out_ref[:] = jnp.max(h.reshape(_BT // K, K, EMBED_DIM), axis=1)


def _mlp_pallas(rx, ry, rz, W1, b1, W2, b2, W3, b3, W4, b4):
    f32 = jnp.float32
    steps = _M // _BT
    col = pl.BlockSpec((_BT, 1), lambda i: (i, 0))
    full = lambda a: pl.BlockSpec(a.shape, lambda i: (0,) * a.ndim)
    return pl.pallas_call(
        _mlp_body,
        grid=(steps,),
        in_specs=[col, col, col,
                  full(W1), full(b1[None]), full(W2), full(b2[None]),
                  full(W3), full(b3[None]), full(W4), full(b4[None])],
        out_specs=pl.BlockSpec((_BT // K, EMBED_DIM), lambda i: (i, 0)),
        out_shape=jax.ShapeDtypeStruct((_M // K, EMBED_DIM), f32),
    )(rx.reshape(_M, 1), ry.reshape(_M, 1), rz.reshape(_M, 1),
      W1, b1[None], W2, b2[None], W3, b3[None], W4, b4[None])



def kernel(xyz, W1, b1, W2, b2, W3, b3, W4, b4):
    xp = xyz[:, :, 0]
    yp = xyz[:, :, 1]
    zp = xyz[:, :, 2]
    center_idx, cx, cy, cz = _fps_pallas(xp, yp, zp)
    centers_xyz = jnp.stack([cx, cy, cz], axis=-1)

    d2, thr = _dist_pallas(xp, yp, zp, cx, cy, cz)
    gidx, rx, ry, rz = _knn_sc(d2, xp, yp, zp, cx, cy, cz, thr[:, 0, :])
    group_idx = gidx.reshape(B, G, K)
    tokens = _mlp_pallas(rx, ry, rz, W1, b1, W2, b2, W3, b3, W4, b4)
    tokens = tokens.reshape(B, G, EMBED_DIM)
    return tokens, centers_xyz, group_idx

# --- scband reference (transcript-rebuilt; emitter-appended) ---
"""Pipeline reference for scband-point-patch-embed-5385888989213 (READ-ONLY COPY).

The authoritative reference and input builder live on the scoring server;
editing this copy changes nothing except your own understanding.
"""

import jax, jax.numpy as jnp
import numpy as np

B = 32
N = 8192
NUM_GROUPS = 128
GROUP_SIZE = 32
EMBED_DIM = 768
HIDDEN = 512


def setup_inputs(seed: int = 0) -> dict:
    key = jax.random.key(seed)
    ks = jax.random.split(key, 9)
    xyz = jax.random.normal(ks[0], (B, N, 3), dtype=jnp.float32)
    W1 = jax.random.normal(ks[1], (3, HIDDEN), dtype=jnp.float32) * 0.05
    b1 = jnp.zeros((HIDDEN,), dtype=jnp.float32)
    W2 = jax.random.normal(ks[2], (HIDDEN, HIDDEN), dtype=jnp.float32) * 0.05
    b2 = jnp.zeros((HIDDEN,), dtype=jnp.float32)
    W3 = jax.random.normal(ks[3], (HIDDEN, HIDDEN), dtype=jnp.float32) * 0.05
    b3 = jnp.zeros((HIDDEN,), dtype=jnp.float32)
    W4 = jax.random.normal(ks[4], (HIDDEN, EMBED_DIM), dtype=jnp.float32) * 0.05
    b4 = jnp.zeros((EMBED_DIM,), dtype=jnp.float32)
    return {"xyz": xyz, "W1": W1, "b1": b1, "W2": W2, "b2": b2,
            "W3": W3, "b3": b3, "W4": W4, "b4": b4}


def farthest_point_sample(xyz, npoint):
    b, n, _ = xyz.shape
    mean_xyz = xyz.mean(axis=1, keepdims=True)
    dist0 = ((xyz - mean_xyz) ** 2).sum(axis=-1)
    farthest = jnp.argmax(dist0, axis=1)
    distance = jnp.full((b, n), 1e10, dtype=xyz.dtype)
    batch = jnp.arange(b)
    centroids = []
    for _ in range(npoint):
        centroids.append(farthest)
        centroid = xyz[batch, farthest][:, None, :]
        dist = ((xyz - centroid) ** 2).sum(axis=-1)
        distance = jnp.minimum(distance, dist)
        farthest = jnp.argmax(distance, axis=1)
    return jnp.stack(centroids, axis=1)


def reference(xyz, W1, b1, W2, b2, W3, b3, W4, b4):
    b, n, _ = xyz.shape
    G = min(NUM_GROUPS, n)
    K = min(GROUP_SIZE, n)
    # FPS center selection (no-grad in the original; indices are ints)
    center_idx = farthest_point_sample(xyz, G)  # (B, G)
    centers_xyz = jnp.take_along_axis(xyz, center_idx[:, :, None], axis=1)  # (B, G, 3)
    # kNN grouping
    dist2 = ((centers_xyz[:, :, None, :] - xyz[:, None, :, :]) ** 2).sum(axis=-1)  # (B, G, N)
    _, group_idx = jax.lax.top_k(-dist2, K)  # (B, G, K) smallest distances
    group_xyz = jnp.take_along_axis(
        xyz, group_idx.reshape(b, G * K)[:, :, None], axis=1
    ).reshape(b, G, K, 3)
    rel_xyz = group_xyz - centers_xyz[:, :, None, :]  # (B, G, K, 3)
    # MiniPointNet: 3 x (Linear + GELU) then Linear, max over K
    h = rel_xyz.reshape(b * G * K, 3)
    h = jax.nn.gelu(h @ W1 + b1, approximate=False)
    h = jax.nn.gelu(h @ W2 + b2, approximate=False)
    h = jax.nn.gelu(h @ W3 + b3, approximate=False)
    h = h @ W4 + b4
    h = h.reshape(b, G, K, EMBED_DIM)
    tokens = h.max(axis=2)  # (B, G, D)
    return tokens, centers_xyz, group_idx

if __name__ == "__main__":
    import jax
    _d = setup_inputs()
    print(jax.jit(kernel)(*tuple(_d.values())))

</pallas_src>

<mosaic_0001>
#map = affine_map<(d0, d1) -> (0, 0, 0)>
#map1 = affine_map<(d0, d1) -> (0, 0)>
module attributes {stable_mosaic.version = 14 : i64} {
  func.func @_knn_sc_body(%arg0: i32, %arg1: i32, %arg2: memref<32x128x8192xf32, #tpu.memory_space<hbm>>, %arg3: memref<32x8192xf32, #tpu.memory_space<hbm>>, %arg4: memref<32x8192xf32, #tpu.memory_space<hbm>>, %arg5: memref<32x8192xf32, #tpu.memory_space<hbm>>, %arg6: memref<32x128xf32, #tpu.memory_space<hbm>>, %arg7: memref<32x128xf32, #tpu.memory_space<hbm>>, %arg8: memref<32x128xf32, #tpu.memory_space<hbm>>, %arg9: memref<32x128xf32, #tpu.memory_space<hbm>>, %arg10: memref<32x4096xi32, #tpu.memory_space<hbm>>, %arg11: memref<32x4096xf32, #tpu.memory_space<hbm>>, %arg12: memref<32x4096xf32, #tpu.memory_space<hbm>>, %arg13: memref<32x4096xf32, #tpu.memory_space<hbm>>, %arg14: memref<8192xf32, #tpu.memory_space<vmem>>, %arg15: memref<8192xf32, #tpu.memory_space<vmem>>, %arg16: memref<8192xf32, #tpu.memory_space<vmem>>, %arg17: memref<144xf32, #tpu.memory_space<vmem>>, %arg18: memref<144xf32, #tpu.memory_space<vmem>>, %arg19: memref<144xf32, #tpu.memory_space<vmem>>, %arg20: memref<144xf32, #tpu.memory_space<vmem>>, %arg21: memref<8192xf32, #tpu.memory_space<vmem>>, %arg22: memref<8192xf32, #tpu.memory_space<vmem>>, %arg23: memref<8224xf32, #tpu.memory_space<vmem>>, %arg24: memref<8224xi32, #tpu.memory_space<vmem>>, %arg25: memref<4096xi32, #tpu.memory_space<vmem>>, %arg26: memref<4096xf32, #tpu.memory_space<vmem>>, %arg27: memref<4096xf32, #tpu.memory_space<vmem>>, %arg28: memref<4096xf32, #tpu.memory_space<vmem>>, %arg29: memref<!tpu.dma_semaphore, #tpu.memory_space<semaphore_mem>>, %arg30: memref<!tpu.dma_semaphore, #tpu.memory_space<semaphore_mem>>) attributes {dimension_semantics = [#tpu.dimension_semantics<core_parallel>, #tpu.dimension_semantics<subcore_parallel>], iteration_bounds = array<i64: 2, 16>, scalar_prefetch = 0 : i64, scratch_operands = 17 : i64, tpu.core_type = #tpu.core_type<sc_vector_subcore>, window_params = [{transform_indices = #map}, {transform_indices = #map1}, {transform_indices = #map1}, {transform_indices = #map1}, {transform_indices = #map1}, {transform_indices = #map1}, {transform_indices = #map1}, {transform_indices = #map1}, {transform_indices = #map1}, {transform_indices = #map1}, {transform_indices = #map1}, {transform_indices = #map1}]} {
    %mul3A = arith.constant 2 : i32
    %mul3A_0 = arith.muli %arg1, %mul3A : i32
    %add3A = arith.addi %mul3A_0, %arg0 : i32
    %iota3A = tpu.iota {dimensions = array<i32: 0>} : vector<16xi32>
    %broadcast_in_dim3A = arith.constant 0x7F800000 : f32
    %broadcast_in_dim3A_1 = vector.broadcast %broadcast_in_dim3A : f32 to vector<16xf32>
    %broadcast_in_dim3A_2 = arith.constant 1073741824 : i32
    %broadcast_in_dim3A_3 = vector.broadcast %broadcast_in_dim3A_2 : i32 to vector<16xi32>
    "tpu.region"() ({
      %run_scoped3A = tpu.sem_alloc : memref<!tpu.dma_semaphore, #tpu.memory_space<semaphore_mem>>
      %dma_start3A_23 = arith.constant 0 : i32
      %dma_start3A_24 = tpu.memref_slice %arg3[%add3A, %dma_start3A_23] : memref<32x8192xf32, #tpu.memory_space<hbm>> -> memref<1x8192xf32, #tpu.memory_space<hbm>>
      %dma_start3A_25 = tpu.memref_squeeze %dma_start3A_24 : memref<1x8192xf32, #tpu.memory_space<hbm>> -> memref<8192xf32, #tpu.memory_space<hbm>>
      %dma_start3A_26 = arith.constant 0 : i32
      %dma_start3A_27 = tpu.memref_slice %arg3[%add3A, %dma_start3A_26] : memref<32x8192xf32, #tpu.memory_space<hbm>> -> memref<1x8192xf32, #tpu.memory_space<hbm>>
      %dma_start3A_28 = tpu.memref_squeeze %dma_start3A_27 : memref<1x8192xf32, #tpu.memory_space<hbm>> -> memref<8192xf32, #tpu.memory_space<hbm>>
      tpu.enqueue_dma source(%dma_start3A_28 : memref<8192xf32, #tpu.memory_space<hbm>>) target(%arg14 : memref<8192xf32, #tpu.memory_space<vmem>>) target_semaphore(%run_scoped3A : memref<!tpu.dma_semaphore, #tpu.memory_space<semaphore_mem>>)
      %dma_wait3A = arith.constant 0 : i32
      %dma_wait3A_29 = tpu.memref_slice %arg3[%add3A, %dma_wait3A] : memref<32x8192xf32, #tpu.memory_space<hbm>> -> memref<1x8192xf32, #tpu.memory_space<hbm>>
      %dma_wait3A_30 = tpu.memref_squeeze %dma_wait3A_29 : memref<1x8192xf32, #tpu.memory_space<hbm>> -> memref<8192xf32, #tpu.memory_space<hbm>>
      %dma_wait3A_31 = arith.constant 0 : i32
      %dma_wait3A_32 = tpu.memref_slice %arg3[%add3A, %dma_wait3A_31] : memref<32x8192xf32, #tpu.memory_space<hbm>> -> memref<1x8192xf32, #tpu.memory_space<hbm>>
      %dma_wait3A_33 = tpu.memref_squeeze %dma_wait3A_32 : memref<1x8192xf32, #tpu.memory_space<hbm>> -> memref<8192xf32, #tpu.memory_space<hbm>>
      tpu.wait_dma2 semaphore(%run_scoped3A : memref<!tpu.dma_semaphore, #tpu.memory_space<semaphore_mem>>) src(%dma_wait3A_33 : memref<8192xf32, #tpu.memory_space<hbm>>) dst(%arg14 : memref<8192xf32, #tpu.memory_space<vmem>>)
      tpu.yield
    }) : () -> ()
    "tpu.region"() ({
      %run_scoped3A = tpu.sem_alloc : memref<!tpu.dma_semaphore, #tpu.memory_space<semaphore_mem>>
      %dma_start3A_23 = arith.constant 0 : i32
      %dma_start3A_24 = tpu.memref_slice %arg4[%add3A, %dma_start3A_23] : memref<32x8192xf32, #tpu.memory_space<hbm>> -> memref<1x8192xf32, #tpu.memory_space<hbm>>
      %dma_start3A_25 = tpu.memref_squeeze %dma_start3A_24 : memref<1x8192xf32, #tpu.memory_space<hbm>> -> memref<8192xf32, #tpu.memory_space<hbm>>
      %dma_start3A_26 = arith.constant 0 : i32
      %dma_start3A_27 = tpu.memref_slice %arg4[%add3A, %dma_start3A_26] : memref<32x8192xf32, #tpu.memory_space<hbm>> -> memref<1x8192xf32, #tpu.memory_space<hbm>>
      %dma_start3A_28 = tpu.memref_squeeze %dma_start3A_27 : memref<1x8192xf32, #tpu.memory_space<hbm>> -> memref<8192xf32, #tpu.memory_space<hbm>>
      tpu.enqueue_dma source(%dma_start3A_28 : memref<8192xf32, #tpu.memory_space<hbm>>) target(%arg15 : memref<8192xf32, #tpu.memory_space<vmem>>) target_semaphore(%run_scoped3A : memref<!tpu.dma_semaphore, #tpu.memory_space<semaphore_mem>>)
      %dma_wait3A = arith.constant 0 : i32
      %dma_wait3A_29 = tpu.memref_slice %arg4[%add3A, %dma_wait3A] : memref<32x8192xf32, #tpu.memory_space<hbm>> -> memref<1x8192xf32, #tpu.memory_space<hbm>>
      %dma_wait3A_30 = tpu.memref_squeeze %dma_wait3A_29 : memref<1x8192xf32, #tpu.memory_space<hbm>> -> memref<8192xf32, #tpu.memory_space<hbm>>
      %dma_wait3A_31 = arith.constant 0 : i32
      %dma_wait3A_32 = tpu.memref_slice %arg4[%add3A, %dma_wait3A_31] : memref<32x8192xf32, #tpu.memory_space<hbm>> -> memref<1x8192xf32, #tpu.memory_space<hbm>>
      %dma_wait3A_33 = tpu.memref_squeeze %dma_wait3A_32 : memref<1x8192xf32, #tpu.memory_space<hbm>> -> memref<8192xf32, #tpu.memory_space<hbm>>
      tpu.wait_dma2 semaphore(%run_scoped3A : memref<!tpu.dma_semaphore, #tpu.memory_space<semaphore_mem>>) src(%dma_wait3A_33 : memref<8192xf32, #tpu.memory_space<hbm>>) dst(%arg15 : memref<8192xf32, #tpu.memory_space<vmem>>)
      tpu.yield
    }) : () -> ()
    "tpu.region"() ({
      %run_scoped3A = tpu.sem_alloc : memref<!tpu.dma_semaphore, #tpu.memory_space<semaphore_mem>>
      %dma_start3A_23 = arith.constant 0 : i32
      %dma_start3A_24 = tpu.memref_slice %arg5[%add3A, %dma_start3A_23] : memref<32x8192xf32, #tpu.memory_space<hbm>> -> memref<1x8192xf32, #tpu.memory_space<hbm>>
      %dma_start3A_25 = tpu.memref_squeeze %dma_start3A_24 : memref<1x8192xf32, #tpu.memory_space<hbm>> -> memref<8192xf32, #tpu.memory_space<hbm>>
      %dma_start3A_26 = arith.constant 0 : i32
      %dma_start3A_27 = tpu.memref_slice %arg5[%add3A, %dma_start3A_26] : memref<32x8192xf32, #tpu.memory_space<hbm>> -> memref<1x8192xf32, #tpu.memory_space<hbm>>
      %dma_start3A_28 = tpu.memref_squeeze %dma_start3A_27 : memref<1x8192xf32, #tpu.memory_space<hbm>> -> memref<8192xf32, #tpu.memory_space<hbm>>
      tpu.enqueue_dma source(%dma_start3A_28 : memref<8192xf32, #tpu.memory_space<hbm>>) target(%arg16 : memref<8192xf32, #tpu.memory_space<vmem>>) target_semaphore(%run_scoped3A : memref<!tpu.dma_semaphore, #tpu.memory_space<semaphore_mem>>)
      %dma_wait3A = arith.constant 0 : i32
      %dma_wait3A_29 = tpu.memref_slice %arg5[%add3A, %dma_wait3A] : memref<32x8192xf32, #tpu.memory_space<hbm>> -> memref<1x8192xf32, #tpu.memory_space<hbm>>
      %dma_wait3A_30 = tpu.memref_squeeze %dma_wait3A_29 : memref<1x8192xf32, #tpu.memory_space<hbm>> -> memref<8192xf32, #tpu.memory_space<hbm>>
      %dma_wait3A_31 = arith.constant 0 : i32
      %dma_wait3A_32 = tpu.memref_slice %arg5[%add3A, %dma_wait3A_31] : memref<32x8192xf32, #tpu.memory_space<hbm>> -> memref<1x8192xf32, #tpu.memory_space<hbm>>
      %dma_wait3A_33 = tpu.memref_squeeze %dma_wait3A_32 : memref<1x8192xf32, #tpu.memory_space<hbm>> -> memref<8192xf32, #tpu.memory_space<hbm>>
      tpu.wait_dma2 semaphore(%run_scoped3A : memref<!tpu.dma_semaphore, #tpu.memory_space<semaphore_mem>>) src(%dma_wait3A_33 : memref<8192xf32, #tpu.memory_space<hbm>>) dst(%arg16 : memref<8192xf32, #tpu.memory_space<vmem>>)
      tpu.yield
    }) : () -> ()
    "tpu.region"() ({
      %run_scoped3A = tpu.sem_alloc : memref<!tpu.dma_semaphore, #tpu.memory_space<semaphore_mem>>
      %dma_start3A_23 = arith.constant 0 : i32
      %dma_start3A_24 = tpu.memref_slice %arg17[%dma_start3A_23] : memref<144xf32, #tpu.memory_space<vmem>> -> memref<128xf32, #tpu.memory_space<vmem>>
      %dma_start3A_25 = arith.constant 0 : i32
      %dma_start3A_26 = tpu.memref_slice %arg6[%add3A, %dma_start3A_25] : memref<32x128xf32, #tpu.memory_space<hbm>> -> memref<1x128xf32, #tpu.memory_space<hbm>>
      %dma_start3A_27 = tpu.memref_squeeze %dma_start3A_26 : memref<1x128xf32, #tpu.memory_space<hbm>> -> memref<128xf32, #tpu.memory_space<hbm>>
      %dma_start3A_28 = arith.constant 0 : i32
      %dma_start3A_29 = tpu.memref_slice %arg17[%dma_start3A_28] : memref<144xf32, #tpu.memory_space<vmem>> -> memref<128xf32, #tpu.memory_space<vmem>>
      %dma_start3A_30 = arith.constant 0 : i32
      %dma_start3A_31 = tpu.memref_slice %arg6[%add3A, %dma_start3A_30] : memref<32x128xf32, #tpu.memory_space<hbm>> -> memref<1x128xf32, #tpu.memory_space<hbm>>
      %dma_start3A_32 = tpu.memref_squeeze %dma_start3A_31 : memref<1x128xf32, #tpu.memory_space<hbm>> -> memref<128xf32, #tpu.memory_space<hbm>>
      tpu.enqueue_dma source(%dma_start3A_32 : memref<128xf32, #tpu.memory_space<hbm>>) target(%dma_start3A_29 : memref<128xf32, #tpu.memory_space<vmem>>) target_semaphore(%run_scoped3A : memref<!tpu.dma_semaphore, #tpu.memory_space<semaphore_mem>>)
      %dma_wait3A = arith.constant 0 : i32
      %dma_wait3A_33 = tpu.memref_slice %arg17[%dma_wait3A] : memref<144xf32, #tpu.memory_space<vmem>> -> memref<128xf32, #tpu.memory_space<vmem>>
      %dma_wait3A_34 = arith.constant 0 : i32
      %dma_wait3A_35 = tpu.memref_slice %arg6[%add3A, %dma_wait3A_34] : memref<32x128xf32, #tpu.memory_space<hbm>> -> memref<1x128xf32, #tpu.memory_space<hbm>>
      %dma_wait3A_36 = tpu.memref_squeeze %dma_wait3A_35 : memref<1x128xf32, #tpu.memory_space<hbm>> -> memref<128xf32, #tpu.memory_space<hbm>>
      %dma_wait3A_37 = arith.constant 0 : i32
      %dma_wait3A_38 = tpu.memref_slice %arg17[%dma_wait3A_37] : memref<144xf32, #tpu.memory_space<vmem>> -> memref<128xf32, #tpu.memory_space<vmem>>
      %dma_wait3A_39 = arith.constant 0 : i32
      %dma_wait3A_40 = tpu.memref_slice %arg6[%add3A, %dma_wait3A_39] : memref<32x128xf32, #tpu.memory_space<hbm>> -> memref<1x128xf32, #tpu.memory_space<hbm>>
      %dma_wait3A_41 = tpu.memref_squeeze %dma_wait3A_40 : memref<1x128xf32, #tpu.memory_space<hbm>> -> memref<128xf32, #tpu.memory_space<hbm>>
      tpu.wait_dma2 semaphore(%run_scoped3A : memref<!tpu.dma_semaphore, #tpu.memory_space<semaphore_mem>>) src(%dma_wait3A_41 : memref<128xf32, #tpu.memory_space<hbm>>) dst(%dma_wait3A_38 : memref<128xf32, #tpu.memory_space<vmem>>)
      tpu.yield
    }) : () -> ()
    "tpu.region"() ({
      %run_scoped3A = tpu.sem_alloc : memref<!tpu.dma_semaphore, #tpu.memory_space<semaphore_mem>>
      %dma_start3A_23 = arith.constant 0 : i32
      %dma_start3A_24 = tpu.memref_slice %arg18[%dma_start3A_23] : memref<144xf32, #tpu.memory_space<vmem>> -> memref<128xf32, #tpu.memory_space<vmem>>
      %dma_start3A_25 = arith.constant 0 : i32
      %dma_start3A_26 = tpu.memref_slice %arg7[%add3A, %dma_start3A_25] : memref<32x128xf32, #tpu.memory_space<hbm>> -> memref<1x128xf32, #tpu.memory_space<hbm>>
      %dma_start3A_27 = tpu.memref_squeeze %dma_start3A_26 : memref<1x128xf32, #tpu.memory_space<hbm>> -> memref<128xf32, #tpu.memory_space<hbm>>
      %dma_start3A_28 = arith.constant 0 : i32
      %dma_start3A_29 = tpu.memref_slice %arg18[%dma_start3A_28] : memref<144xf32, #tpu.memory_space<vmem>> -> memref<128xf32, #tpu.memory_space<vmem>>
      %dma_start3A_30 = arith.constant 0 : i32
      %dma_start3A_31 = tpu.memref_slice %arg7[%add3A, %dma_start3A_30] : memref<32x128xf32, #tpu.memory_space<hbm>> -> memref<1x128xf32, #tpu.memory_space<hbm>>
      %dma_start3A_32 = tpu.memref_squeeze %dma_start3A_31 : memref<1x128xf32, #tpu.memory_space<hbm>> -> memref<128xf32, #tpu.memory_space<hbm>>
      tpu.enqueue_dma source(%dma_start3A_32 : memref<128xf32, #tpu.memory_space<hbm>>) target(%dma_start3A_29 : memref<128xf32, #tpu.memory_space<vmem>>) target_semaphore(%run_scoped3A : memref<!tpu.dma_semaphore, #tpu.memory_space<semaphore_mem>>)
      %dma_wait3A = arith.constant 0 : i32
      %dma_wait3A_33 = tpu.memref_slice %arg18[%dma_wait3A] : memref<144xf32, #tpu.memory_space<vmem>> -> memref<128xf32, #tpu.memory_space<vmem>>
      %dma_wait3A_34 = arith.constant 0 : i32
      %dma_wait3A_35 = tpu.memref_slice %arg7[%add3A, %dma_wait3A_34] : memref<32x128xf32, #tpu.memory_space<hbm>> -> memref<1x128xf32, #tpu.memory_space<hbm>>
      %dma_wait3A_36 = tpu.memref_squeeze %dma_wait3A_35 : memref<1x128xf32, #tpu.memory_space<hbm>> -> memref<128xf32, #tpu.memory_space<hbm>>
      %dma_wait3A_37 = arith.constant 0 : i32
      %dma_wait3A_38 = tpu.memref_slice %arg18[%dma_wait3A_37] : memref<144xf32, #tpu.memory_space<vmem>> -> memref<128xf32, #tpu.memory_space<vmem>>
      %dma_wait3A_39 = arith.constant 0 : i32
      %dma_wait3A_40 = tpu.memref_slice %arg7[%add3A, %dma_wait3A_39] : memref<32x128xf32, #tpu.memory_space<hbm>> -> memref<1x128xf32, #tpu.memory_space<hbm>>
      %dma_wait3A_41 = tpu.memref_squeeze %dma_wait3A_40 : memref<1x128xf32, #tpu.memory_space<hbm>> -> memref<128xf32, #tpu.memory_space<hbm>>
      tpu.wait_dma2 semaphore(%run_scoped3A : memref<!tpu.dma_semaphore, #tpu.memory_space<semaphore_mem>>) src(%dma_wait3A_41 : memref<128xf32, #tpu.memory_space<hbm>>) dst(%dma_wait3A_38 : memref<128xf32, #tpu.memory_space<vmem>>)
      tpu.yield
    }) : () -> ()
    "tpu.region"() ({
      %run_scoped3A = tpu.sem_alloc : memref<!tpu.dma_semaphore, #tpu.memory_space<semaphore_mem>>
      %dma_start3A_23 = arith.constant 0 : i32
      %dma_start3A_24 = tpu.memref_slice %arg19[%dma_start3A_23] : memref<144xf32, #tpu.memory_space<vmem>> -> memref<128xf32, #tpu.memory_space<vmem>>
      %dma_start3A_25 = arith.constant 0 : i32
      %dma_start3A_26 = tpu.memref_slice %arg8[%add3A, %dma_start3A_25] : memref<32x128xf32, #tpu.memory_space<hbm>> -> memref<1x128xf32, #tpu.memory_space<hbm>>
      %dma_start3A_27 = tpu.memref_squeeze %dma_start3A_26 : memref<1x128xf32, #tpu.memory_space<hbm>> -> memref<128xf32, #tpu.memory_space<hbm>>
      %dma_start3A_28 = arith.constant 0 : i32
      %dma_start3A_29 = tpu.memref_slice %arg19[%dma_start3A_28] : memref<144xf32, #tpu.memory_space<vmem>> -> memref<128xf32, #tpu.memory_space<vmem>>
      %dma_start3A_30 = arith.constant 0 : i32
      %dma_start3A_31 = tpu.memref_slice %arg8[%add3A, %dma_start3A_30] : memref<32x128xf32, #tpu.memory_space<hbm>> -> memref<1x128xf32, #tpu.memory_space<hbm>>
      %dma_start3A_32 = tpu.memref_squeeze %dma_start3A_31 : memref<1x128xf32, #tpu.memory_space<hbm>> -> memref<128xf32, #tpu.memory_space<hbm>>
      tpu.enqueue_dma source(%dma_start3A_32 : memref<128xf32, #tpu.memory_space<hbm>>) target(%dma_start3A_29 : memref<128xf32, #tpu.memory_space<vmem>>) target_semaphore(%run_scoped3A : memref<!tpu.dma_semaphore, #tpu.memory_space<semaphore_mem>>)
      %dma_wait3A = arith.constant 0 : i32
      %dma_wait3A_33 = tpu.memref_slice %arg19[%dma_wait3A] : memref<144xf32, #tpu.memory_space<vmem>> -> memref<128xf32, #tpu.memory_space<vmem>>
      %dma_wait3A_34 = arith.constant 0 : i32
      %dma_wait3A_35 = tpu.memref_slice %arg8[%add3A, %dma_wait3A_34] : memref<32x128xf32, #tpu.memory_space<hbm>> -> memref<1x128xf32, #tpu.memory_space<hbm>>
      %dma_wait3A_36 = tpu.memref_squeeze %dma_wait3A_35 : memref<1x128xf32, #tpu.memory_space<hbm>> -> memref<128xf32, #tpu.memory_space<hbm>>
      %dma_wait3A_37 = arith.constant 0 : i32
      %dma_wait3A_38 = tpu.memref_slice %arg19[%dma_wait3A_37] : memref<144xf32, #tpu.memory_space<vmem>> -> memref<128xf32, #tpu.memory_space<vmem>>
      %dma_wait3A_39 = arith.constant 0 : i32
      %dma_wait3A_40 = tpu.memref_slice %arg8[%add3A, %dma_wait3A_39] : memref<32x128xf32, #tpu.memory_space<hbm>> -> memref<1x128xf32, #tpu.memory_space<hbm>>
      %dma_wait3A_41 = tpu.memref_squeeze %dma_wait3A_40 : memref<1x128xf32, #tpu.memory_space<hbm>> -> memref<128xf32, #tpu.memory_space<hbm>>
      tpu.wait_dma2 semaphore(%run_scoped3A : memref<!tpu.dma_semaphore, #tpu.memory_space<semaphore_mem>>) src(%dma_wait3A_41 : memref<128xf32, #tpu.memory_space<hbm>>) dst(%dma_wait3A_38 : memref<128xf32, #tpu.memory_space<vmem>>)
      tpu.yield
    }) : () -> ()
    "tpu.region"() ({
      %run_scoped3A = tpu.sem_alloc : memref<!tpu.dma_semaphore, #tpu.memory_space<semaphore_mem>>
      %dma_start3A_23 = arith.constant 0 : i32
      %dma_start3A_24 = tpu.memref_slice %arg20[%dma_start3A_23] : memref<144xf32, #tpu.memory_space<vmem>> -> memref<128xf32, #tpu.memory_space<vmem>>
      %dma_start3A_25 = arith.constant 0 : i32
      %dma_start3A_26 = tpu.memref_slice %arg9[%add3A, %dma_start3A_25] : memref<32x128xf32, #tpu.memory_space<hbm>> -> memref<1x128xf32, #tpu.memory_space<hbm>>
      %dma_start3A_27 = tpu.memref_squeeze %dma_start3A_26 : memref<1x128xf32, #tpu.memory_space<hbm>> -> memref<128xf32, #tpu.memory_space<hbm>>
      %dma_start3A_28 = arith.constant 0 : i32
      %dma_start3A_29 = tpu.memref_slice %arg20[%dma_start3A_28] : memref<144xf32, #tpu.memory_space<vmem>> -> memref<128xf32, #tpu.memory_space<vmem>>
      %dma_start3A_30 = arith.constant 0 : i32
      %dma_start3A_31 = tpu.memref_slice %arg9[%add3A, %dma_start3A_30] : memref<32x128xf32, #tpu.memory_space<hbm>> -> memref<1x128xf32, #tpu.memory_space<hbm>>
      %dma_start3A_32 = tpu.memref_squeeze %dma_start3A_31 : memref<1x128xf32, #tpu.memory_space<hbm>> -> memref<128xf32, #tpu.memory_space<hbm>>
      tpu.enqueue_dma source(%dma_start3A_32 : memref<128xf32, #tpu.memory_space<hbm>>) target(%dma_start3A_29 : memref<128xf32, #tpu.memory_space<vmem>>) target_semaphore(%run_scoped3A : memref<!tpu.dma_semaphore, #tpu.memory_space<semaphore_mem>>)
      %dma_wait3A = arith.constant 0 : i32
      %dma_wait3A_33 = tpu.memref_slice %arg20[%dma_wait3A] : memref<144xf32, #tpu.memory_space<vmem>> -> memref<128xf32, #tpu.memory_space<vmem>>
      %dma_wait3A_34 = arith.constant 0 : i32
      %dma_wait3A_35 = tpu.memref_slice %arg9[%add3A, %dma_wait3A_34] : memref<32x128xf32, #tpu.memory_space<hbm>> -> memref<1x128xf32, #tpu.memory_space<hbm>>
      %dma_wait3A_36 = tpu.memref_squeeze %dma_wait3A_35 : memref<1x128xf32, #tpu.memory_space<hbm>> -> memref<128xf32, #tpu.memory_space<hbm>>
      %dma_wait3A_37 = arith.constant 0 : i32
      %dma_wait3A_38 = tpu.memref_slice %arg20[%dma_wait3A_37] : memref<144xf32, #tpu.memory_space<vmem>> -> memref<128xf32, #tpu.memory_space<vmem>>
      %dma_wait3A_39 = arith.constant 0 : i32
      %dma_wait3A_40 = tpu.memref_slice %arg9[%add3A, %dma_wait3A_39] : memref<32x128xf32, #tpu.memory_space<hbm>> -> memref<1x128xf32, #tpu.memory_space<hbm>>
      %dma_wait3A_41 = tpu.memref_squeeze %dma_wait3A_40 : memref<1x128xf32, #tpu.memory_space<hbm>> -> memref<128xf32, #tpu.memory_space<hbm>>
      tpu.wait_dma2 semaphore(%run_scoped3A : memref<!tpu.dma_semaphore, #tpu.memory_space<semaphore_mem>>) src(%dma_wait3A_41 : memref<128xf32, #tpu.memory_space<hbm>>) dst(%dma_wait3A_38 : memref<128xf32, #tpu.memory_space<vmem>>)
      tpu.yield
    }) : () -> ()
    %dma_start3A = arith.constant 0 : i32
    %dma_start3A_4 = arith.constant 0 : i32
    %dma_start3A_5 = tpu.memref_slice %arg2[%add3A, %dma_start3A, %dma_start3A_4] : memref<32x128x8192xf32, #tpu.memory_space<hbm>> -> memref<1x1x8192xf32, #tpu.memory_space<hbm>>
    %dma_start3A_6 = tpu.memref_squeeze %dma_start3A_5 : memref<1x1x8192xf32, #tpu.memory_space<hbm>> -> memref<8192xf32, #tpu.memory_space<hbm>>
    %dma_start3A_7 = arith.constant 0 : i32
    %dma_start3A_8 = tpu.memref_slice %arg2[%add3A, %dma_start3A, %dma_start3A_7] : memref<32x128x8192xf32, #tpu.memory_space<hbm>> -> memref<1x1x8192xf32, #tpu.memory_space<hbm>>
    %dma_start3A_9 = tpu.memref_squeeze %dma_start3A_8 : memref<1x1x8192xf32, #tpu.memory_space<hbm>> -> memref<8192xf32, #tpu.memory_space<hbm>>
    tpu.enqueue_dma source(%dma_start3A_9 : memref<8192xf32, #tpu.memory_space<hbm>>) target(%arg21 : memref<8192xf32, #tpu.memory_space<vmem>>) target_semaphore(%arg29 : memref<!tpu.dma_semaphore, #tpu.memory_space<semaphore_mem>>)
    %dma_start3A_10 = arith.constant 1 : i32
    %dma_start3A_11 = arith.constant 0 : i32
    %dma_start3A_12 = tpu.memref_slice %arg2[%add3A, %dma_start3A_10, %dma_start3A_11] : memref<32x128x8192xf32, #tpu.memory_space<hbm>> -> memref<1x1x8192xf32, #tpu.memory_space<hbm>>
    %dma_start3A_13 = tpu.memref_squeeze %dma_start3A_12 : memref<1x1x8192xf32, #tpu.memory_space<hbm>> -> memref<8192xf32, #tpu.memory_space<hbm>>
    %dma_start3A_14 = arith.constant 0 : i32
    %dma_start3A_15 = tpu.memref_slice %arg2[%add3A, %dma_start3A_10, %dma_start3A_14] : memref<32x128x8192xf32, #tpu.memory_space<hbm>> -> memref<1x1x8192xf32, #tpu.memory_space<hbm>>
    %dma_start3A_16 = tpu.memref_squeeze %dma_start3A_15 : memref<1x1x8192xf32, #tpu.memory_space<hbm>> -> memref<8192xf32, #tpu.memory_space<hbm>>
    tpu.enqueue_dma source(%dma_start3A_16 : memref<8192xf32, #tpu.memory_space<hbm>>) target(%arg22 : memref<8192xf32, #tpu.memory_space<vmem>>) target_semaphore(%arg30 : memref<!tpu.dma_semaphore, #tpu.memory_space<semaphore_mem>>)
    %scan3A = arith.constant 0 : i32
    %scan3A_17 = arith.constant 0 : i32
    %scan3A_18 = arith.constant 64 : i32
    %scan3A_19 = arith.addi %scan3A_17, %scan3A_18 : i32
    %scan3A_20 = arith.constant 1 : i32
    %scan3A_21 = scf.for %scan3A_23 = %scan3A_17 to %scan3A_19 step %scan3A_20 iter_args(%scan3A_24 = %scan3A) -> (i32)  : i32 {
      %mul3A_25 = arith.constant 2 : i32
      %mul3A_26 = arith.muli %scan3A_23, %mul3A_25 : i32
      %add3A_27 = arith.constant 1 : i32
      %add3A_28 = arith.addi %mul3A_26, %add3A_27 : i32
      %dma_wait3A = arith.constant 0 : i32
      %dma_wait3A_29 = tpu.memref_slice %arg2[%add3A, %mul3A_26, %dma_wait3A] : memref<32x128x8192xf32, #tpu.memory_space<hbm>> -> memref<1x1x8192xf32, #tpu.memory_space<hbm>>
      %dma_wait3A_30 = tpu.memref_squeeze %dma_wait3A_29 : memref<1x1x8192xf32, #tpu.memory_space<hbm>> -> memref<8192xf32, #tpu.memory_space<hbm>>
      %dma_wait3A_31 = arith.constant 0 : i32
      %dma_wait3A_32 = tpu.memref_slice %arg2[%add3A, %mul3A_26, %dma_wait3A_31] : memref<32x128x8192xf32, #tpu.memory_space<hbm>> -> memref<1x1x8192xf32, #tpu.memory_space<hbm>>
      %dma_wait3A_33 = tpu.memref_squeeze %dma_wait3A_32 : memref<1x1x8192xf32, #tpu.memory_space<hbm>> -> memref<8192xf32, #tpu.memory_space<hbm>>
      tpu.wait_dma2 semaphore(%arg29 : memref<!tpu.dma_semaphore, #tpu.memory_space<semaphore_mem>>) src(%dma_wait3A_33 : memref<8192xf32, #tpu.memory_space<hbm>>) dst(%arg21 : memref<8192xf32, #tpu.memory_space<vmem>>)
      %get3A = arith.index_cast %mul3A_26 : i32 to index
      %get3A_34 = tpu.vector_load %arg17[%get3A] {strides = array<i32>} : memref<144xf32, #tpu.memory_space<vmem>>, vector<16xf32>,
      %slice3A = vector.extract_strided_slice %get3A_34 {offsets = [0], sizes = [1], strides = [1]} : vector<16xf32> to vector<1xf32>
      %squeeze3A = vector.extract %slice3A[0] : f32 from vector<1xf32>
      %get3A_35 = arith.index_cast %mul3A_26 : i32 to index
      %get3A_36 = tpu.vector_load %arg18[%get3A_35] {strides = array<i32>} : memref<144xf32, #tpu.memory_space<vmem>>, vector<16xf32>,
      %slice3A_37 = vector.extract_strided_slice %get3A_36 {offsets = [0], sizes = [1], strides = [1]} : vector<16xf32> to vector<1xf32>
      %squeeze3A_38 = vector.extract %slice3A_37[0] : f32 from vector<1xf32>
      %get3A_39 = arith.index_cast %mul3A_26 : i32 to index
      %get3A_40 = tpu.vector_load %arg19[%get3A_39] {strides = array<i32>} : memref<144xf32, #tpu.memory_space<vmem>>, vector<16xf32>,
      %slice3A_41 = vector.extract_strided_slice %get3A_40 {offsets = [0], sizes = [1], strides = [1]} : vector<16xf32> to vector<1xf32>
      %squeeze3A_42 = vector.extract %slice3A_41[0] : f32 from vector<1xf32>
      %get3A_43 = arith.index_cast %mul3A_26 : i32 to index
      %get3A_44 = tpu.vector_load %arg20[%get3A_43] {strides = array<i32>} : memref<144xf32, #tpu.memory_space<vmem>>, vector<16xf32>,
      %slice3A_45 = vector.extract_strided_slice %get3A_44 {offsets = [0], sizes = [1], strides = [1]} : vector<16xf32> to vector<1xf32>
      %squeeze3A_46 = vector.extract %slice3A_45[0] : f32 from vector<1xf32>
      %parallel_loop3A = arith.constant 0 : i32
      %parallel_loop3A_47 = arith.constant 512 : i32
      %parallel_loop3A_48 = arith.constant 1 : i32
      %parallel_loop3A_49 = arith.constant 0 : i32
      %parallel_loop3A_50 = scf.for %parallel_loop3A_296 = %parallel_loop3A to %parallel_loop3A_47 step %parallel_loop3A_48 iter_args(%parallel_loop3A_297 = %parallel_loop3A_49) -> (i32)  : i32 {
        %parallel_loop3A_298 = arith.constant 16 : i32
        %parallel_loop3A_299 = arith.muli %parallel_loop3A_296, %parallel_loop3A_298 : i32
        %parallel_loop3A_300 = arith.index_cast %parallel_loop3A_299 : i32 to index
        %parallel_loop3A_301 = tpu.vector_load %arg21[%parallel_loop3A_300] {strides = array<i32>} : memref<8192xf32, #tpu.memory_space<vmem>>, vector<16xf32>,
        %parallel_loop3A_302 = vector.broadcast %squeeze3A_46 : f32 to vector<16xf32>
        %parallel_loop3A_303 = arith.cmpf ole, %parallel_loop3A_301, %parallel_loop3A_302 : vector<16xf32>
        %parallel_loop3A_304 = arith.constant 16 : i32
        %parallel_loop3A_305 = arith.muli %parallel_loop3A_296, %parallel_loop3A_304 : i32
        %parallel_loop3A_306 = vector.broadcast %parallel_loop3A_305 : i32 to vector<16xi32>
        %parallel_loop3A_307 = arith.addi %iota3A, %parallel_loop3A_306 : vector<16xi32>
        %parallel_loop3A_308 = arith.index_cast %parallel_loop3A_297 : i32 to index
        %parallel_loop3A_309 = tpu.vector_load %arg23[%parallel_loop3A_308] masked %parallel_loop3A_303 {strides = array<i32>} : memref<8224xf32, #tpu.memory_space<vmem>>, vector<16xf32>, vector<16xi1>
        tpu.vector_store %arg23[%parallel_loop3A_308], %parallel_loop3A_301 masked %parallel_loop3A_303 {strides = array<i32>} : memref<8224xf32, #tpu.memory_space<vmem>>, vector<16xf32>, vector<16xi1>
        %parallel_loop3A_310 = arith.index_cast %parallel_loop3A_297 : i32 to index
        %parallel_loop3A_311 = tpu.vector_load %arg24[%parallel_loop3A_310] masked %parallel_loop3A_303 {strides = array<i32>} : memref<8224xi32, #tpu.memory_space<vmem>>, vector<16xi32>, vector<16xi1>
        tpu.vector_store %arg24[%parallel_loop3A_310], %parallel_loop3A_307 masked %parallel_loop3A_303 {strides = array<i32>} : memref<8224xi32, #tpu.memory_space<vmem>>, vector<16xi32>, vector<16xi1>
        %parallel_loop3A_312 = tpu.all_reduce %parallel_loop3A_303 {dim = 0 : i64, kind = #tpu.reduction_kind<sum>} : vector<16xi1> -> vector<16xi32>
        %parallel_loop3A_313 = vector.extract_strided_slice %parallel_loop3A_312 {offsets = [0], sizes = [1], strides = [1]} : vector<16xi32> to vector<1xi32>
        %parallel_loop3A_314 = vector.extract %parallel_loop3A_313[0] : i32 from vector<1xi32>
        %parallel_loop3A_315 = arith.addi %parallel_loop3A_297, %parallel_loop3A_314 : i32
        scf.yield %parallel_loop3A_315 : i32
      } {sc.loop_unroll_factor = 8 : i64, sc.parallel_access}
      %swap3A = arith.index_cast %parallel_loop3A_50 : i32 to index
      %swap3A_51 = tpu.vector_load %arg23[%swap3A] {strides = array<i32>} : memref<8224xf32, #tpu.memory_space<vmem>>, vector<16xf32>,
      tpu.vector_store %arg23[%swap3A], %broadcast_in_dim3A_1 {strides = array<i32>} : memref<8224xf32, #tpu.memory_space<vmem>>, vector<16xf32>,
      %swap3A_52 = arith.index_cast %parallel_loop3A_50 : i32 to index
      %swap3A_53 = tpu.vector_load %arg24[%swap3A_52] {strides = array<i32>} : memref<8224xi32, #tpu.memory_space<vmem>>, vector<16xi32>,
      tpu.vector_store %arg24[%swap3A_52], %broadcast_in_dim3A_3 {strides = array<i32>} : memref<8224xi32, #tpu.memory_space<vmem>>, vector<16xi32>,
      %jit3A = arith.constant 16 : i32
      %div3A = arith.divsi %parallel_loop3A_50, %jit3A : i32
      %sign3A = arith.constant 0 : i32
      %sign3A_54 = arith.cmpi sgt, %parallel_loop3A_50, %sign3A : i32
      %sign3A_55 = arith.extui %sign3A_54 : i1 to i32
      %sign3A_56 = arith.constant 0 : i32
      %sign3A_57 = arith.cmpi slt, %parallel_loop3A_50, %sign3A_56 : i32
      %sign3A_58 = arith.extui %sign3A_57 : i1 to i32
      %sign3A_59 = arith.subi %sign3A_55, %sign3A_58 : i32
      %sign3A_60 = arith.constant 0 : i32
      %sign3A_61 = arith.cmpi sgt, %jit3A, %sign3A_60 : i32
      %sign3A_62 = arith.extui %sign3A_61 : i1 to i32
      %sign3A_63 = arith.constant 0 : i32
      %sign3A_64 = arith.cmpi slt, %jit3A, %sign3A_63 : i32
      %sign3A_65 = arith.extui %sign3A_64 : i1 to i32
      %sign3A_66 = arith.subi %sign3A_62, %sign3A_65 : i32
      %ne3A = arith.cmpi ne, %sign3A_59, %sign3A_66 : i32
      %rem3A = arith.remsi %parallel_loop3A_50, %jit3A : i32
      %ne3A_67 = arith.constant 0 : i32
      %ne3A_68 = arith.cmpi ne, %rem3A, %ne3A_67 : i32
      %and3A = arith.andi %ne3A, %ne3A_68 : i1
      %sub3A = arith.constant 1 : i32
      %sub3A_69 = arith.subi %div3A, %sub3A : i32
      %select_n3A = arith.select %and3A, %sub3A_69, %div3A : i32
      %add3A_70 = arith.constant 1 : i32
      %add3A_71 = arith.addi %select_n3A, %add3A_70 : i32
      %broadcast_in_dim3A_72 = arith.constant 0xFF800000 : f32
      %broadcast_in_dim3A_73 = vector.broadcast %broadcast_in_dim3A_72 : f32 to vector<16xf32>
      %broadcast_in_dim3A_74 = arith.constant -1 : i32
      %broadcast_in_dim3A_75 = vector.broadcast %broadcast_in_dim3A_74 : i32 to vector<16xi32>
      %broadcast_in_dim3A_76 = arith.constant 0 : i32
      %broadcast_in_dim3A_77 = vector.broadcast %broadcast_in_dim3A_76 : i32 to vector<16xi32>
      %scan3A_78 = arith.constant 0 : i32
      %scan3A_79 = arith.constant 32 : i32
      %scan3A_80 = arith.addi %scan3A_78, %scan3A_79 : i32
      %scan3A_81 = arith.constant 1 : i32
      %scan3A_82:3 = scf.for %scan3A_296 = %scan3A_78 to %scan3A_80 step %scan3A_81 iter_args(%scan3A_297 = %broadcast_in_dim3A_73, %scan3A_298 = %broadcast_in_dim3A_75, %scan3A_299 = %broadcast_in_dim3A_77) -> (vector<16xf32>, vector<16xi32>, vector<16xi32>)  : i32 {
        %while3A = arith.constant 0 : i32
        %while3A_300 = arith.subi %add3A_71, %while3A : i32
        %while3A_301 = arith.addi %while3A, %while3A_300 : i32
        %while3A_302 = arith.constant 1 : i32
        %while3A_303 = arith.divsi %while3A_300, %while3A_302 : i32
        %while3A_304 = arith.muli %while3A_303, %while3A_302 : i32
        %while3A_305 = arith.addi %while3A, %while3A_304 : i32
        %while3A_306 = arith.constant 1 : i32
        %while3A_307:2 = scf.for %while3A_480 = %while3A to %while3A_305 step %while3A_306 iter_args(%while3A_481 = %broadcast_in_dim3A_1, %while3A_482 = %broadcast_in_dim3A_3) -> (vector<16xf32>, vector<16xi32>)  : i32 {
          %mul3A_483 = arith.constant 16 : i32
          %mul3A_484 = arith.muli %while3A_480, %mul3A_483 : i32
          %get3A_485 = arith.index_cast %mul3A_484 : i32 to index
          %get3A_486 = tpu.vector_load %arg23[%get3A_485] {strides = array<i32>} : memref<8224xf32, #tpu.memory_space<vmem>>, vector<16xf32>,
          %mul3A_487 = arith.constant 16 : i32
          %mul3A_488 = arith.muli %while3A_480, %mul3A_487 : i32
          %get3A_489 = arith.index_cast %mul3A_488 : i32 to index
          %get3A_490 = tpu.vector_load %arg24[%get3A_489] {strides = array<i32>} : memref<8224xi32, #tpu.memory_space<vmem>>, vector<16xi32>,
          %gt3A = arith.cmpf ogt, %get3A_486, %scan3A_297 : vector<16xf32>
          %eq3A_491 = arith.cmpf oeq, %get3A_486, %scan3A_297 : vector<16xf32>
          %gt3A_492 = arith.cmpi sgt, %get3A_490, %scan3A_298 : vector<16xi32>
          %and3A_493 = arith.andi %eq3A_491, %gt3A_492 : vector<16xi1>
          %or3A_494 = arith.ori %gt3A, %and3A_493 : vector<16xi1>
          %select_n3A_495 = arith.select %or3A_494, %get3A_486, %broadcast_in_dim3A_1 : vector<16xi1>, vector<16xf32>
          %select_n3A_496 = arith.select %or3A_494, %get3A_490, %broadcast_in_dim3A_3 : vector<16xi1>, vector<16xi32>
          %lt3A_497 = arith.cmpf olt, %select_n3A_495, %while3A_481 : vector<16xf32>
          %eq3A_498 = arith.cmpf oeq, %select_n3A_495, %while3A_481 : vector<16xf32>
          %lt3A_499 = arith.cmpi slt, %select_n3A_496, %while3A_482 : vector<16xi32>
          %and3A_500 = arith.andi %eq3A_498, %lt3A_499 : vector<16xi1>
          %or3A_501 = arith.ori %lt3A_497, %and3A_500 : vector<16xi1>
          %select_n3A_502 = arith.select %or3A_501, %select_n3A_495, %while3A_481 : vector<16xi1>, vector<16xf32>
          %select_n3A_503 = arith.select %or3A_501, %select_n3A_496, %while3A_482 : vector<16xi1>, vector<16xi32>
          scf.yield %select_n3A_502, %select_n3A_503 : vector<16xf32>, vector<16xi32>
        }
        %while3A_308 = arith.constant 1 : i32
        %while3A_309:2 = scf.for %while3A_480 = %while3A_305 to %while3A_301 step %while3A_308 iter_args(%while3A_481 = %while3A_307#0, %while3A_482 = %while3A_307#1) -> (vector<16xf32>, vector<16xi32>)  : i32 {
          %mul3A_483 = arith.constant 16 : i32
          %mul3A_484 = arith.muli %while3A_480, %mul3A_483 : i32
          %get3A_485 = arith.index_cast %mul3A_484 : i32 to index
          %get3A_486 = tpu.vector_load %arg23[%get3A_485] {strides = array<i32>} : memref<8224xf32, #tpu.memory_space<vmem>>, vector<16xf32>,
          %mul3A_487 = arith.constant 16 : i32
          %mul3A_488 = arith.muli %while3A_480, %mul3A_487 : i32
          %get3A_489 = arith.index_cast %mul3A_488 : i32 to index
          %get3A_490 = tpu.vector_load %arg24[%get3A_489] {strides = array<i32>} : memref<8224xi32, #tpu.memory_space<vmem>>, vector<16xi32>,
          %gt3A = arith.cmpf ogt, %get3A_486, %scan3A_297 : vector<16xf32>
          %eq3A_491 = arith.cmpf oeq, %get3A_486, %scan3A_297 : vector<16xf32>
          %gt3A_492 = arith.cmpi sgt, %get3A_490, %scan3A_298 : vector<16xi32>
          %and3A_493 = arith.andi %eq3A_491, %gt3A_492 : vector<16xi1>
          %or3A_494 = arith.ori %gt3A, %and3A_493 : vector<16xi1>
          %select_n3A_495 = arith.select %or3A_494, %get3A_486, %broadcast_in_dim3A_1 : vector<16xi1>, vector<16xf32>
          %select_n3A_496 = arith.select %or3A_494, %get3A_490, %broadcast_in_dim3A_3 : vector<16xi1>, vector<16xi32>
          %lt3A_497 = arith.cmpf olt, %select_n3A_495, %while3A_481 : vector<16xf32>
          %eq3A_498 = arith.cmpf oeq, %select_n3A_495, %while3A_481 : vector<16xf32>
          %lt3A_499 = arith.cmpi slt, %select_n3A_496, %while3A_482 : vector<16xi32>
          %and3A_500 = arith.andi %eq3A_498, %lt3A_499 : vector<16xi1>
          %or3A_501 = arith.ori %lt3A_497, %and3A_500 : vector<16xi1>
          %select_n3A_502 = arith.select %or3A_501, %select_n3A_495, %while3A_481 : vector<16xi1>, vector<16xf32>
          %select_n3A_503 = arith.select %or3A_501, %select_n3A_496, %while3A_482 : vector<16xi1>, vector<16xi32>
          scf.yield %select_n3A_502, %select_n3A_503 : vector<16xf32>, vector<16xi32>
        }
        %add3A_310 = arith.constant 8 : i32
        %add3A_311 = vector.broadcast %add3A_310 : i32 to vector<16xi32>
        %add3A_312 = arith.addi %iota3A, %add3A_311 : vector<16xi32>
        %and3A_313 = arith.constant 15 : i32
        %and3A_314 = vector.broadcast %and3A_313 : i32 to vector<16xi32>
        %and3A_315 = arith.andi %add3A_312, %and3A_314 : vector<16xi32>
        %lt3A_316 = arith.constant 0 : i32
        %lt3A_317 = vector.broadcast %lt3A_316 : i32 to vector<16xi32>
        %lt3A_318 = arith.cmpi slt, %and3A_315, %lt3A_317 : vector<16xi32>
        %add3A_319 = arith.constant 16 : i32
        %add3A_320 = vector.broadcast %add3A_319 : i32 to vector<16xi32>
        %add3A_321 = arith.addi %and3A_315, %add3A_320 : vector<16xi32>
        %select_n3A_322 = arith.select %lt3A_318, %add3A_321, %and3A_315 : vector<16xi1>, vector<16xi32>
        %broadcast_in_dim3A_323 = vector.shape_cast %select_n3A_322 : vector<16xi32> to vector<16x1xi32>
        %gather3A_324 = vector.shape_cast %broadcast_in_dim3A_323 : vector<16x1xi32> to vector<16xi32>
        %gather3A_325 = tpu.dynamic_gather %while3A_309#0[%gather3A_324] in [0] : vector<16xf32>, vector<16xi32> -> vector<16xf32>
        %lt3A_326 = arith.constant 0 : i32
        %lt3A_327 = vector.broadcast %lt3A_326 : i32 to vector<16xi32>
        %lt3A_328 = arith.cmpi slt, %and3A_315, %lt3A_327 : vector<16xi32>
        %add3A_329 = arith.constant 16 : i32
        %add3A_330 = vector.broadcast %add3A_329 : i32 to vector<16xi32>
        %add3A_331 = arith.addi %and3A_315, %add3A_330 : vector<16xi32>
        %select_n3A_332 = arith.select %lt3A_328, %add3A_331, %and3A_315 : vector<16xi1>, vector<16xi32>
        %broadcast_in_dim3A_333 = vector.shape_cast %select_n3A_332 : vector<16xi32> to vector<16x1xi32>
        %gather3A_334 = vector.shape_cast %broadcast_in_dim3A_333 : vector<16x1xi32> to vector<16xi32>
        %gather3A_335 = tpu.dynamic_gather %while3A_309#1[%gather3A_334] in [0] : vector<16xi32>, vector<16xi32> -> vector<16xi32>
        %lt3A_336 = arith.cmpf olt, %gather3A_325, %while3A_309#0 : vector<16xf32>
        %eq3A = arith.cmpf oeq, %gather3A_325, %while3A_309#0 : vector<16xf32>
        %lt3A_337 = arith.cmpi slt, %gather3A_335, %while3A_309#1 : vector<16xi32>
        %and3A_338 = arith.andi %eq3A, %lt3A_337 : vector<16xi1>
        %or3A = arith.ori %lt3A_336, %and3A_338 : vector<16xi1>
        %select_n3A_339 = arith.select %or3A, %gather3A_325, %while3A_309#0 : vector<16xi1>, vector<16xf32>
        %select_n3A_340 = arith.select %or3A, %gather3A_335, %while3A_309#1 : vector<16xi1>, vector<16xi32>
        %add3A_341 = arith.constant 4 : i32
        %add3A_342 = vector.broadcast %add3A_341 : i32 to vector<16xi32>
        %add3A_343 = arith.addi %iota3A, %add3A_342 : vector<16xi32>
        %and3A_344 = arith.constant 15 : i32
        %and3A_345 = vector.broadcast %and3A_344 : i32 to vector<16xi32>
        %and3A_346 = arith.andi %add3A_343, %and3A_345 : vector<16xi32>
        %lt3A_347 = arith.constant 0 : i32
        %lt3A_348 = vector.broadcast %lt3A_347 : i32 to vector<16xi32>
        %lt3A_349 = arith.cmpi slt, %and3A_346, %lt3A_348 : vector<16xi32>
        %add3A_350 = arith.constant 16 : i32
        %add3A_351 = vector.broadcast %add3A_350 : i32 to vector<16xi32>
        %add3A_352 = arith.addi %and3A_346, %add3A_351 : vector<16xi32>
        %select_n3A_353 = arith.select %lt3A_349, %add3A_352, %and3A_346 : vector<16xi1>, vector<16xi32>
        %broadcast_in_dim3A_354 = vector.shape_cast %select_n3A_353 : vector<16xi32> to vector<16x1xi32>
        %gather3A_355 = vector.shape_cast %broadcast_in_dim3A_354 : vector<16x1xi32> to vector<16xi32>
        %gather3A_356 = tpu.dynamic_gather %select_n3A_339[%gather3A_355] in [0] : vector<16xf32>, vector<16xi32> -> vector<16xf32>
        %lt3A_357 = arith.constant 0 : i32
        %lt3A_358 = vector.broadcast %lt3A_357 : i32 to vector<16xi32>
        %lt3A_359 = arith.cmpi slt, %and3A_346, %lt3A_358 : vector<16xi32>
        %add3A_360 = arith.constant 16 : i32
        %add3A_361 = vector.broadcast %add3A_360 : i32 to vector<16xi32>
        %add3A_362 = arith.addi %and3A_346, %add3A_361 : vector<16xi32>
        %select_n3A_363 = arith.select %lt3A_359, %add3A_362, %and3A_346 : vector<16xi1>, vector<16xi32>
        %broadcast_in_dim3A_364 = vector.shape_cast %select_n3A_363 : vector<16xi32> to vector<16x1xi32>
        %gather3A_365 = vector.shape_cast %broadcast_in_dim3A_364 : vector<16x1xi32> to vector<16xi32>
        %gather3A_366 = tpu.dynamic_gather %select_n3A_340[%gather3A_365] in [0] : vector<16xi32>, vector<16xi32> -> vector<16xi32>
        %lt3A_367 = arith.cmpf olt, %gather3A_356, %select_n3A_339 : vector<16xf32>
        %eq3A_368 = arith.cmpf oeq, %gather3A_356, %select_n3A_339 : vector<16xf32>
        %lt3A_369 = arith.cmpi slt, %gather3A_366, %select_n3A_340 : vector<16xi32>
        %and3A_370 = arith.andi %eq3A_368, %lt3A_369 : vector<16xi1>
        %or3A_371 = arith.ori %lt3A_367, %and3A_370 : vector<16xi1>
        %select_n3A_372 = arith.select %or3A_371, %gather3A_356, %select_n3A_339 : vector<16xi1>, vector<16xf32>
        %select_n3A_373 = arith.select %or3A_371, %gather3A_366, %select_n3A_340 : vector<16xi1>, vector<16xi32>
        %add3A_374 = arith.constant 2 : i32
        %add3A_375 = vector.broadcast %add3A_374 : i32 to vector<16xi32>
        %add3A_376 = arith.addi %iota3A, %add3A_375 : vector<16xi32>
        %and3A_377 = arith.constant 15 : i32
        %and3A_378 = vector.broadcast %and3A_377 : i32 to vector<16xi32>
        %and3A_379 = arith.andi %add3A_376, %and3A_378 : vector<16xi32>
        %lt3A_380 = arith.constant 0 : i32
        %lt3A_381 = vector.broadcast %lt3A_380 : i32 to vector<16xi32>
        %lt3A_382 = arith.cmpi slt, %and3A_379, %lt3A_381 : vector<16xi32>
        %add3A_383 = arith.constant 16 : i32
        %add3A_384 = vector.broadcast %add3A_383 : i32 to vector<16xi32>
        %add3A_385 = arith.addi %and3A_379, %add3A_384 : vector<16xi32>
        %select_n3A_386 = arith.select %lt3A_382, %add3A_385, %and3A_379 : vector<16xi1>, vector<16xi32>
        %broadcast_in_dim3A_387 = vector.shape_cast %select_n3A_386 : vector<16xi32> to vector<16x1xi32>
        %gather3A_388 = vector.shape_cast %broadcast_in_dim3A_387 : vector<16x1xi32> to vector<16xi32>
        %gather3A_389 = tpu.dynamic_gather %select_n3A_372[%gather3A_388] in [0] : vector<16xf32>, vector<16xi32> -> vector<16xf32>
        %lt3A_390 = arith.constant 0 : i32
        %lt3A_391 = vector.broadcast %lt3A_390 : i32 to vector<16xi32>
        %lt3A_392 = arith.cmpi slt, %and3A_379, %lt3A_391 : vector<16xi32>
        %add3A_393 = arith.constant 16 : i32
        %add3A_394 = vector.broadcast %add3A_393 : i32 to vector<16xi32>
        %add3A_395 = arith.addi %and3A_379, %add3A_394 : vector<16xi32>
        %select_n3A_396 = arith.select %lt3A_392, %add3A_395, %and3A_379 : vector<16xi1>, vector<16xi32>
        %broadcast_in_dim3A_397 = vector.shape_cast %select_n3A_396 : vector<16xi32> to vector<16x1xi32>
        %gather3A_398 = vector.shape_cast %broadcast_in_dim3A_397 : vector<16x1xi32> to vector<16xi32>
        %gather3A_399 = tpu.dynamic_gather %select_n3A_373[%gather3A_398] in [0] : vector<16xi32>, vector<16xi32> -> vector<16xi32>
        %lt3A_400 = arith.cmpf olt, %gather3A_389, %select_n3A_372 : vector<16xf32>
        %eq3A_401 = arith.cmpf oeq, %gather3A_389, %select_n3A_372 : vector<16xf32>
        %lt3A_402 = arith.cmpi slt, %gather3A_399, %select_n3A_373 : vector<16xi32>
        %and3A_403 = arith.andi %eq3A_401, %lt3A_402 : vector<16xi1>
        %or3A_404 = arith.ori %lt3A_400, %and3A_403 : vector<16xi1>
        %select_n3A_405 = arith.select %or3A_404, %gather3A_389, %select_n3A_372 : vector<16xi1>, vector<16xf32>
        %select_n3A_406 = arith.select %or3A_404, %gather3A_399, %select_n3A_373 : vector<16xi1>, vector<16xi32>
        %add3A_407 = arith.constant 1 : i32
        %add3A_408 = vector.broadcast %add3A_407 : i32 to vector<16xi32>
        %add3A_409 = arith.addi %iota3A, %add3A_408 : vector<16xi32>
        %and3A_410 = arith.constant 15 : i32
        %and3A_411 = vector.broadcast %and3A_410 : i32 to vector<16xi32>
        %and3A_412 = arith.andi %add3A_409, %and3A_411 : vector<16xi32>
        %lt3A_413 = arith.constant 0 : i32
        %lt3A_414 = vector.broadcast %lt3A_413 : i32 to vector<16xi32>
        %lt3A_415 = arith.cmpi slt, %and3A_412, %lt3A_414 : vector<16xi32>
        %add3A_416 = arith.constant 16 : i32
        %add3A_417 = vector.broadcast %add3A_416 : i32 to vector<16xi32>
        %add3A_418 = arith.addi %and3A_412, %add3A_417 : vector<16xi32>
        %select_n3A_419 = arith.select %lt3A_415, %add3A_418, %and3A_412 : vector<16xi1>, vector<16xi32>
        %broadcast_in_dim3A_420 = vector.shape_cast %select_n3A_419 : vector<16xi32> to vector<16x1xi32>
        %gather3A_421 = vector.shape_cast %broadcast_in_dim3A_420 : vector<16x1xi32> to vector<16xi32>
        %gather3A_422 = tpu.dynamic_gather %select_n3A_405[%gather3A_421] in [0] : vector<16xf32>, vector<16xi32> -> vector<16xf32>
        %lt3A_423 = arith.constant 0 : i32
        %lt3A_424 = vector.broadcast %lt3A_423 : i32 to vector<16xi32>
        %lt3A_425 = arith.cmpi slt, %and3A_412, %lt3A_424 : vector<16xi32>
        %add3A_426 = arith.constant 16 : i32
        %add3A_427 = vector.broadcast %add3A_426 : i32 to vector<16xi32>
        %add3A_428 = arith.addi %and3A_412, %add3A_427 : vector<16xi32>
        %select_n3A_429 = arith.select %lt3A_425, %add3A_428, %and3A_412 : vector<16xi1>, vector<16xi32>
        %broadcast_in_dim3A_430 = vector.shape_cast %select_n3A_429 : vector<16xi32> to vector<16x1xi32>
        %gather3A_431 = vector.shape_cast %broadcast_in_dim3A_430 : vector<16x1xi32> to vector<16xi32>
        %gather3A_432 = tpu.dynamic_gather %select_n3A_406[%gather3A_431] in [0] : vector<16xi32>, vector<16xi32> -> vector<16xi32>
        %lt3A_433 = arith.cmpf olt, %gather3A_422, %select_n3A_405 : vector<16xf32>
        %eq3A_434 = arith.cmpf oeq, %gather3A_422, %select_n3A_405 : vector<16xf32>
        %lt3A_435 = arith.cmpi slt, %gather3A_432, %select_n3A_406 : vector<16xi32>
        %and3A_436 = arith.andi %eq3A_434, %lt3A_435 : vector<16xi1>
        %or3A_437 = arith.ori %lt3A_433, %and3A_436 : vector<16xi1>
        %select_n3A_438 = arith.select %or3A_437, %gather3A_422, %select_n3A_405 : vector<16xi1>, vector<16xf32>
        %select_n3A_439 = arith.select %or3A_437, %gather3A_432, %select_n3A_406 : vector<16xi1>, vector<16xi32>
        %jit3A_440 = arith.constant 16 : i32
        %eq3A_441 = arith.constant 0 : i32
        %eq3A_442 = arith.cmpi eq, %jit3A_440, %eq3A_441 : i32
        %jit3A_443 = arith.constant 1 : i32
        %select_n3A_444 = arith.select %eq3A_442, %jit3A_443, %jit3A_440 : i32
        %rem3A_445 = arith.remsi %scan3A_296, %select_n3A_444 : i32
        %ne3A_446 = arith.constant 0 : i32
        %ne3A_447 = arith.cmpi ne, %rem3A_445, %ne3A_446 : i32
        %lt3A_448 = arith.constant 0 : i32
        %lt3A_449 = arith.cmpi slt, %rem3A_445, %lt3A_448 : i32
        %lt3A_450 = arith.constant 0 : i32
        %lt3A_451 = arith.cmpi slt, %select_n3A_444, %lt3A_450 : i32
        %ne3A_452 = arith.xori %lt3A_449, %lt3A_451 : i1
        %and3A_453 = arith.andi %ne3A_452, %ne3A_447 : i1
        %add3A_454 = arith.addi %rem3A_445, %select_n3A_444 : i32
        %select_n3A_455 = arith.select %and3A_453, %add3A_454, %rem3A_445 : i32
        %eq3A_456 = vector.broadcast %select_n3A_455 : i32 to vector<16xi32>
        %eq3A_457 = arith.cmpi eq, %iota3A, %eq3A_456 : vector<16xi32>
        %select_n3A_458 = arith.select %eq3A_457, %select_n3A_439, %scan3A_299 : vector<16xi1>, vector<16xi32>
        %jit3A_459 = arith.constant 16 : i32
        %eq3A_460 = arith.constant 0 : i32
        %eq3A_461 = arith.cmpi eq, %jit3A_459, %eq3A_460 : i32
        %jit3A_462 = arith.constant 1 : i32
        %select_n3A_463 = arith.select %eq3A_461, %jit3A_462, %jit3A_459 : i32
        %rem3A_464 = arith.remsi %scan3A_296, %select_n3A_463 : i32
        %ne3A_465 = arith.constant 0 : i32
        %ne3A_466 = arith.cmpi ne, %rem3A_464, %ne3A_465 : i32
        %lt3A_467 = arith.constant 0 : i32
        %lt3A_468 = arith.cmpi slt, %rem3A_464, %lt3A_467 : i32
        %lt3A_469 = arith.constant 0 : i32
        %lt3A_470 = arith.cmpi slt, %select_n3A_463, %lt3A_469 : i32
        %ne3A_471 = arith.xori %lt3A_468, %lt3A_470 : i1
        %and3A_472 = arith.andi %ne3A_471, %ne3A_466 : i1
        %add3A_473 = arith.addi %rem3A_464, %select_n3A_463 : i32
        %select_n3A_474 = arith.select %and3A_472, %add3A_473, %rem3A_464 : i32
        %eq3A_475 = arith.constant 15 : i32
        %eq3A_476 = arith.cmpi eq, %select_n3A_474, %eq3A_475 : i32
        %convert_element_type3A_477 = arith.extui %eq3A_476 : i1 to i32
        %cond3A_478 = arith.constant 0 : i32
        %cond3A_479 = arith.cmpi ne, %convert_element_type3A_477, %cond3A_478 : i32
        scf.if %cond3A_479 {
          %mul3A_480 = arith.constant 32 : i32
          %mul3A_481 = arith.muli %mul3A_26, %mul3A_480 : i32
          %jit3A_482 = arith.constant 16 : i32
          %div3A_483 = arith.divsi %scan3A_296, %jit3A_482 : i32
          %sign3A_484 = arith.constant 0 : i32
          %sign3A_485 = arith.cmpi sgt, %scan3A_296, %sign3A_484 : i32
          %sign3A_486 = arith.extui %sign3A_485 : i1 to i32
          %sign3A_487 = arith.constant 0 : i32
          %sign3A_488 = arith.cmpi slt, %scan3A_296, %sign3A_487 : i32
          %sign3A_489 = arith.extui %sign3A_488 : i1 to i32
          %sign3A_490 = arith.subi %sign3A_486, %sign3A_489 : i32
          %sign3A_491 = arith.constant 0 : i32
          %sign3A_492 = arith.cmpi sgt, %jit3A_482, %sign3A_491 : i32
          %sign3A_493 = arith.extui %sign3A_492 : i1 to i32
          %sign3A_494 = arith.constant 0 : i32
          %sign3A_495 = arith.cmpi slt, %jit3A_482, %sign3A_494 : i32
          %sign3A_496 = arith.extui %sign3A_495 : i1 to i32
          %sign3A_497 = arith.subi %sign3A_493, %sign3A_496 : i32
          %ne3A_498 = arith.cmpi ne, %sign3A_490, %sign3A_497 : i32
          %rem3A_499 = arith.remsi %scan3A_296, %jit3A_482 : i32
          %ne3A_500 = arith.constant 0 : i32
          %ne3A_501 = arith.cmpi ne, %rem3A_499, %ne3A_500 : i32
          %and3A_502 = arith.andi %ne3A_498, %ne3A_501 : i1
          %sub3A_503 = arith.constant 1 : i32
          %sub3A_504 = arith.subi %div3A_483, %sub3A_503 : i32
          %select_n3A_505 = arith.select %and3A_502, %sub3A_504, %div3A_483 : i32
          %mul3A_506 = arith.constant 16 : i32
          %mul3A_507 = arith.muli %select_n3A_505, %mul3A_506 : i32
          %add3A_508 = arith.addi %mul3A_481, %mul3A_507 : i32
          %swap3A_509 = arith.index_cast %add3A_508 : i32 to index
          %swap3A_510 = tpu.vector_load %arg25[%swap3A_509] {strides = array<i32>} : memref<4096xi32, #tpu.memory_space<vmem>>, vector<16xi32>,
          tpu.vector_store %arg25[%swap3A_509], %select_n3A_458 {strides = array<i32>} : memref<4096xi32, #tpu.memory_space<vmem>>, vector<16xi32>,
        } else {
        }
        scf.yield %select_n3A_438, %select_n3A_439, %select_n3A_458 : vector<16xf32>, vector<16xi32>, vector<16xi32>
      }
      %scan3A_83 = arith.constant 32 : i32
      %mul3A_84 = arith.constant 32 : i32
      %mul3A_85 = arith.muli %mul3A_26, %mul3A_84 : i32
      %add3A_86 = arith.constant 0 : i32
      %add3A_87 = arith.addi %mul3A_85, %add3A_86 : i32
      %get3A_88 = arith.index_cast %add3A_87 : i32 to index
      %get3A_89 = tpu.vector_load %arg25[%get3A_88] {strides = array<i32>} : memref<4096xi32, #tpu.memory_space<vmem>>, vector<16xi32>,
      %gather3A = tpu.vector_load_idx %arg14[%get3A_89] : memref<8192xf32, #tpu.memory_space<vmem>>[vector<16xi32>], vector<16xf32>,
      %gather3A_90 = tpu.vector_load_idx %arg15[%get3A_89] : memref<8192xf32, #tpu.memory_space<vmem>>[vector<16xi32>], vector<16xf32>,
      %gather3A_91 = tpu.vector_load_idx %arg16[%get3A_89] : memref<8192xf32, #tpu.memory_space<vmem>>[vector<16xi32>], vector<16xf32>,
      %sub3A_92 = vector.broadcast %squeeze3A : f32 to vector<16xf32>
      %sub3A_93 = arith.subf %gather3A, %sub3A_92 : vector<16xf32>
      %mul3A_94 = arith.constant 32 : i32
      %mul3A_95 = arith.muli %mul3A_26, %mul3A_94 : i32
      %add3A_96 = arith.constant 0 : i32
      %add3A_97 = arith.addi %mul3A_95, %add3A_96 : i32
      %swap3A_98 = arith.index_cast %add3A_97 : i32 to index
      %swap3A_99 = tpu.vector_load %arg26[%swap3A_98] {strides = array<i32>} : memref<4096xf32, #tpu.memory_space<vmem>>, vector<16xf32>,
      tpu.vector_store %arg26[%swap3A_98], %sub3A_93 {strides = array<i32>} : memref<4096xf32, #tpu.memory_space<vmem>>, vector<16xf32>,
      %sub3A_100 = vector.broadcast %squeeze3A_38 : f32 to vector<16xf32>
      %sub3A_101 = arith.subf %gather3A_90, %sub3A_100 : vector<16xf32>
      %mul3A_102 = arith.constant 32 : i32
      %mul3A_103 = arith.muli %mul3A_26, %mul3A_102 : i32
      %add3A_104 = arith.constant 0 : i32
      %add3A_105 = arith.addi %mul3A_103, %add3A_104 : i32
      %swap3A_106 = arith.index_cast %add3A_105 : i32 to index
      %swap3A_107 = tpu.vector_load %arg27[%swap3A_106] {strides = array<i32>} : memref<4096xf32, #tpu.memory_space<vmem>>, vector<16xf32>,
      tpu.vector_store %arg27[%swap3A_106], %sub3A_101 {strides = array<i32>} : memref<4096xf32, #tpu.memory_space<vmem>>, vector<16xf32>,
      %sub3A_108 = vector.broadcast %squeeze3A_42 : f32 to vector<16xf32>
      %sub3A_109 = arith.subf %gather3A_91, %sub3A_108 : vector<16xf32>
      %mul3A_110 = arith.constant 32 : i32
      %mul3A_111 = arith.muli %mul3A_26, %mul3A_110 : i32
      %add3A_112 = arith.constant 0 : i32
      %add3A_113 = arith.addi %mul3A_111, %add3A_112 : i32
      %swap3A_114 = arith.index_cast %add3A_113 : i32 to index
      %swap3A_115 = tpu.vector_load %arg28[%swap3A_114] {strides = array<i32>} : memref<4096xf32, #tpu.memory_space<vmem>>, vector<16xf32>,
      tpu.vector_store %arg28[%swap3A_114], %sub3A_109 {strides = array<i32>} : memref<4096xf32, #tpu.memory_space<vmem>>, vector<16xf32>,
      %mul3A_116 = arith.constant 32 : i32
      %mul3A_117 = arith.muli %mul3A_26, %mul3A_116 : i32
      %add3A_118 = arith.constant 16 : i32
      %add3A_119 = arith.addi %mul3A_117, %add3A_118 : i32
      %get3A_120 = arith.index_cast %add3A_119 : i32 to index
      %get3A_121 = tpu.vector_load %arg25[%get3A_120] {strides = array<i32>} : memref<4096xi32, #tpu.memory_space<vmem>>, vector<16xi32>,
      %gather3A_122 = tpu.vector_load_idx %arg14[%get3A_121] : memref<8192xf32, #tpu.memory_space<vmem>>[vector<16xi32>], vector<16xf32>,
      %gather3A_123 = tpu.vector_load_idx %arg15[%get3A_121] : memref<8192xf32, #tpu.memory_space<vmem>>[vector<16xi32>], vector<16xf32>,
      %gather3A_124 = tpu.vector_load_idx %arg16[%get3A_121] : memref<8192xf32, #tpu.memory_space<vmem>>[vector<16xi32>], vector<16xf32>,
      %sub3A_125 = vector.broadcast %squeeze3A : f32 to vector<16xf32>
      %sub3A_126 = arith.subf %gather3A_122, %sub3A_125 : vector<16xf32>
      %mul3A_127 = arith.constant 32 : i32
      %mul3A_128 = arith.muli %mul3A_26, %mul3A_127 : i32
      %add3A_129 = arith.constant 16 : i32
      %add3A_130 = arith.addi %mul3A_128, %add3A_129 : i32
      %swap3A_131 = arith.index_cast %add3A_130 : i32 to index
      %swap3A_132 = tpu.vector_load %arg26[%swap3A_131] {strides = array<i32>} : memref<4096xf32, #tpu.memory_space<vmem>>, vector<16xf32>,
      tpu.vector_store %arg26[%swap3A_131], %sub3A_126 {strides = array<i32>} : memref<4096xf32, #tpu.memory_space<vmem>>, vector<16xf32>,
      %sub3A_133 = vector.broadcast %squeeze3A_38 : f32 to vector<16xf32>
      %sub3A_134 = arith.subf %gather3A_123, %sub3A_133 : vector<16xf32>
      %mul3A_135 = arith.constant 32 : i32
      %mul3A_136 = arith.muli %mul3A_26, %mul3A_135 : i32
      %add3A_137 = arith.constant 16 : i32
      %add3A_138 = arith.addi %mul3A_136, %add3A_137 : i32
      %swap3A_139 = arith.index_cast %add3A_138 : i32 to index
      %swap3A_140 = tpu.vector_load %arg27[%swap3A_139] {strides = array<i32>} : memref<4096xf32, #tpu.memory_space<vmem>>, vector<16xf32>,
      tpu.vector_store %arg27[%swap3A_139], %sub3A_134 {strides = array<i32>} : memref<4096xf32, #tpu.memory_space<vmem>>, vector<16xf32>,
      %sub3A_141 = vector.broadcast %squeeze3A_42 : f32 to vector<16xf32>
      %sub3A_142 = arith.subf %gather3A_124, %sub3A_141 : vector<16xf32>
      %mul3A_143 = arith.constant 32 : i32
      %mul3A_144 = arith.muli %mul3A_26, %mul3A_143 : i32
      %add3A_145 = arith.constant 16 : i32
      %add3A_146 = arith.addi %mul3A_144, %add3A_145 : i32
      %swap3A_147 = arith.index_cast %add3A_146 : i32 to index
      %swap3A_148 = tpu.vector_load %arg28[%swap3A_147] {strides = array<i32>} : memref<4096xf32, #tpu.memory_space<vmem>>, vector<16xf32>,
      tpu.vector_store %arg28[%swap3A_147], %sub3A_142 {strides = array<i32>} : memref<4096xf32, #tpu.memory_space<vmem>>, vector<16xf32>,
      %add3A_149 = arith.constant 2 : i32
      %add3A_150 = arith.addi %mul3A_26, %add3A_149 : i32
      %lt3A = arith.constant 128 : i32
      %lt3A_151 = arith.cmpi slt, %add3A_150, %lt3A : i32
      %convert_element_type3A = arith.extui %lt3A_151 : i1 to i32
      %cond3A = arith.constant 0 : i32
      %cond3A_152 = arith.cmpi ne, %convert_element_type3A, %cond3A : i32
      scf.if %cond3A_152 {
        %add3A_296 = arith.constant 2 : i32
        %add3A_297 = arith.addi %mul3A_26, %add3A_296 : i32
        %dma_start3A_298 = arith.constant 0 : i32
        %dma_start3A_299 = tpu.memref_slice %arg2[%add3A, %add3A_297, %dma_start3A_298] : memref<32x128x8192xf32, #tpu.memory_space<hbm>> -> memref<1x1x8192xf32, #tpu.memory_space<hbm>>
        %dma_start3A_300 = tpu.memref_squeeze %dma_start3A_299 : memref<1x1x8192xf32, #tpu.memory_space<hbm>> -> memref<8192xf32, #tpu.memory_space<hbm>>
        %dma_start3A_301 = arith.constant 0 : i32
        %dma_start3A_302 = tpu.memref_slice %arg2[%add3A, %add3A_297, %dma_start3A_301] : memref<32x128x8192xf32, #tpu.memory_space<hbm>> -> memref<1x1x8192xf32, #tpu.memory_space<hbm>>
        %dma_start3A_303 = tpu.memref_squeeze %dma_start3A_302 : memref<1x1x8192xf32, #tpu.memory_space<hbm>> -> memref<8192xf32, #tpu.memory_space<hbm>>
        tpu.enqueue_dma source(%dma_start3A_303 : memref<8192xf32, #tpu.memory_space<hbm>>) target(%arg21 : memref<8192xf32, #tpu.memory_space<vmem>>) target_semaphore(%arg29 : memref<!tpu.dma_semaphore, #tpu.memory_space<semaphore_mem>>)
      } else {
      }
      %dma_wait3A_153 = arith.constant 0 : i32
      %dma_wait3A_154 = tpu.memref_slice %arg2[%add3A, %add3A_28, %dma_wait3A_153] : memref<32x128x8192xf32, #tpu.memory_space<hbm>> -> memref<1x1x8192xf32, #tpu.memory_space<hbm>>
      %dma_wait3A_155 = tpu.memref_squeeze %dma_wait3A_154 : memref<1x1x8192xf32, #tpu.memory_space<hbm>> -> memref<8192xf32, #tpu.memory_space<hbm>>
      %dma_wait3A_156 = arith.constant 0 : i32
      %dma_wait3A_157 = tpu.memref_slice %arg2[%add3A, %add3A_28, %dma_wait3A_156] : memref<32x128x8192xf32, #tpu.memory_space<hbm>> -> memref<1x1x8192xf32, #tpu.memory_space<hbm>>
      %dma_wait3A_158 = tpu.memref_squeeze %dma_wait3A_157 : memref<1x1x8192xf32, #tpu.memory_space<hbm>> -> memref<8192xf32, #tpu.memory_space<hbm>>
      tpu.wait_dma2 semaphore(%arg30 : memref<!tpu.dma_semaphore, #tpu.memory_space<semaphore_mem>>) src(%dma_wait3A_158 : memref<8192xf32, #tpu.memory_space<hbm>>) dst(%arg22 : memref<8192xf32, #tpu.memory_space<vmem>>)
      %get3A_159 = arith.index_cast %add3A_28 : i32 to index
      %get3A_160 = tpu.vector_load %arg17[%get3A_159] {strides = array<i32>} : memref<144xf32, #tpu.memory_space<vmem>>, vector<16xf32>,
      %slice3A_161 = vector.extract_strided_slice %get3A_160 {offsets = [0], sizes = [1], strides = [1]} : vector<16xf32> to vector<1xf32>
      %squeeze3A_162 = vector.extract %slice3A_161[0] : f32 from vector<1xf32>
      %get3A_163 = arith.index_cast %add3A_28 : i32 to index
      %get3A_164 = tpu.vector_load %arg18[%get3A_163] {strides = array<i32>} : memref<144xf32, #tpu.memory_space<vmem>>, vector<16xf32>,
      %slice3A_165 = vector.extract_strided_slice %get3A_164 {offsets = [0], sizes = [1], strides = [1]} : vector<16xf32> to vector<1xf32>
      %squeeze3A_166 = vector.extract %slice3A_165[0] : f32 from vector<1xf32>
      %get3A_167 = arith.index_cast %add3A_28 : i32 to index
      %get3A_168 = tpu.vector_load %arg19[%get3A_167] {strides = array<i32>} : memref<144xf32, #tpu.memory_space<vmem>>, vector<16xf32>,
      %slice3A_169 = vector.extract_strided_slice %get3A_168 {offsets = [0], sizes = [1], strides = [1]} : vector<16xf32> to vector<1xf32>
      %squeeze3A_170 = vector.extract %slice3A_169[0] : f32 from vector<1xf32>
      %get3A_171 = arith.index_cast %add3A_28 : i32 to index
      %get3A_172 = tpu.vector_load %arg20[%get3A_171] {strides = array<i32>} : memref<144xf32, #tpu.memory_space<vmem>>, vector<16xf32>,
      %slice3A_173 = vector.extract_strided_slice %get3A_172 {offsets = [0], sizes = [1], strides = [1]} : vector<16xf32> to vector<1xf32>
      %squeeze3A_174 = vector.extract %slice3A_173[0] : f32 from vector<1xf32>
      %parallel_loop3A_175 = arith.constant 0 : i32
      %parallel_loop3A_176 = arith.constant 512 : i32
      %parallel_loop3A_177 = arith.constant 1 : i32
      %parallel_loop3A_178 = arith.constant 0 : i32
      %parallel_loop3A_179 = scf.for %parallel_loop3A_296 = %parallel_loop3A_175 to %parallel_loop3A_176 step %parallel_loop3A_177 iter_args(%parallel_loop3A_297 = %parallel_loop3A_178) -> (i32)  : i32 {
        %parallel_loop3A_298 = arith.constant 16 : i32
        %parallel_loop3A_299 = arith.muli %parallel_loop3A_296, %parallel_loop3A_298 : i32
        %parallel_loop3A_300 = arith.index_cast %parallel_loop3A_299 : i32 to index
        %parallel_loop3A_301 = tpu.vector_load %arg22[%parallel_loop3A_300] {strides = array<i32>} : memref<8192xf32, #tpu.memory_space<vmem>>, vector<16xf32>,
        %parallel_loop3A_302 = vector.broadcast %squeeze3A_174 : f32 to vector<16xf32>
        %parallel_loop3A_303 = arith.cmpf ole, %parallel_loop3A_301, %parallel_loop3A_302 : vector<16xf32>
        %parallel_loop3A_304 = arith.constant 16 : i32
        %parallel_loop3A_305 = arith.muli %parallel_loop3A_296, %parallel_loop3A_304 : i32
        %parallel_loop3A_306 = vector.broadcast %parallel_loop3A_305 : i32 to vector<16xi32>
        %parallel_loop3A_307 = arith.addi %iota3A, %parallel_loop3A_306 : vector<16xi32>
        %parallel_loop3A_308 = arith.index_cast %parallel_loop3A_297 : i32 to index
        %parallel_loop3A_309 = tpu.vector_load %arg23[%parallel_loop3A_308] masked %parallel_loop3A_303 {strides = array<i32>} : memref<8224xf32, #tpu.memory_space<vmem>>, vector<16xf32>, vector<16xi1>
        tpu.vector_store %arg23[%parallel_loop3A_308], %parallel_loop3A_301 masked %parallel_loop3A_303 {strides = array<i32>} : memref<8224xf32, #tpu.memory_space<vmem>>, vector<16xf32>, vector<16xi1>
        %parallel_loop3A_310 = arith.index_cast %parallel_loop3A_297 : i32 to index
        %parallel_loop3A_311 = tpu.vector_load %arg24[%parallel_loop3A_310] masked %parallel_loop3A_303 {strides = array<i32>} : memref<8224xi32, #tpu.memory_space<vmem>>, vector<16xi32>, vector<16xi1>
        tpu.vector_store %arg24[%parallel_loop3A_310], %parallel_loop3A_307 masked %parallel_loop3A_303 {strides = array<i32>} : memref<8224xi32, #tpu.memory_space<vmem>>, vector<16xi32>, vector<16xi1>
        %parallel_loop3A_312 = tpu.all_reduce %parallel_loop3A_303 {dim = 0 : i64, kind = #tpu.reduction_kind<sum>} : vector<16xi1> -> vector<16xi32>
        %parallel_loop3A_313 = vector.extract_strided_slice %parallel_loop3A_312 {offsets = [0], sizes = [1], strides = [1]} : vector<16xi32> to vector<1xi32>
        %parallel_loop3A_314 = vector.extract %parallel_loop3A_313[0] : i32 from vector<1xi32>
        %parallel_loop3A_315 = arith.addi %parallel_loop3A_297, %parallel_loop3A_314 : i32
        scf.yield %parallel_loop3A_315 : i32
      } {sc.loop_unroll_factor = 8 : i64, sc.parallel_access}
      %swap3A_180 = arith.index_cast %parallel_loop3A_179 : i32 to index
      %swap3A_181 = tpu.vector_load %arg23[%swap3A_180] {strides = array<i32>} : memref<8224xf32, #tpu.memory_space<vmem>>, vector<16xf32>,
      tpu.vector_store %arg23[%swap3A_180], %broadcast_in_dim3A_1 {strides = array<i32>} : memref<8224xf32, #tpu.memory_space<vmem>>, vector<16xf32>,
      %swap3A_182 = arith.index_cast %parallel_loop3A_179 : i32 to index
      %swap3A_183 = tpu.vector_load %arg24[%swap3A_182] {strides = array<i32>} : memref<8224xi32, #tpu.memory_space<vmem>>, vector<16xi32>,
      tpu.vector_store %arg24[%swap3A_182], %broadcast_in_dim3A_3 {strides = array<i32>} : memref<8224xi32, #tpu.memory_space<vmem>>, vector<16xi32>,
      %jit3A_184 = arith.constant 16 : i32
      %div3A_185 = arith.divsi %parallel_loop3A_179, %jit3A_184 : i32
      %sign3A_186 = arith.constant 0 : i32
      %sign3A_187 = arith.cmpi sgt, %parallel_loop3A_179, %sign3A_186 : i32
      %sign3A_188 = arith.extui %sign3A_187 : i1 to i32
      %sign3A_189 = arith.constant 0 : i32
      %sign3A_190 = arith.cmpi slt, %parallel_loop3A_179, %sign3A_189 : i32
      %sign3A_191 = arith.extui %sign3A_190 : i1 to i32
      %sign3A_192 = arith.subi %sign3A_188, %sign3A_191 : i32
      %sign3A_193 = arith.constant 0 : i32
      %sign3A_194 = arith.cmpi sgt, %jit3A_184, %sign3A_193 : i32
      %sign3A_195 = arith.extui %sign3A_194 : i1 to i32
      %sign3A_196 = arith.constant 0 : i32
      %sign3A_197 = arith.cmpi slt, %jit3A_184, %sign3A_196 : i32
      %sign3A_198 = arith.extui %sign3A_197 : i1 to i32
      %sign3A_199 = arith.subi %sign3A_195, %sign3A_198 : i32
      %ne3A_200 = arith.cmpi ne, %sign3A_192, %sign3A_199 : i32
      %rem3A_201 = arith.remsi %parallel_loop3A_179, %jit3A_184 : i32
      %ne3A_202 = arith.constant 0 : i32
      %ne3A_203 = arith.cmpi ne, %rem3A_201, %ne3A_202 : i32
      %and3A_204 = arith.andi %ne3A_200, %ne3A_203 : i1
      %sub3A_205 = arith.constant 1 : i32
      %sub3A_206 = arith.subi %div3A_185, %sub3A_205 : i32
      %select_n3A_207 = arith.select %and3A_204, %sub3A_206, %div3A_185 : i32
      %add3A_208 = arith.constant 1 : i32
      %add3A_209 = arith.addi %select_n3A_207, %add3A_208 : i32
      %broadcast_in_dim3A_210 = arith.constant 0xFF800000 : f32
      %broadcast_in_dim3A_211 = vector.broadcast %broadcast_in_dim3A_210 : f32 to vector<16xf32>
      %broadcast_in_dim3A_212 = arith.constant -1 : i32
      %broadcast_in_dim3A_213 = vector.broadcast %broadcast_in_dim3A_212 : i32 to vector<16xi32>
      %broadcast_in_dim3A_214 = arith.constant 0 : i32
      %broadcast_in_dim3A_215 = vector.broadcast %broadcast_in_dim3A_214 : i32 to vector<16xi32>
      %scan3A_216 = arith.constant 0 : i32
      %scan3A_217 = arith.constant 32 : i32
      %scan3A_218 = arith.addi %scan3A_216, %scan3A_217 : i32
      %scan3A_219 = arith.constant 1 : i32
      %scan3A_220:3 = scf.for %scan3A_296 = %scan3A_216 to %scan3A_218 step %scan3A_219 iter_args(%scan3A_297 = %broadcast_in_dim3A_211, %scan3A_298 = %broadcast_in_dim3A_213, %scan3A_299 = %broadcast_in_dim3A_215) -> (vector<16xf32>, vector<16xi32>, vector<16xi32>)  : i32 {
        %while3A = arith.constant 0 : i32
        %while3A_300 = arith.subi %add3A_209, %while3A : i32
        %while3A_301 = arith.addi %while3A, %while3A_300 : i32
        %while3A_302 = arith.constant 1 : i32
        %while3A_303 = arith.divsi %while3A_300, %while3A_302 : i32
        %while3A_304 = arith.muli %while3A_303, %while3A_302 : i32
        %while3A_305 = arith.addi %while3A, %while3A_304 : i32
        %while3A_306 = arith.constant 1 : i32
        %while3A_307:2 = scf.for %while3A_480 = %while3A to %while3A_305 step %while3A_306 iter_args(%while3A_481 = %broadcast_in_dim3A_1, %while3A_482 = %broadcast_in_dim3A_3) -> (vector<16xf32>, vector<16xi32>)  : i32 {
          %mul3A_483 = arith.constant 16 : i32
          %mul3A_484 = arith.muli %while3A_480, %mul3A_483 : i32
          %get3A_485 = arith.index_cast %mul3A_484 : i32 to index
          %get3A_486 = tpu.vector_load %arg23[%get3A_485] {strides = array<i32>} : memref<8224xf32, #tpu.memory_space<vmem>>, vector<16xf32>,
          %mul3A_487 = arith.constant 16 : i32
          %mul3A_488 = arith.muli %while3A_480, %mul3A_487 : i32
          %get3A_489 = arith.index_cast %mul3A_488 : i32 to index
          %get3A_490 = tpu.vector_load %arg24[%get3A_489] {strides = array<i32>} : memref<8224xi32, #tpu.memory_space<vmem>>, vector<16xi32>,
          %gt3A = arith.cmpf ogt, %get3A_486, %scan3A_297 : vector<16xf32>
          %eq3A_491 = arith.cmpf oeq, %get3A_486, %scan3A_297 : vector<16xf32>
          %gt3A_492 = arith.cmpi sgt, %get3A_490, %scan3A_298 : vector<16xi32>
          %and3A_493 = arith.andi %eq3A_491, %gt3A_492 : vector<16xi1>
          %or3A_494 = arith.ori %gt3A, %and3A_493 : vector<16xi1>
          %select_n3A_495 = arith.select %or3A_494, %get3A_486, %broadcast_in_dim3A_1 : vector<16xi1>, vector<16xf32>
          %select_n3A_496 = arith.select %or3A_494, %get3A_490, %broadcast_in_dim3A_3 : vector<16xi1>, vector<16xi32>
          %lt3A_497 = arith.cmpf olt, %select_n3A_495, %while3A_481 : vector<16xf32>
          %eq3A_498 = arith.cmpf oeq, %select_n3A_495, %while3A_481 : vector<16xf32>
          %lt3A_499 = arith.cmpi slt, %select_n3A_496, %while3A_482 : vector<16xi32>
          %and3A_500 = arith.andi %eq3A_498, %lt3A_499 : vector<16xi1>
          %or3A_501 = arith.ori %lt3A_497, %and3A_500 : vector<16xi1>
          %select_n3A_502 = arith.select %or3A_501, %select_n3A_495, %while3A_481 : vector<16xi1>, vector<16xf32>
          %select_n3A_503 = arith.select %or3A_501, %select_n3A_496, %while3A_482 : vector<16xi1>, vector<16xi32>
          scf.yield %select_n3A_502, %select_n3A_503 : vector<16xf32>, vector<16xi32>
        }
        %while3A_308 = arith.constant 1 : i32
        %while3A_309:2 = scf.for %while3A_480 = %while3A_305 to %while3A_301 step %while3A_308 iter_args(%while3A_481 = %while3A_307#0, %while3A_482 = %while3A_307#1) -> (vector<16xf32>, vector<16xi32>)  : i32 {
          %mul3A_483 = arith.constant 16 : i32
          %mul3A_484 = arith.muli %while3A_480, %mul3A_483 : i32
          %get3A_485 = arith.index_cast %mul3A_484 : i32 to index
          %get3A_486 = tpu.vector_load %arg23[%get3A_485] {strides = array<i32>} : memref<8224xf32, #tpu.memory_space<vmem>>, vector<16xf32>,
          %mul3A_487 = arith.constant 16 : i32
          %mul3A_488 = arith.muli %while3A_480, %mul3A_487 : i32
          %get3A_489 = arith.index_cast %mul3A_488 : i32 to index
          %get3A_490 = tpu.vector_load %arg24[%get3A_489] {strides = array<i32>} : memref<8224xi32, #tpu.memory_space<vmem>>, vector<16xi32>,
          %gt3A = arith.cmpf ogt, %get3A_486, %scan3A_297 : vector<16xf32>
          %eq3A_491 = arith.cmpf oeq, %get3A_486, %scan3A_297 : vector<16xf32>
          %gt3A_492 = arith.cmpi sgt, %get3A_490, %scan3A_298 : vector<16xi32>
          %and3A_493 = arith.andi %eq3A_491, %gt3A_492 : vector<16xi1>
          %or3A_494 = arith.ori %gt3A, %and3A_493 : vector<16xi1>
          %select_n3A_495 = arith.select %or3A_494, %get3A_486, %broadcast_in_dim3A_1 : vector<16xi1>, vector<16xf32>
          %select_n3A_496 = arith.select %or3A_494, %get3A_490, %broadcast_in_dim3A_3 : vector<16xi1>, vector<16xi32>
          %lt3A_497 = arith.cmpf olt, %select_n3A_495, %while3A_481 : vector<16xf32>
          %eq3A_498 = arith.cmpf oeq, %select_n3A_495, %while3A_481 : vector<16xf32>
          %lt3A_499 = arith.cmpi slt, %select_n3A_496, %while3A_482 : vector<16xi32>
          %and3A_500 = arith.andi %eq3A_498, %lt3A_499 : vector<16xi1>
          %or3A_501 = arith.ori %lt3A_497, %and3A_500 : vector<16xi1>
          %select_n3A_502 = arith.select %or3A_501, %select_n3A_495, %while3A_481 : vector<16xi1>, vector<16xf32>
          %select_n3A_503 = arith.select %or3A_501, %select_n3A_496, %while3A_482 : vector<16xi1>, vector<16xi32>
          scf.yield %select_n3A_502, %select_n3A_503 : vector<16xf32>, vector<16xi32>
        }
        %add3A_310 = arith.constant 8 : i32
        %add3A_311 = vector.broadcast %add3A_310 : i32 to vector<16xi32>
        %add3A_312 = arith.addi %iota3A, %add3A_311 : vector<16xi32>
        %and3A_313 = arith.constant 15 : i32
        %and3A_314 = vector.broadcast %and3A_313 : i32 to vector<16xi32>
        %and3A_315 = arith.andi %add3A_312, %and3A_314 : vector<16xi32>
        %lt3A_316 = arith.constant 0 : i32
        %lt3A_317 = vector.broadcast %lt3A_316 : i32 to vector<16xi32>
        %lt3A_318 = arith.cmpi slt, %and3A_315, %lt3A_317 : vector<16xi32>
        %add3A_319 = arith.constant 16 : i32
        %add3A_320 = vector.broadcast %add3A_319 : i32 to vector<16xi32>
        %add3A_321 = arith.addi %and3A_315, %add3A_320 : vector<16xi32>
        %select_n3A_322 = arith.select %lt3A_318, %add3A_321, %and3A_315 : vector<16xi1>, vector<16xi32>
        %broadcast_in_dim3A_323 = vector.shape_cast %select_n3A_322 : vector<16xi32> to vector<16x1xi32>
        %gather3A_324 = vector.shape_cast %broadcast_in_dim3A_323 : vector<16x1xi32> to vector<16xi32>
        %gather3A_325 = tpu.dynamic_gather %while3A_309#0[%gather3A_324] in [0] : vector<16xf32>, vector<16xi32> -> vector<16xf32>
        %lt3A_326 = arith.constant 0 : i32
        %lt3A_327 = vector.broadcast %lt3A_326 : i32 to vector<16xi32>
        %lt3A_328 = arith.cmpi slt, %and3A_315, %lt3A_327 : vector<16xi32>
        %add3A_329 = arith.constant 16 : i32
        %add3A_330 = vector.broadcast %add3A_329 : i32 to vector<16xi32>
        %add3A_331 = arith.addi %and3A_315, %add3A_330 : vector<16xi32>
        %select_n3A_332 = arith.select %lt3A_328, %add3A_331, %and3A_315 : vector<16xi1>, vector<16xi32>
        %broadcast_in_dim3A_333 = vector.shape_cast %select_n3A_332 : vector<16xi32> to vector<16x1xi32>
        %gather3A_334 = vector.shape_cast %broadcast_in_dim3A_333 : vector<16x1xi32> to vector<16xi32>
        %gather3A_335 = tpu.dynamic_gather %while3A_309#1[%gather3A_334] in [0] : vector<16xi32>, vector<16xi32> -> vector<16xi32>
        %lt3A_336 = arith.cmpf olt, %gather3A_325, %while3A_309#0 : vector<16xf32>
        %eq3A = arith.cmpf oeq, %gather3A_325, %while3A_309#0 : vector<16xf32>
        %lt3A_337 = arith.cmpi slt, %gather3A_335, %while3A_309#1 : vector<16xi32>
        %and3A_338 = arith.andi %eq3A, %lt3A_337 : vector<16xi1>
        %or3A = arith.ori %lt3A_336, %and3A_338 : vector<16xi1>
        %select_n3A_339 = arith.select %or3A, %gather3A_325, %while3A_309#0 : vector<16xi1>, vector<16xf32>
        %select_n3A_340 = arith.select %or3A, %gather3A_335, %while3A_309#1 : vector<16xi1>, vector<16xi32>
        %add3A_341 = arith.constant 4 : i32
        %add3A_342 = vector.broadcast %add3A_341 : i32 to vector<16xi32>
        %add3A_343 = arith.addi %iota3A, %add3A_342 : vector<16xi32>
        %and3A_344 = arith.constant 15 : i32
        %and3A_345 = vector.broadcast %and3A_344 : i32 to vector<16xi32>
        %and3A_346 = arith.andi %add3A_343, %and3A_345 : vector<16xi32>
        %lt3A_347 = arith.constant 0 : i32
        %lt3A_348 = vector.broadcast %lt3A_347 : i32 to vector<16xi32>
        %lt3A_349 = arith.cmpi slt, %and3A_346, %lt3A_348 : vector<16xi32>
        %add3A_350 = arith.constant 16 : i32
        %add3A_351 = vector.broadcast %add3A_350 : i32 to vector<16xi32>
        %add3A_352 = arith.addi %and3A_346, %add3A_351 : vector<16xi32>
        %select_n3A_353 = arith.select %lt3A_349, %add3A_352, %and3A_346 : vector<16xi1>, vector<16xi32>
        %broadcast_in_dim3A_354 = vector.shape_cast %select_n3A_353 : vector<16xi32> to vector<16x1xi32>
        %gather3A_355 = vector.shape_cast %broadcast_in_dim3A_354 : vector<16x1xi32> to vector<16xi32>
        %gather3A_356 = tpu.dynamic_gather %select_n3A_339[%gather3A_355] in [0] : vector<16xf32>, vector<16xi32> -> vector<16xf32>
        %lt3A_357 = arith.constant 0 : i32
        %lt3A_358 = vector.broadcast %lt3A_357 : i32 to vector<16xi32>
        %lt3A_359 = arith.cmpi slt, %and3A_346, %lt3A_358 : vector<16xi32>
        %add3A_360 = arith.constant 16 : i32
        %add3A_361 = vector.broadcast %add3A_360 : i32 to vector<16xi32>
        %add3A_362 = arith.addi %and3A_346, %add3A_361 : vector<16xi32>
        %select_n3A_363 = arith.select %lt3A_359, %add3A_362, %and3A_346 : vector<16xi1>, vector<16xi32>
        %broadcast_in_dim3A_364 = vector.shape_cast %select_n3A_363 : vector<16xi32> to vector<16x1xi32>
        %gather3A_365 = vector.shape_cast %broadcast_in_dim3A_364 : vector<16x1xi32> to vector<16xi32>
        %gather3A_366 = tpu.dynamic_gather %select_n3A_340[%gather3A_365] in [0] : vector<16xi32>, vector<16xi32> -> vector<16xi32>
        %lt3A_367 = arith.cmpf olt, %gather3A_356, %select_n3A_339 : vector<16xf32>
        %eq3A_368 = arith.cmpf oeq, %gather3A_356, %select_n3A_339 : vector<16xf32>
        %lt3A_369 = arith.cmpi slt, %gather3A_366, %select_n3A_340 : vector<16xi32>
        %and3A_370 = arith.andi %eq3A_368, %lt3A_369 : vector<16xi1>
        %or3A_371 = arith.ori %lt3A_367, %and3A_370 : vector<16xi1>
        %select_n3A_372 = arith.select %or3A_371, %gather3A_356, %select_n3A_339 : vector<16xi1>, vector<16xf32>
        %select_n3A_373 = arith.select %or3A_371, %gather3A_366, %select_n3A_340 : vector<16xi1>, vector<16xi32>
        %add3A_374 = arith.constant 2 : i32
        %add3A_375 = vector.broadcast %add3A_374 : i32 to vector<16xi32>
        %add3A_376 = arith.addi %iota3A, %add3A_375 : vector<16xi32>
        %and3A_377 = arith.constant 15 : i32
        %and3A_378 = vector.broadcast %and3A_377 : i32 to vector<16xi32>
        %and3A_379 = arith.andi %add3A_376, %and3A_378 : vector<16xi32>
        %lt3A_380 = arith.constant 0 : i32
        %lt3A_381 = vector.broadcast %lt3A_380 : i32 to vector<16xi32>
        %lt3A_382 = arith.cmpi slt, %and3A_379, %lt3A_381 : vector<16xi32>
        %add3A_383 = arith.constant 16 : i32
        %add3A_384 = vector.broadcast %add3A_383 : i32 to vector<16xi32>
        %add3A_385 = arith.addi %and3A_379, %add3A_384 : vector<16xi32>
        %select_n3A_386 = arith.select %lt3A_382, %add3A_385, %and3A_379 : vector<16xi1>, vector<16xi32>
        %broadcast_in_dim3A_387 = vector.shape_cast %select_n3A_386 : vector<16xi32> to vector<16x1xi32>
        %gather3A_388 = vector.shape_cast %broadcast_in_dim3A_387 : vector<16x1xi32> to vector<16xi32>
        %gather3A_389 = tpu.dynamic_gather %select_n3A_372[%gather3A_388] in [0] : vector<16xf32>, vector<16xi32> -> vector<16xf32>
        %lt3A_390 = arith.constant 0 : i32
        %lt3A_391 = vector.broadcast %lt3A_390 : i32 to vector<16xi32>
        %lt3A_392 = arith.cmpi slt, %and3A_379, %lt3A_391 : vector<16xi32>
        %add3A_393 = arith.constant 16 : i32
        %add3A_394 = vector.broadcast %add3A_393 : i32 to vector<16xi32>
        %add3A_395 = arith.addi %and3A_379, %add3A_394 : vector<16xi32>
        %select_n3A_396 = arith.select %lt3A_392, %add3A_395, %and3A_379 : vector<16xi1>, vector<16xi32>
        %broadcast_in_dim3A_397 = vector.shape_cast %select_n3A_396 : vector<16xi32> to vector<16x1xi32>
        %gather3A_398 = vector.shape_cast %broadcast_in_dim3A_397 : vector<16x1xi32> to vector<16xi32>
        %gather3A_399 = tpu.dynamic_gather %select_n3A_373[%gather3A_398] in [0] : vector<16xi32>, vector<16xi32> -> vector<16xi32>
        %lt3A_400 = arith.cmpf olt, %gather3A_389, %select_n3A_372 : vector<16xf32>
        %eq3A_401 = arith.cmpf oeq, %gather3A_389, %select_n3A_372 : vector<16xf32>
        %lt3A_402 = arith.cmpi slt, %gather3A_399, %select_n3A_373 : vector<16xi32>
        %and3A_403 = arith.andi %eq3A_401, %lt3A_402 : vector<16xi1>
        %or3A_404 = arith.ori %lt3A_400, %and3A_403 : vector<16xi1>
        %select_n3A_405 = arith.select %or3A_404, %gather3A_389, %select_n3A_372 : vector<16xi1>, vector<16xf32>
        %select_n3A_406 = arith.select %or3A_404, %gather3A_399, %select_n3A_373 : vector<16xi1>, vector<16xi32>
        %add3A_407 = arith.constant 1 : i32
        %add3A_408 = vector.broadcast %add3A_407 : i32 to vector<16xi32>
        %add3A_409 = arith.addi %iota3A, %add3A_408 : vector<16xi32>
        %and3A_410 = arith.constant 15 : i32
        %and3A_411 = vector.broadcast %and3A_410 : i32 to vector<16xi32>
        %and3A_412 = arith.andi %add3A_409, %and3A_411 : vector<16xi32>
        %lt3A_413 = arith.constant 0 : i32
        %lt3A_414 = vector.broadcast %lt3A_413 : i32 to vector<16xi32>
        %lt3A_415 = arith.cmpi slt, %and3A_412, %lt3A_414 : vector<16xi32>
        %add3A_416 = arith.constant 16 : i32
        %add3A_417 = vector.broadcast %add3A_416 : i32 to vector<16xi32>
        %add3A_418 = arith.addi %and3A_412, %add3A_417 : vector<16xi32>
        %select_n3A_419 = arith.select %lt3A_415, %add3A_418, %and3A_412 : vector<16xi1>, vector<16xi32>
        %broadcast_in_dim3A_420 = vector.shape_cast %select_n3A_419 : vector<16xi32> to vector<16x1xi32>
        %gather3A_421 = vector.shape_cast %broadcast_in_dim3A_420 : vector<16x1xi32> to vector<16xi32>
        %gather3A_422 = tpu.dynamic_gather %select_n3A_405[%gather3A_421] in [0] : vector<16xf32>, vector<16xi32> -> vector<16xf32>
        %lt3A_423 = arith.constant 0 : i32
        %lt3A_424 = vector.broadcast %lt3A_423 : i32 to vector<16xi32>
        %lt3A_425 = arith.cmpi slt, %and3A_412, %lt3A_424 : vector<16xi32>
        %add3A_426 = arith.constant 16 : i32
        %add3A_427 = vector.broadcast %add3A_426 : i32 to vector<16xi32>
        %add3A_428 = arith.addi %and3A_412, %add3A_427 : vector<16xi32>
        %select_n3A_429 = arith.select %lt3A_425, %add3A_428, %and3A_412 : vector<16xi1>, vector<16xi32>
        %broadcast_in_dim3A_430 = vector.shape_cast %select_n3A_429 : vector<16xi32> to vector<16x1xi32>
        %gather3A_431 = vector.shape_cast %broadcast_in_dim3A_430 : vector<16x1xi32> to vector<16xi32>
        %gather3A_432 = tpu.dynamic_gather %select_n3A_406[%gather3A_431] in [0] : vector<16xi32>, vector<16xi32> -> vector<16xi32>
        %lt3A_433 = arith.cmpf olt, %gather3A_422, %select_n3A_405 : vector<16xf32>
        %eq3A_434 = arith.cmpf oeq, %gather3A_422, %select_n3A_405 : vector<16xf32>
        %lt3A_435 = arith.cmpi slt, %gather3A_432, %select_n3A_406 : vector<16xi32>
        %and3A_436 = arith.andi %eq3A_434, %lt3A_435 : vector<16xi1>
        %or3A_437 = arith.ori %lt3A_433, %and3A_436 : vector<16xi1>
        %select_n3A_438 = arith.select %or3A_437, %gather3A_422, %select_n3A_405 : vector<16xi1>, vector<16xf32>
        %select_n3A_439 = arith.select %or3A_437, %gather3A_432, %select_n3A_406 : vector<16xi1>, vector<16xi32>
        %jit3A_440 = arith.constant 16 : i32
        %eq3A_441 = arith.constant 0 : i32
        %eq3A_442 = arith.cmpi eq, %jit3A_440, %eq3A_441 : i32
        %jit3A_443 = arith.constant 1 : i32
        %select_n3A_444 = arith.select %eq3A_442, %jit3A_443, %jit3A_440 : i32
        %rem3A_445 = arith.remsi %scan3A_296, %select_n3A_444 : i32
        %ne3A_446 = arith.constant 0 : i32
        %ne3A_447 = arith.cmpi ne, %rem3A_445, %ne3A_446 : i32
        %lt3A_448 = arith.constant 0 : i32
        %lt3A_449 = arith.cmpi slt, %rem3A_445, %lt3A_448 : i32
        %lt3A_450 = arith.constant 0 : i32
        %lt3A_451 = arith.cmpi slt, %select_n3A_444, %lt3A_450 : i32
        %ne3A_452 = arith.xori %lt3A_449, %lt3A_451 : i1
        %and3A_453 = arith.andi %ne3A_452, %ne3A_447 : i1
        %add3A_454 = arith.addi %rem3A_445, %select_n3A_444 : i32
        %select_n3A_455 = arith.select %and3A_453, %add3A_454, %rem3A_445 : i32
        %eq3A_456 = vector.broadcast %select_n3A_455 : i32 to vector<16xi32>
        %eq3A_457 = arith.cmpi eq, %iota3A, %eq3A_456 : vector<16xi32>
        %select_n3A_458 = arith.select %eq3A_457, %select_n3A_439, %scan3A_299 : vector<16xi1>, vector<16xi32>
        %jit3A_459 = arith.constant 16 : i32
        %eq3A_460 = arith.constant 0 : i32
        %eq3A_461 = arith.cmpi eq, %jit3A_459, %eq3A_460 : i32
        %jit3A_462 = arith.constant 1 : i32
        %select_n3A_463 = arith.select %eq3A_461, %jit3A_462, %jit3A_459 : i32
        %rem3A_464 = arith.remsi %scan3A_296, %select_n3A_463 : i32
        %ne3A_465 = arith.constant 0 : i32
        %ne3A_466 = arith.cmpi ne, %rem3A_464, %ne3A_465 : i32
        %lt3A_467 = arith.constant 0 : i32
        %lt3A_468 = arith.cmpi slt, %rem3A_464, %lt3A_467 : i32
        %lt3A_469 = arith.constant 0 : i32
        %lt3A_470 = arith.cmpi slt, %select_n3A_463, %lt3A_469 : i32
        %ne3A_471 = arith.xori %lt3A_468, %lt3A_470 : i1
        %and3A_472 = arith.andi %ne3A_471, %ne3A_466 : i1
        %add3A_473 = arith.addi %rem3A_464, %select_n3A_463 : i32
        %select_n3A_474 = arith.select %and3A_472, %add3A_473, %rem3A_464 : i32
        %eq3A_475 = arith.constant 15 : i32
        %eq3A_476 = arith.cmpi eq, %select_n3A_474, %eq3A_475 : i32
        %convert_element_type3A_477 = arith.extui %eq3A_476 : i1 to i32
        %cond3A_478 = arith.constant 0 : i32
        %cond3A_479 = arith.cmpi ne, %convert_element_type3A_477, %cond3A_478 : i32
        scf.if %cond3A_479 {
          %mul3A_480 = arith.constant 32 : i32
          %mul3A_481 = arith.muli %add3A_28, %mul3A_480 : i32
          %jit3A_482 = arith.constant 16 : i32
          %div3A_483 = arith.divsi %scan3A_296, %jit3A_482 : i32
          %sign3A_484 = arith.constant 0 : i32
          %sign3A_485 = arith.cmpi sgt, %scan3A_296, %sign3A_484 : i32
          %sign3A_486 = arith.extui %sign3A_485 : i1 to i32
          %sign3A_487 = arith.constant 0 : i32
          %sign3A_488 = arith.cmpi slt, %scan3A_296, %sign3A_487 : i32
          %sign3A_489 = arith.extui %sign3A_488 : i1 to i32
          %sign3A_490 = arith.subi %sign3A_486, %sign3A_489 : i32
          %sign3A_491 = arith.constant 0 : i32
          %sign3A_492 = arith.cmpi sgt, %jit3A_482, %sign3A_491 : i32
          %sign3A_493 = arith.extui %sign3A_492 : i1 to i32
          %sign3A_494 = arith.constant 0 : i32
          %sign3A_495 = arith.cmpi slt, %jit3A_482, %sign3A_494 : i32
          %sign3A_496 = arith.extui %sign3A_495 : i1 to i32
          %sign3A_497 = arith.subi %sign3A_493, %sign3A_496 : i32
          %ne3A_498 = arith.cmpi ne, %sign3A_490, %sign3A_497 : i32
          %rem3A_499 = arith.remsi %scan3A_296, %jit3A_482 : i32
          %ne3A_500 = arith.constant 0 : i32
          %ne3A_501 = arith.cmpi ne, %rem3A_499, %ne3A_500 : i32
          %and3A_502 = arith.andi %ne3A_498, %ne3A_501 : i1
          %sub3A_503 = arith.constant 1 : i32
          %sub3A_504 = arith.subi %div3A_483, %sub3A_503 : i32
          %select_n3A_505 = arith.select %and3A_502, %sub3A_504, %div3A_483 : i32
          %mul3A_506 = arith.constant 16 : i32
          %mul3A_507 = arith.muli %select_n3A_505, %mul3A_506 : i32
          %add3A_508 = arith.addi %mul3A_481, %mul3A_507 : i32
          %swap3A_509 = arith.index_cast %add3A_508 : i32 to index
          %swap3A_510 = tpu.vector_load %arg25[%swap3A_509] {strides = array<i32>} : memref<4096xi32, #tpu.memory_space<vmem>>, vector<16xi32>,
          tpu.vector_store %arg25[%swap3A_509], %select_n3A_458 {strides = array<i32>} : memref<4096xi32, #tpu.memory_space<vmem>>, vector<16xi32>,
        } else {
        }
        scf.yield %select_n3A_438, %select_n3A_439, %select_n3A_458 : vector<16xf32>, vector<16xi32>, vector<16xi32>
      }
      %scan3A_221 = arith.constant 32 : i32
      %mul3A_222 = arith.constant 32 : i32
      %mul3A_223 = arith.muli %add3A_28, %mul3A_222 : i32
      %add3A_224 = arith.constant 0 : i32
      %add3A_225 = arith.addi %mul3A_223, %add3A_224 : i32
      %get3A_226 = arith.index_cast %add3A_225 : i32 to index
      %get3A_227 = tpu.vector_load %arg25[%get3A_226] {strides = array<i32>} : memref<4096xi32, #tpu.memory_space<vmem>>, vector<16xi32>,
      %gather3A_228 = tpu.vector_load_idx %arg14[%get3A_227] : memref<8192xf32, #tpu.memory_space<vmem>>[vector<16xi32>], vector<16xf32>,
      %gather3A_229 = tpu.vector_load_idx %arg15[%get3A_227] : memref<8192xf32, #tpu.memory_space<vmem>>[vector<16xi32>], vector<16xf32>,
      %gather3A_230 = tpu.vector_load_idx %arg16[%get3A_227] : memref<8192xf32, #tpu.memory_space<vmem>>[vector<16xi32>], vector<16xf32>,
      %sub3A_231 = vector.broadcast %squeeze3A_162 : f32 to vector<16xf32>
      %sub3A_232 = arith.subf %gather3A_228, %sub3A_231 : vector<16xf32>
      %mul3A_233 = arith.constant 32 : i32
      %mul3A_234 = arith.muli %add3A_28, %mul3A_233 : i32
      %add3A_235 = arith.constant 0 : i32
      %add3A_236 = arith.addi %mul3A_234, %add3A_235 : i32
      %swap3A_237 = arith.index_cast %add3A_236 : i32 to index
      %swap3A_238 = tpu.vector_load %arg26[%swap3A_237] {strides = array<i32>} : memref<4096xf32, #tpu.memory_space<vmem>>, vector<16xf32>,
      tpu.vector_store %arg26[%swap3A_237], %sub3A_232 {strides = array<i32>} : memref<4096xf32, #tpu.memory_space<vmem>>, vector<16xf32>,
      %sub3A_239 = vector.broadcast %squeeze3A_166 : f32 to vector<16xf32>
      %sub3A_240 = arith.subf %gather3A_229, %sub3A_239 : vector<16xf32>
      %mul3A_241 = arith.constant 32 : i32
      %mul3A_242 = arith.muli %add3A_28, %mul3A_241 : i32
      %add3A_243 = arith.constant 0 : i32
      %add3A_244 = arith.addi %mul3A_242, %add3A_243 : i32
      %swap3A_245 = arith.index_cast %add3A_244 : i32 to index
      %swap3A_246 = tpu.vector_load %arg27[%swap3A_245] {strides = array<i32>} : memref<4096xf32, #tpu.memory_space<vmem>>, vector<16xf32>,
      tpu.vector_store %arg27[%swap3A_245], %sub3A_240 {strides = array<i32>} : memref<4096xf32, #tpu.memory_space<vmem>>, vector<16xf32>,
      %sub3A_247 = vector.broadcast %squeeze3A_170 : f32 to vector<16xf32>
      %sub3A_248 = arith.subf %gather3A_230, %sub3A_247 : vector<16xf32>
      %mul3A_249 = arith.constant 32 : i32
      %mul3A_250 = arith.muli %add3A_28, %mul3A_249 : i32
      %add3A_251 = arith.constant 0 : i32
      %add3A_252 = arith.addi %mul3A_250, %add3A_251 : i32
      %swap3A_253 = arith.index_cast %add3A_252 : i32 to index
      %swap3A_254 = tpu.vector_load %arg28[%swap3A_253] {strides = array<i32>} : memref<4096xf32, #tpu.memory_space<vmem>>, vector<16xf32>,
      tpu.vector_store %arg28[%swap3A_253], %sub3A_248 {strides = array<i32>} : memref<4096xf32, #tpu.memory_space<vmem>>, vector<16xf32>,
      %mul3A_255 = arith.constant 32 : i32
      %mul3A_256 = arith.muli %add3A_28, %mul3A_255 : i32
      %add3A_257 = arith.constant 16 : i32
      %add3A_258 = arith.addi %mul3A_256, %add3A_257 : i32
      %get3A_259 = arith.index_cast %add3A_258 : i32 to index
      %get3A_260 = tpu.vector_load %arg25[%get3A_259] {strides = array<i32>} : memref<4096xi32, #tpu.memory_space<vmem>>, vector<16xi32>,
      %gather3A_261 = tpu.vector_load_idx %arg14[%get3A_260] : memref<8192xf32, #tpu.memory_space<vmem>>[vector<16xi32>], vector<16xf32>,
      %gather3A_262 = tpu.vector_load_idx %arg15[%get3A_260] : memref<8192xf32, #tpu.memory_space<vmem>>[vector<16xi32>], vector<16xf32>,
      %gather3A_263 = tpu.vector_load_idx %arg16[%get3A_260] : memref<8192xf32, #tpu.memory_space<vmem>>[vector<16xi32>], vector<16xf32>,
      %sub3A_264 = vector.broadcast %squeeze3A_162 : f32 to vector<16xf32>
      %sub3A_265 = arith.subf %gather3A_261, %sub3A_264 : vector<16xf32>
      %mul3A_266 = arith.constant 32 : i32
      %mul3A_267 = arith.muli %add3A_28, %mul3A_266 : i32
      %add3A_268 = arith.constant 16 : i32
      %add3A_269 = arith.addi %mul3A_267, %add3A_268 : i32
      %swap3A_270 = arith.index_cast %add3A_269 : i32 to index
      %swap3A_271 = tpu.vector_load %arg26[%swap3A_270] {strides = array<i32>} : memref<4096xf32, #tpu.memory_space<vmem>>, vector<16xf32>,
      tpu.vector_store %arg26[%swap3A_270], %sub3A_265 {strides = array<i32>} : memref<4096xf32, #tpu.memory_space<vmem>>, vector<16xf32>,
      %sub3A_272 = vector.broadcast %squeeze3A_166 : f32 to vector<16xf32>
      %sub3A_273 = arith.subf %gather3A_262, %sub3A_272 : vector<16xf32>
      %mul3A_274 = arith.constant 32 : i32
      %mul3A_275 = arith.muli %add3A_28, %mul3A_274 : i32
      %add3A_276 = arith.constant 16 : i32
      %add3A_277 = arith.addi %mul3A_275, %add3A_276 : i32
      %swap3A_278 = arith.index_cast %add3A_277 : i32 to index
      %swap3A_279 = tpu.vector_load %arg27[%swap3A_278] {strides = array<i32>} : memref<4096xf32, #tpu.memory_space<vmem>>, vector<16xf32>,
      tpu.vector_store %arg27[%swap3A_278], %sub3A_273 {strides = array<i32>} : memref<4096xf32, #tpu.memory_space<vmem>>, vector<16xf32>,
      %sub3A_280 = vector.broadcast %squeeze3A_170 : f32 to vector<16xf32>
      %sub3A_281 = arith.subf %gather3A_263, %sub3A_280 : vector<16xf32>
      %mul3A_282 = arith.constant 32 : i32
      %mul3A_283 = arith.muli %add3A_28, %mul3A_282 : i32
      %add3A_284 = arith.constant 16 : i32
      %add3A_285 = arith.addi %mul3A_283, %add3A_284 : i32
      %swap3A_286 = arith.index_cast %add3A_285 : i32 to index
      %swap3A_287 = tpu.vector_load %arg28[%swap3A_286] {strides = array<i32>} : memref<4096xf32, #tpu.memory_space<vmem>>, vector<16xf32>,
      tpu.vector_store %arg28[%swap3A_286], %sub3A_281 {strides = array<i32>} : memref<4096xf32, #tpu.memory_space<vmem>>, vector<16xf32>,
      %add3A_288 = arith.constant 2 : i32
      %add3A_289 = arith.addi %add3A_28, %add3A_288 : i32
      %lt3A_290 = arith.constant 128 : i32
      %lt3A_291 = arith.cmpi slt, %add3A_289, %lt3A_290 : i32
      %convert_element_type3A_292 = arith.extui %lt3A_291 : i1 to i32
      %cond3A_293 = arith.constant 0 : i32
      %cond3A_294 = arith.cmpi ne, %convert_element_type3A_292, %cond3A_293 : i32
      scf.if %cond3A_294 {
        %add3A_296 = arith.constant 2 : i32
        %add3A_297 = arith.addi %add3A_28, %add3A_296 : i32
        %dma_start3A_298 = arith.constant 0 : i32
        %dma_start3A_299 = tpu.memref_slice %arg2[%add3A, %add3A_297, %dma_start3A_298] : memref<32x128x8192xf32, #tpu.memory_space<hbm>> -> memref<1x1x8192xf32, #tpu.memory_space<hbm>>
        %dma_start3A_300 = tpu.memref_squeeze %dma_start3A_299 : memref<1x1x8192xf32, #tpu.memory_space<hbm>> -> memref<8192xf32, #tpu.memory_space<hbm>>
        %dma_start3A_301 = arith.constant 0 : i32
        %dma_start3A_302 = tpu.memref_slice %arg2[%add3A, %add3A_297, %dma_start3A_301] : memref<32x128x8192xf32, #tpu.memory_space<hbm>> -> memref<1x1x8192xf32, #tpu.memory_space<hbm>>
        %dma_start3A_303 = tpu.memref_squeeze %dma_start3A_302 : memref<1x1x8192xf32, #tpu.memory_space<hbm>> -> memref<8192xf32, #tpu.memory_space<hbm>>
        tpu.enqueue_dma source(%dma_start3A_303 : memref<8192xf32, #tpu.memory_space<hbm>>) target(%arg22 : memref<8192xf32, #tpu.memory_space<vmem>>) target_semaphore(%arg30 : memref<!tpu.dma_semaphore, #tpu.memory_space<semaphore_mem>>)
      } else {
      }
      %scan3A_295 = arith.constant 0 : i32
      scf.yield %scan3A_295 : i32
    }
    %scan3A_22 = arith.constant 64 : i32
    "tpu.region"() ({
      %run_scoped3A = tpu.sem_alloc : memref<!tpu.dma_semaphore, #tpu.memory_space<semaphore_mem>>
      %dma_start3A_23 = arith.constant 0 : i32
      %dma_start3A_24 = tpu.memref_slice %arg10[%add3A, %dma_start3A_23] : memref<32x4096xi32, #tpu.memory_space<hbm>> -> memref<1x4096xi32, #tpu.memory_space<hbm>>
      %dma_start3A_25 = tpu.memref_squeeze %dma_start3A_24 : memref<1x4096xi32, #tpu.memory_space<hbm>> -> memref<4096xi32, #tpu.memory_space<hbm>>
      %dma_start3A_26 = arith.constant 0 : i32
      %dma_start3A_27 = tpu.memref_slice %arg10[%add3A, %dma_start3A_26] : memref<32x4096xi32, #tpu.memory_space<hbm>> -> memref<1x4096xi32, #tpu.memory_space<hbm>>
      %dma_start3A_28 = tpu.memref_squeeze %dma_start3A_27 : memref<1x4096xi32, #tpu.memory_space<hbm>> -> memref<4096xi32, #tpu.memory_space<hbm>>
      tpu.enqueue_dma source(%arg25 : memref<4096xi32, #tpu.memory_space<vmem>>) target(%dma_start3A_28 : memref<4096xi32, #tpu.memory_space<hbm>>) target_semaphore(%run_scoped3A : memref<!tpu.dma_semaphore, #tpu.memory_space<semaphore_mem>>)
      %dma_wait3A = arith.constant 0 : i32
      %dma_wait3A_29 = tpu.memref_slice %arg10[%add3A, %dma_wait3A] : memref<32x4096xi32, #tpu.memory_space<hbm>> -> memref<1x4096xi32, #tpu.memory_space<hbm>>
      %dma_wait3A_30 = tpu.memref_squeeze %dma_wait3A_29 : memref<1x4096xi32, #tpu.memory_space<hbm>> -> memref<4096xi32, #tpu.memory_space<hbm>>
      %dma_wait3A_31 = arith.constant 0 : i32
      %dma_wait3A_32 = tpu.memref_slice %arg10[%add3A, %dma_wait3A_31] : memref<32x4096xi32, #tpu.memory_space<hbm>> -> memref<1x4096xi32, #tpu.memory_space<hbm>>
      %dma_wait3A_33 = tpu.memref_squeeze %dma_wait3A_32 : memref<1x4096xi32, #tpu.memory_space<hbm>> -> memref<4096xi32, #tpu.memory_space<hbm>>
      tpu.wait_dma2 semaphore(%run_scoped3A : memref<!tpu.dma_semaphore, #tpu.memory_space<semaphore_mem>>) src(%arg25 : memref<4096xi32, #tpu.memory_space<vmem>>) dst(%dma_wait3A_33 : memref<4096xi32, #tpu.memory_space<hbm>>)
      tpu.yield
    }) : () -> ()
    "tpu.region"() ({
      %run_scoped3A = tpu.sem_alloc : memref<!tpu.dma_semaphore, #tpu.memory_space<semaphore_mem>>
      %dma_start3A_23 = arith.constant 0 : i32
      %dma_start3A_24 = tpu.memref_slice %arg11[%add3A, %dma_start3A_23] : memref<32x4096xf32, #tpu.memory_space<hbm>> -> memref<1x4096xf32, #tpu.memory_space<hbm>>
      %dma_start3A_25 = tpu.memref_squeeze %dma_start3A_24 : memref<1x4096xf32, #tpu.memory_space<hbm>> -> memref<4096xf32, #tpu.memory_space<hbm>>
      %dma_start3A_26 = arith.constant 0 : i32
      %dma_start3A_27 = tpu.memref_slice %arg11[%add3A, %dma_start3A_26] : memref<32x4096xf32, #tpu.memory_space<hbm>> -> memref<1x4096xf32, #tpu.memory_space<hbm>>
      %dma_start3A_28 = tpu.memref_squeeze %dma_start3A_27 : memref<1x4096xf32, #tpu.memory_space<hbm>> -> memref<4096xf32, #tpu.memory_space<hbm>>
      tpu.enqueue_dma source(%arg26 : memref<4096xf32, #tpu.memory_space<vmem>>) target(%dma_start3A_28 : memref<4096xf32, #tpu.memory_space<hbm>>) target_semaphore(%run_scoped3A : memref<!tpu.dma_semaphore, #tpu.memory_space<semaphore_mem>>)
      %dma_wait3A = arith.constant 0 : i32
      %dma_wait3A_29 = tpu.memref_slice %arg11[%add3A, %dma_wait3A] : memref<32x4096xf32, #tpu.memory_space<hbm>> -> memref<1x4096xf32, #tpu.memory_space<hbm>>
      %dma_wait3A_30 = tpu.memref_squeeze %dma_wait3A_29 : memref<1x4096xf32, #tpu.memory_space<hbm>> -> memref<4096xf32, #tpu.memory_space<hbm>>
      %dma_wait3A_31 = arith.constant 0 : i32
      %dma_wait3A_32 = tpu.memref_slice %arg11[%add3A, %dma_wait3A_31] : memref<32x4096xf32, #tpu.memory_space<hbm>> -> memref<1x4096xf32, #tpu.memory_space<hbm>>
      %dma_wait3A_33 = tpu.memref_squeeze %dma_wait3A_32 : memref<1x4096xf32, #tpu.memory_space<hbm>> -> memref<4096xf32, #tpu.memory_space<hbm>>
      tpu.wait_dma2 semaphore(%run_scoped3A : memref<!tpu.dma_semaphore, #tpu.memory_space<semaphore_mem>>) src(%arg26 : memref<4096xf32, #tpu.memory_space<vmem>>) dst(%dma_wait3A_33 : memref<4096xf32, #tpu.memory_space<hbm>>)
      tpu.yield
    }) : () -> ()
    "tpu.region"() ({
      %run_scoped3A = tpu.sem_alloc : memref<!tpu.dma_semaphore, #tpu.memory_space<semaphore_mem>>
      %dma_start3A_23 = arith.constant 0 : i32
      %dma_start3A_24 = tpu.memref_slice %arg12[%add3A, %dma_start3A_23] : memref<32x4096xf32, #tpu.memory_space<hbm>> -> memref<1x4096xf32, #tpu.memory_space<hbm>>
      %dma_start3A_25 = tpu.memref_squeeze %dma_start3A_24 : memref<1x4096xf32, #tpu.memory_space<hbm>> -> memref<4096xf32, #tpu.memory_space<hbm>>
      %dma_start3A_26 = arith.constant 0 : i32
      %dma_start3A_27 = tpu.memref_slice %arg12[%add3A, %dma_start3A_26] : memref<32x4096xf32, #tpu.memory_space<hbm>> -> memref<1x4096xf32, #tpu.memory_space<hbm>>
      %dma_start3A_28 = tpu.memref_squeeze %dma_start3A_27 : memref<1x4096xf32, #tpu.memory_space<hbm>> -> memref<4096xf32, #tpu.memory_space<hbm>>
      tpu.enqueue_dma source(%arg27 : memref<4096xf32, #tpu.memory_space<vmem>>) target(%dma_start3A_28 : memref<4096xf32, #tpu.memory_space<hbm>>) target_semaphore(%run_scoped3A : memref<!tpu.dma_semaphore, #tpu.memory_space<semaphore_mem>>)
      %dma_wait3A = arith.constant 0 : i32
      %dma_wait3A_29 = tpu.memref_slice %arg12[%add3A, %dma_wait3A] : memref<32x4096xf32, #tpu.memory_space<hbm>> -> memref<1x4096xf32, #tpu.memory_space<hbm>>
      %dma_wait3A_30 = tpu.memref_squeeze %dma_wait3A_29 : memref<1x4096xf32, #tpu.memory_space<hbm>> -> memref<4096xf32, #tpu.memory_space<hbm>>
      %dma_wait3A_31 = arith.constant 0 : i32
      %dma_wait3A_32 = tpu.memref_slice %arg12[%add3A, %dma_wait3A_31] : memref<32x4096xf32, #tpu.memory_space<hbm>> -> memref<1x4096xf32, #tpu.memory_space<hbm>>
      %dma_wait3A_33 = tpu.memref_squeeze %dma_wait3A_32 : memref<1x4096xf32, #tpu.memory_space<hbm>> -> memref<4096xf32, #tpu.memory_space<hbm>>
      tpu.wait_dma2 semaphore(%run_scoped3A : memref<!tpu.dma_semaphore, #tpu.memory_space<semaphore_mem>>) src(%arg27 : memref<4096xf32, #tpu.memory_space<vmem>>) dst(%dma_wait3A_33 : memref<4096xf32, #tpu.memory_space<hbm>>)
      tpu.yield
    }) : () -> ()
    "tpu.region"() ({
      %run_scoped3A = tpu.sem_alloc : memref<!tpu.dma_semaphore, #tpu.memory_space<semaphore_mem>>
      %dma_start3A_23 = arith.constant 0 : i32
      %dma_start3A_24 = tpu.memref_slice %arg13[%add3A, %dma_start3A_23] : memref<32x4096xf32, #tpu.memory_space<hbm>> -> memref<1x4096xf32, #tpu.memory_space<hbm>>
      %dma_start3A_25 = tpu.memref_squeeze %dma_start3A_24 : memref<1x4096xf32, #tpu.memory_space<hbm>> -> memref<4096xf32, #tpu.memory_space<hbm>>
      %dma_start3A_26 = arith.constant 0 : i32
      %dma_start3A_27 = tpu.memref_slice %arg13[%add3A, %dma_start3A_26] : memref<32x4096xf32, #tpu.memory_space<hbm>> -> memref<1x4096xf32, #tpu.memory_space<hbm>>
      %dma_start3A_28 = tpu.memref_squeeze %dma_start3A_27 : memref<1x4096xf32, #tpu.memory_space<hbm>> -> memref<4096xf32, #tpu.memory_space<hbm>>
      tpu.enqueue_dma source(%arg28 : memref<4096xf32, #tpu.memory_space<vmem>>) target(%dma_start3A_28 : memref<4096xf32, #tpu.memory_space<hbm>>) target_semaphore(%run_scoped3A : memref<!tpu.dma_semaphore, #tpu.memory_space<semaphore_mem>>)
      %dma_wait3A = arith.constant 0 : i32
      %dma_wait3A_29 = tpu.memref_slice %arg13[%add3A, %dma_wait3A] : memref<32x4096xf32, #tpu.memory_space<hbm>> -> memref<1x4096xf32, #tpu.memory_space<hbm>>
      %dma_wait3A_30 = tpu.memref_squeeze %dma_wait3A_29 : memref<1x4096xf32, #tpu.memory_space<hbm>> -> memref<4096xf32, #tpu.memory_space<hbm>>
      %dma_wait3A_31 = arith.constant 0 : i32
      %dma_wait3A_32 = tpu.memref_slice %arg13[%add3A, %dma_wait3A_31] : memref<32x4096xf32, #tpu.memory_space<hbm>> -> memref<1x4096xf32, #tpu.memory_space<hbm>>
      %dma_wait3A_33 = tpu.memref_squeeze %dma_wait3A_32 : memref<1x4096xf32, #tpu.memory_space<hbm>> -> memref<4096xf32, #tpu.memory_space<hbm>>
      tpu.wait_dma2 semaphore(%run_scoped3A : memref<!tpu.dma_semaphore, #tpu.memory_space<semaphore_mem>>) src(%arg28 : memref<4096xf32, #tpu.memory_space<vmem>>) dst(%dma_wait3A_33 : memref<4096xf32, #tpu.memory_space<hbm>>)
      tpu.yield
    }) : () -> ()
    return
  }
}

module attributes {stable_mosaic.version = 14 : i64} {
  func.func @_fps_body(%arg0: memref<32x8192xf32, #tpu.memory_space<vmem>>, %arg1: memref<32x8192xf32, #tpu.memory_space<vmem>>, %arg2: memref<32x8192xf32, #tpu.memory_space<vmem>>, %arg3: memref<32x128xi32, #tpu.memory_space<vmem>>, %arg4: memref<32x128xf32, #tpu.memory_space<vmem>>, %arg5: memref<32x128xf32, #tpu.memory_space<vmem>>, %arg6: memref<32x128xf32, #tpu.memory_space<vmem>>) attributes {dimension_semantics = [], scalar_prefetch = 0 : i64, scratch_operands = 0 : i64, tpu.core_type = #tpu.core_type<tc>} {
    %get3A = arith.constant 0 : index
    %get3A_0 = arith.constant 0 : index
    %get3A_1 = vector.load %arg0[%get3A, %get3A_0] : memref<32x8192xf32, #tpu.memory_space<vmem>>, vector<32x8192xf32>
    %get3A_2 = arith.constant 0 : index
    %get3A_3 = arith.constant 0 : index
    %get3A_4 = vector.load %arg1[%get3A_2, %get3A_3] : memref<32x8192xf32, #tpu.memory_space<vmem>>, vector<32x8192xf32>
    %get3A_5 = arith.constant 0 : index
    %get3A_6 = arith.constant 0 : index
    %get3A_7 = vector.load %arg2[%get3A_5, %get3A_6] : memref<32x8192xf32, #tpu.memory_space<vmem>>, vector<32x8192xf32>
    %reduce_sum3A = arith.constant dense<0.000000e+00> : vector<32xf32>
    %reduce_sum3A_8 = vector.multi_reduction <add>, %get3A_1, %reduce_sum3A [1] : vector<32x8192xf32> to vector<32xf32>
    %broadcast_in_dim3A = vector.shape_cast %reduce_sum3A_8 : vector<32xf32> to vector<32x1xf32>
    %div3A = arith.constant 8.192000e+03 : f32
    %div3A_9 = vector.broadcast %div3A : f32 to vector<32x1xf32>
    %div3A_10 = arith.divf %broadcast_in_dim3A, %div3A_9 : vector<32x1xf32>
    %reduce_sum3A_11 = arith.constant dense<0.000000e+00> : vector<32xf32>
    %reduce_sum3A_12 = vector.multi_reduction <add>, %get3A_4, %reduce_sum3A_11 [1] : vector<32x8192xf32> to vector<32xf32>
    %broadcast_in_dim3A_13 = vector.shape_cast %reduce_sum3A_12 : vector<32xf32> to vector<32x1xf32>
    %div3A_14 = arith.constant 8.192000e+03 : f32
    %div3A_15 = vector.broadcast %div3A_14 : f32 to vector<32x1xf32>
    %div3A_16 = arith.divf %broadcast_in_dim3A_13, %div3A_15 : vector<32x1xf32>
    %reduce_sum3A_17 = arith.constant dense<0.000000e+00> : vector<32xf32>
    %reduce_sum3A_18 = vector.multi_reduction <add>, %get3A_7, %reduce_sum3A_17 [1] : vector<32x8192xf32> to vector<32xf32>
    %broadcast_in_dim3A_19 = vector.shape_cast %reduce_sum3A_18 : vector<32xf32> to vector<32x1xf32>
    %div3A_20 = arith.constant 8.192000e+03 : f32
    %div3A_21 = vector.broadcast %div3A_20 : f32 to vector<32x1xf32>
    %div3A_22 = arith.divf %broadcast_in_dim3A_19, %div3A_21 : vector<32x1xf32>
    %sub3A = vector.broadcast %div3A_10 : vector<32x1xf32> to vector<32x8192xf32>
    %sub3A_23 = arith.subf %get3A_1, %sub3A : vector<32x8192xf32>
    %sub3A_24 = vector.broadcast %div3A_16 : vector<32x1xf32> to vector<32x8192xf32>
    %sub3A_25 = arith.subf %get3A_4, %sub3A_24 : vector<32x8192xf32>
    %sub3A_26 = vector.broadcast %div3A_22 : vector<32x1xf32> to vector<32x8192xf32>
    %sub3A_27 = arith.subf %get3A_7, %sub3A_26 : vector<32x8192xf32>
    %mul3A = arith.mulf %sub3A_23, %sub3A_23 : vector<32x8192xf32>
    %mul3A_28 = arith.mulf %sub3A_25, %sub3A_25 : vector<32x8192xf32>
    %add3A = arith.addf %mul3A, %mul3A_28 : vector<32x8192xf32>
    %mul3A_29 = arith.mulf %sub3A_27, %sub3A_27 : vector<32x8192xf32>
    %add3A_30 = arith.addf %add3A, %mul3A_29 : vector<32x8192xf32>
    %iota3A = tpu.iota {dimensions = array<i32: 1>} : vector<32x8192xi32>
    %reduce_max3A = arith.constant dense<0xFF800000> : vector<32xf32>
    %reduce_max3A_31 = vector.multi_reduction <maximumf>, %add3A_30, %reduce_max3A [1] : vector<32x8192xf32> to vector<32xf32>
    %broadcast_in_dim3A_32 = vector.shape_cast %reduce_max3A_31 : vector<32xf32> to vector<32x1xf32>
    %eq3A = vector.broadcast %broadcast_in_dim3A_32 : vector<32x1xf32> to vector<32x8192xf32>
    %eq3A_33 = arith.cmpf oeq, %add3A_30, %eq3A : vector<32x8192xf32>
    %jit3A = arith.constant 8192 : i32
    %broadcast_in_dim3A_34 = vector.broadcast %jit3A : i32 to vector<32x8192xi32>
    %select_n3A = arith.select %eq3A_33, %iota3A, %broadcast_in_dim3A_34 : vector<32x8192xi1>, vector<32x8192xi32>
    %reduce_min3A = arith.constant dense<2147483647> : vector<32xi32>
    %reduce_min3A_35 = vector.multi_reduction <minsi>, %select_n3A, %reduce_min3A [1] : vector<32x8192xi32> to vector<32xi32>
    %broadcast_in_dim3A_36 = vector.shape_cast %reduce_min3A_35 : vector<32xi32> to vector<32x1xi32>
    %broadcast_in_dim3A_37 = arith.constant 1.000000e+10 : f32
    %broadcast_in_dim3A_38 = vector.broadcast %broadcast_in_dim3A_37 : f32 to vector<32x8192xf32>
    %iota3A_39 = tpu.iota {dimensions = array<i32: 1>} : vector<32x128xi32>
    %broadcast_in_dim3A_40 = arith.constant 0 : i32
    %broadcast_in_dim3A_41 = vector.broadcast %broadcast_in_dim3A_40 : i32 to vector<32x128xi32>
    %broadcast_in_dim3A_42 = arith.constant 0.000000e+00 : f32
    %broadcast_in_dim3A_43 = vector.broadcast %broadcast_in_dim3A_42 : f32 to vector<32x128xf32>
    %broadcast_in_dim3A_44 = arith.constant 0.000000e+00 : f32
    %broadcast_in_dim3A_45 = vector.broadcast %broadcast_in_dim3A_44 : f32 to vector<32x128xf32>
    %broadcast_in_dim3A_46 = arith.constant 0.000000e+00 : f32
    %broadcast_in_dim3A_47 = vector.broadcast %broadcast_in_dim3A_46 : f32 to vector<32x128xf32>
    %scan3A = arith.constant 0 : i32
    %scan3A_48 = arith.constant 128 : i32
    %scan3A_49 = arith.addi %scan3A, %scan3A_48 : i32
    %scan3A_50 = arith.constant 1 : i32
    %scan3A_51:6 = scf.for %scan3A_64 = %scan3A to %scan3A_49 step %scan3A_50 iter_args(%scan3A_65 = %broadcast_in_dim3A_38, %scan3A_66 = %broadcast_in_dim3A_36, %scan3A_67 = %broadcast_in_dim3A_41, %scan3A_68 = %broadcast_in_dim3A_43, %scan3A_69 = %broadcast_in_dim3A_45, %scan3A_70 = %broadcast_in_dim3A_47) -> (vector<32x8192xf32>, vector<32x1xi32>, vector<32x128xi32>, vector<32x128xf32>, vector<32x128xf32>, vector<32x128xf32>)  : i32 {
      %eq3A_71 = vector.broadcast %scan3A_66 : vector<32x1xi32> to vector<32x8192xi32>
      %eq3A_72 = arith.cmpi eq, %iota3A, %eq3A_71 : vector<32x8192xi32>
      %jit3A_73 = arith.constant 0.000000e+00 : f32
      %broadcast_in_dim3A_74 = vector.broadcast %jit3A_73 : f32 to vector<32x8192xf32>
      %select_n3A_75 = arith.select %eq3A_72, %get3A_1, %broadcast_in_dim3A_74 : vector<32x8192xi1>, vector<32x8192xf32>
      %reduce_sum3A_76 = arith.constant dense<0.000000e+00> : vector<32xf32>
      %reduce_sum3A_77 = vector.multi_reduction <add>, %select_n3A_75, %reduce_sum3A_76 [1] : vector<32x8192xf32> to vector<32xf32>
      %broadcast_in_dim3A_78 = vector.shape_cast %reduce_sum3A_77 : vector<32xf32> to vector<32x1xf32>
      %jit3A_79 = arith.constant 0.000000e+00 : f32
      %broadcast_in_dim3A_80 = vector.broadcast %jit3A_79 : f32 to vector<32x8192xf32>
      %select_n3A_81 = arith.select %eq3A_72, %get3A_4, %broadcast_in_dim3A_80 : vector<32x8192xi1>, vector<32x8192xf32>
      %reduce_sum3A_82 = arith.constant dense<0.000000e+00> : vector<32xf32>
      %reduce_sum3A_83 = vector.multi_reduction <add>, %select_n3A_81, %reduce_sum3A_82 [1] : vector<32x8192xf32> to vector<32xf32>
      %broadcast_in_dim3A_84 = vector.shape_cast %reduce_sum3A_83 : vector<32xf32> to vector<32x1xf32>
      %jit3A_85 = arith.constant 0.000000e+00 : f32
      %broadcast_in_dim3A_86 = vector.broadcast %jit3A_85 : f32 to vector<32x8192xf32>
      %select_n3A_87 = arith.select %eq3A_72, %get3A_7, %broadcast_in_dim3A_86 : vector<32x8192xi1>, vector<32x8192xf32>
      %reduce_sum3A_88 = arith.constant dense<0.000000e+00> : vector<32xf32>
      %reduce_sum3A_89 = vector.multi_reduction <add>, %select_n3A_87, %reduce_sum3A_88 [1] : vector<32x8192xf32> to vector<32xf32>
      %broadcast_in_dim3A_90 = vector.shape_cast %reduce_sum3A_89 : vector<32xf32> to vector<32x1xf32>
      %eq3A_91 = vector.broadcast %scan3A_64 : i32 to vector<32x128xi32>
      %eq3A_92 = arith.cmpi eq, %iota3A_39, %eq3A_91 : vector<32x128xi32>
      %broadcast_in_dim3A_93 = vector.shape_cast %scan3A_66 : vector<32x1xi32> to vector<32x1xi32>
      %broadcast_in_dim3A_94 = vector.broadcast %broadcast_in_dim3A_93 : vector<32x1xi32> to vector<32x128xi32>
      %select_n3A_95 = arith.select %eq3A_92, %broadcast_in_dim3A_94, %scan3A_67 : vector<32x128xi1>, vector<32x128xi32>
      %broadcast_in_dim3A_96 = vector.shape_cast %broadcast_in_dim3A_78 : vector<32x1xf32> to vector<32x1xf32>
      %broadcast_in_dim3A_97 = vector.broadcast %broadcast_in_dim3A_96 : vector<32x1xf32> to vector<32x128xf32>
      %select_n3A_98 = arith.select %eq3A_92, %broadcast_in_dim3A_97, %scan3A_68 : vector<32x128xi1>, vector<32x128xf32>
      %broadcast_in_dim3A_99 = vector.shape_cast %broadcast_in_dim3A_84 : vector<32x1xf32> to vector<32x1xf32>
      %broadcast_in_dim3A_100 = vector.broadcast %broadcast_in_dim3A_99 : vector<32x1xf32> to vector<32x128xf32>
      %select_n3A_101 = arith.select %eq3A_92, %broadcast_in_dim3A_100, %scan3A_69 : vector<32x128xi1>, vector<32x128xf32>
      %broadcast_in_dim3A_102 = vector.shape_cast %broadcast_in_dim3A_90 : vector<32x1xf32> to vector<32x1xf32>
      %broadcast_in_dim3A_103 = vector.broadcast %broadcast_in_dim3A_102 : vector<32x1xf32> to vector<32x128xf32>
      %select_n3A_104 = arith.select %eq3A_92, %broadcast_in_dim3A_103, %scan3A_70 : vector<32x128xi1>, vector<32x128xf32>
      %sub3A_105 = vector.broadcast %broadcast_in_dim3A_78 : vector<32x1xf32> to vector<32x8192xf32>
      %sub3A_106 = arith.subf %get3A_1, %sub3A_105 : vector<32x8192xf32>
      %sub3A_107 = vector.broadcast %broadcast_in_dim3A_84 : vector<32x1xf32> to vector<32x8192xf32>
      %sub3A_108 = arith.subf %get3A_4, %sub3A_107 : vector<32x8192xf32>
      %sub3A_109 = vector.broadcast %broadcast_in_dim3A_90 : vector<32x1xf32> to vector<32x8192xf32>
      %sub3A_110 = arith.subf %get3A_7, %sub3A_109 : vector<32x8192xf32>
      %mul3A_111 = arith.mulf %sub3A_106, %sub3A_106 : vector<32x8192xf32>
      %mul3A_112 = arith.mulf %sub3A_108, %sub3A_108 : vector<32x8192xf32>
      %add3A_113 = arith.addf %mul3A_111, %mul3A_112 : vector<32x8192xf32>
      %mul3A_114 = arith.mulf %sub3A_110, %sub3A_110 : vector<32x8192xf32>
      %add3A_115 = arith.addf %add3A_113, %mul3A_114 : vector<32x8192xf32>
      %min3A = arith.minimumf %scan3A_65, %add3A_115 : vector<32x8192xf32>
      %reduce_max3A_116 = arith.constant dense<0xFF800000> : vector<32xf32>
      %reduce_max3A_117 = vector.multi_reduction <maximumf>, %min3A, %reduce_max3A_116 [1] : vector<32x8192xf32> to vector<32xf32>
      %broadcast_in_dim3A_118 = vector.shape_cast %reduce_max3A_117 : vector<32xf32> to vector<32x1xf32>
      %eq3A_119 = vector.broadcast %broadcast_in_dim3A_118 : vector<32x1xf32> to vector<32x8192xf32>
      %eq3A_120 = arith.cmpf oeq, %min3A, %eq3A_119 : vector<32x8192xf32>
      %jit3A_121 = arith.constant 8192 : i32
      %broadcast_in_dim3A_122 = vector.broadcast %jit3A_121 : i32 to vector<32x8192xi32>
      %select_n3A_123 = arith.select %eq3A_120, %iota3A, %broadcast_in_dim3A_122 : vector<32x8192xi1>, vector<32x8192xi32>
      %reduce_min3A_124 = arith.constant dense<2147483647> : vector<32xi32>
      %reduce_min3A_125 = vector.multi_reduction <minsi>, %select_n3A_123, %reduce_min3A_124 [1] : vector<32x8192xi32> to vector<32xi32>
      %broadcast_in_dim3A_126 = vector.shape_cast %reduce_min3A_125 : vector<32xi32> to vector<32x1xi32>
      scf.yield %min3A, %broadcast_in_dim3A_126, %select_n3A_95, %select_n3A_98, %select_n3A_101, %select_n3A_104 : vector<32x8192xf32>, vector<32x1xi32>, vector<32x128xi32>, vector<32x128xf32>, vector<32x128xf32>, vector<32x128xf32>
    }
    %scan3A_52 = arith.constant 128 : i32
    %swap3A = arith.constant 0 : index
    %swap3A_53 = arith.constant 0 : index
    %swap3A_54 = vector.load %arg3[%swap3A, %swap3A_53] : memref<32x128xi32, #tpu.memory_space<vmem>>, vector<32x128xi32>
    tpu.vector_store %arg3[%swap3A, %swap3A_53], %scan3A_51#2 {strides = array<i32>} : memref<32x128xi32, #tpu.memory_space<vmem>>, vector<32x128xi32>,
    %swap3A_55 = arith.constant 0 : index
    %swap3A_56 = arith.constant 0 : index
    %swap3A_57 = vector.load %arg4[%swap3A_55, %swap3A_56] : memref<32x128xf32, #tpu.memory_space<vmem>>, vector<32x128xf32>
    tpu.vector_store %arg4[%swap3A_55, %swap3A_56], %scan3A_51#3 {strides = array<i32>} : memref<32x128xf32, #tpu.memory_space<vmem>>, vector<32x128xf32>,
    %swap3A_58 = arith.constant 0 : index
    %swap3A_59 = arith.constant 0 : index
    %swap3A_60 = vector.load %arg5[%swap3A_58, %swap3A_59] : memref<32x128xf32, #tpu.memory_space<vmem>>, vector<32x128xf32>
    tpu.vector_store %arg5[%swap3A_58, %swap3A_59], %scan3A_51#4 {strides = array<i32>} : memref<32x128xf32, #tpu.memory_space<vmem>>, vector<32x128xf32>,
    %swap3A_61 = arith.constant 0 : index
    %swap3A_62 = arith.constant 0 : index
    %swap3A_63 = vector.load %arg6[%swap3A_61, %swap3A_62] : memref<32x128xf32, #tpu.memory_space<vmem>>, vector<32x128xf32>
    tpu.vector_store %arg6[%swap3A_61, %swap3A_62], %scan3A_51#5 {strides = array<i32>} : memref<32x128xf32, #tpu.memory_space<vmem>>, vector<32x128xf32>,
    return
  }
}

module attributes {stable_mosaic.version = 14 : i64} {
  func.func @_dist_body(%arg0: i32, %arg1: memref<1x1x8192xf32, #tpu.memory_space<vmem>>, %arg2: memref<1x1x8192xf32, #tpu.memory_space<vmem>>, %arg3: memref<1x1x8192xf32, #tpu.memory_space<vmem>>, %arg4: memref<1x128x1xf32, #tpu.memory_space<vmem>>, %arg5: memref<1x128x1xf32, #tpu.memory_space<vmem>>, %arg6: memref<1x128x1xf32, #tpu.memory_space<vmem>>, %arg7: memref<1x128x8192xf32, #tpu.memory_space<vmem>>, %arg8: memref<1x1x128xf32, #tpu.memory_space<vmem>>) attributes {dimension_semantics = [#tpu.dimension_semantics<arbitrary>], iteration_bounds = array<i64: 32>, scalar_prefetch = 0 : i64, scratch_operands = 0 : i64, tpu.core_type = #tpu.core_type<tc>, window_params = [{transform_indices = @transform_0, window_bounds = array<i64: 1, 1, 8192>}, {transform_indices = @transform_1, window_bounds = array<i64: 1, 1, 8192>}, {transform_indices = @transform_2, window_bounds = array<i64: 1, 1, 8192>}, {transform_indices = @transform_3, window_bounds = array<i64: 1, 128, 1>}, {transform_indices = @transform_4, window_bounds = array<i64: 1, 128, 1>}, {transform_indices = @transform_5, window_bounds = array<i64: 1, 128, 1>}, {transform_indices = @transform_6, window_bounds = array<i64: 1, 128, 8192>}, {transform_indices = @transform_7, window_bounds = array<i64: 1, 1, 128>}]} {
    %get3A = arith.constant 0 : index
    %get3A_0 = arith.constant 0 : index
    %get3A_1 = arith.constant 0 : index
    %get3A_2 = vector.load %arg1[%get3A, %get3A_0, %get3A_1] : memref<1x1x8192xf32, #tpu.memory_space<vmem>>, vector<1x1x8192xf32>
    %get3A_3 = vector.shape_cast %get3A_2 : vector<1x1x8192xf32> to vector<1x8192xf32>
    %get3A_4 = arith.constant 0 : index
    %get3A_5 = arith.constant 0 : index
    %get3A_6 = arith.constant 0 : index
    %get3A_7 = vector.load %arg2[%get3A_4, %get3A_5, %get3A_6] : memref<1x1x8192xf32, #tpu.memory_space<vmem>>, vector<1x1x8192xf32>
    %get3A_8 = vector.shape_cast %get3A_7 : vector<1x1x8192xf32> to vector<1x8192xf32>
    %get3A_9 = arith.constant 0 : index
    %get3A_10 = arith.constant 0 : index
    %get3A_11 = arith.constant 0 : index
    %get3A_12 = vector.load %arg3[%get3A_9, %get3A_10, %get3A_11] : memref<1x1x8192xf32, #tpu.memory_space<vmem>>, vector<1x1x8192xf32>
    %get3A_13 = vector.shape_cast %get3A_12 : vector<1x1x8192xf32> to vector<1x8192xf32>
    %get3A_14 = arith.constant 0 : index
    %get3A_15 = arith.constant 0 : index
    %get3A_16 = arith.constant 0 : index
    %get3A_17 = vector.load %arg4[%get3A_14, %get3A_15, %get3A_16] : memref<1x128x1xf32, #tpu.memory_space<vmem>>, vector<1x128x1xf32>
    %get3A_18 = vector.shape_cast %get3A_17 : vector<1x128x1xf32> to vector<128x1xf32>
    %get3A_19 = arith.constant 0 : index
    %get3A_20 = arith.constant 0 : index
    %get3A_21 = arith.constant 0 : index
    %get3A_22 = vector.load %arg5[%get3A_19, %get3A_20, %get3A_21] : memref<1x128x1xf32, #tpu.memory_space<vmem>>, vector<1x128x1xf32>
    %get3A_23 = vector.shape_cast %get3A_22 : vector<1x128x1xf32> to vector<128x1xf32>
    %get3A_24 = arith.constant 0 : index
    %get3A_25 = arith.constant 0 : index
    %get3A_26 = arith.constant 0 : index
    %get3A_27 = vector.load %arg6[%get3A_24, %get3A_25, %get3A_26] : memref<1x128x1xf32, #tpu.memory_space<vmem>>, vector<1x128x1xf32>
    %get3A_28 = vector.shape_cast %get3A_27 : vector<1x128x1xf32> to vector<128x1xf32>
    %sub3A = vector.broadcast %get3A_18 : vector<128x1xf32> to vector<128x8192xf32>
    %sub3A_29 = vector.broadcast %get3A_3 : vector<1x8192xf32> to vector<128x8192xf32>
    %sub3A_30 = arith.subf %sub3A, %sub3A_29 : vector<128x8192xf32>
    %sub3A_31 = vector.broadcast %get3A_23 : vector<128x1xf32> to vector<128x8192xf32>
    %sub3A_32 = vector.broadcast %get3A_8 : vector<1x8192xf32> to vector<128x8192xf32>
    %sub3A_33 = arith.subf %sub3A_31, %sub3A_32 : vector<128x8192xf32>
    %sub3A_34 = vector.broadcast %get3A_28 : vector<128x1xf32> to vector<128x8192xf32>
    %sub3A_35 = vector.broadcast %get3A_13 : vector<1x8192xf32> to vector<128x8192xf32>
    %sub3A_36 = arith.subf %sub3A_34, %sub3A_35 : vector<128x8192xf32>
    %mul3A = arith.mulf %sub3A_30, %sub3A_30 : vector<128x8192xf32>
    %mul3A_37 = arith.mulf %sub3A_33, %sub3A_33 : vector<128x8192xf32>
    %add3A = arith.addf %mul3A, %mul3A_37 : vector<128x8192xf32>
    %mul3A_38 = arith.mulf %sub3A_36, %sub3A_36 : vector<128x8192xf32>
    %add3A_39 = arith.addf %add3A, %mul3A_38 : vector<128x8192xf32>
    %swap3A = arith.constant 0 : index
    %swap3A_40 = arith.constant 0 : index
    %swap3A_41 = arith.constant 0 : index
    %swap3A_42 = vector.load %arg7[%swap3A, %swap3A_40, %swap3A_41] : memref<1x128x8192xf32, #tpu.memory_space<vmem>>, vector<1x128x8192xf32>
    %swap3A_43 = vector.shape_cast %swap3A_42 : vector<1x128x8192xf32> to vector<128x8192xf32>
    %swap3A_44 = vector.shape_cast %add3A_39 : vector<128x8192xf32> to vector<1x128x8192xf32>
    tpu.vector_store %arg7[%swap3A, %swap3A_40, %swap3A_41], %swap3A_44 {strides = array<i32>} : memref<1x128x8192xf32, #tpu.memory_space<vmem>>, vector<1x128x8192xf32>,
    %slice3A = vector.extract_strided_slice %add3A_39 {offsets = [0, 0], sizes = [128, 128], strides = [1, 1]} : vector<128x8192xf32> to vector<128x128xf32>
    %reduce_min3A = arith.constant dense<0x7F800000> : vector<128xf32>
    %reduce_min3A_45 = vector.multi_reduction <minimumf>, %slice3A, %reduce_min3A [1] : vector<128x128xf32> to vector<128xf32>
    %broadcast_in_dim3A = vector.shape_cast %reduce_min3A_45 : vector<128xf32> to vector<128x1xf32>
    %slice3A_46 = vector.extract_strided_slice %add3A_39 {offsets = [0, 128], sizes = [128, 128], strides = [1, 1]} : vector<128x8192xf32> to vector<128x128xf32>
    %reduce_min3A_47 = arith.constant dense<0x7F800000> : vector<128xf32>
    %reduce_min3A_48 = vector.multi_reduction <minimumf>, %slice3A_46, %reduce_min3A_47 [1] : vector<128x128xf32> to vector<128xf32>
    %broadcast_in_dim3A_49 = vector.shape_cast %reduce_min3A_48 : vector<128xf32> to vector<128x1xf32>
    %slice3A_50 = vector.extract_strided_slice %add3A_39 {offsets = [0, 256], sizes = [128, 128], strides = [1, 1]} : vector<128x8192xf32> to vector<128x128xf32>
    %reduce_min3A_51 = arith.constant dense<0x7F800000> : vector<128xf32>
    %reduce_min3A_52 = vector.multi_reduction <minimumf>, %slice3A_50, %reduce_min3A_51 [1] : vector<128x128xf32> to vector<128xf32>
    %broadcast_in_dim3A_53 = vector.shape_cast %reduce_min3A_52 : vector<128xf32> to vector<128x1xf32>
    %slice3A_54 = vector.extract_strided_slice %add3A_39 {offsets = [0, 384], sizes = [128, 128], strides = [1, 1]} : vector<128x8192xf32> to vector<128x128xf32>
    %reduce_min3A_55 = arith.constant dense<0x7F800000> : vector<128xf32>
    %reduce_min3A_56 = vector.multi_reduction <minimumf>, %slice3A_54, %reduce_min3A_55 [1] : vector<128x128xf32> to vector<128xf32>
    %broadcast_in_dim3A_57 = vector.shape_cast %reduce_min3A_56 : vector<128xf32> to vector<128x1xf32>
    %slice3A_58 = vector.extract_strided_slice %add3A_39 {offsets = [0, 512], sizes = [128, 128], strides = [1, 1]} : vector<128x8192xf32> to vector<128x128xf32>
    %reduce_min3A_59 = arith.constant dense<0x7F800000> : vector<128xf32>
    %reduce_min3A_60 = vector.multi_reduction <minimumf>, %slice3A_58, %reduce_min3A_59 [1] : vector<128x128xf32> to vector<128xf32>
    %broadcast_in_dim3A_61 = vector.shape_cast %reduce_min3A_60 : vector<128xf32> to vector<128x1xf32>
    %slice3A_62 = vector.extract_strided_slice %add3A_39 {offsets = [0, 640], sizes = [128, 128], strides = [1, 1]} : vector<128x8192xf32> to vector<128x128xf32>
    %reduce_min3A_63 = arith.constant dense<0x7F800000> : vector<128xf32>
    %reduce_min3A_64 = vector.multi_reduction <minimumf>, %slice3A_62, %reduce_min3A_63 [1] : vector<128x128xf32> to vector<128xf32>
    %broadcast_in_dim3A_65 = vector.shape_cast %reduce_min3A_64 : vector<128xf32> to vector<128x1xf32>
    %slice3A_66 = vector.extract_strided_slice %add3A_39 {offsets = [0, 768], sizes = [128, 128], strides = [1, 1]} : vector<128x8192xf32> to vector<128x128xf32>
    %reduce_min3A_67 = arith.constant dense<0x7F800000> : vector<128xf32>
    %reduce_min3A_68 = vector.multi_reduction <minimumf>, %slice3A_66, %reduce_min3A_67 [1] : vector<128x128xf32> to vector<128xf32>
    %broadcast_in_dim3A_69 = vector.shape_cast %reduce_min3A_68 : vector<128xf32> to vector<128x1xf32>
    %slice3A_70 = vector.extract_strided_slice %add3A_39 {offsets = [0, 896], sizes = [128, 128], strides = [1, 1]} : vector<128x8192xf32> to vector<128x128xf32>
    %reduce_min3A_71 = arith.constant dense<0x7F800000> : vector<128xf32>
    %reduce_min3A_72 = vector.multi_reduction <minimumf>, %slice3A_70, %reduce_min3A_71 [1] : vector<128x128xf32> to vector<128xf32>
    %broadcast_in_dim3A_73 = vector.shape_cast %reduce_min3A_72 : vector<128xf32> to vector<128x1xf32>
    %slice3A_74 = vector.extract_strided_slice %add3A_39 {offsets = [0, 1024], sizes = [128, 128], strides = [1, 1]} : vector<128x8192xf32> to vector<128x128xf32>
    %reduce_min3A_75 = arith.constant dense<0x7F800000> : vector<128xf32>
    %reduce_min3A_76 = vector.multi_reduction <minimumf>, %slice3A_74, %reduce_min3A_75 [1] : vector<128x128xf32> to vector<128xf32>
    %broadcast_in_dim3A_77 = vector.shape_cast %reduce_min3A_76 : vector<128xf32> to vector<128x1xf32>
    %slice3A_78 = vector.extract_strided_slice %add3A_39 {offsets = [0, 1152], sizes = [128, 128], strides = [1, 1]} : vector<128x8192xf32> to vector<128x128xf32>
    %reduce_min3A_79 = arith.constant dense<0x7F800000> : vector<128xf32>
    %reduce_min3A_80 = vector.multi_reduction <minimumf>, %slice3A_78, %reduce_min3A_79 [1] : vector<128x128xf32> to vector<128xf32>
    %broadcast_in_dim3A_81 = vector.shape_cast %reduce_min3A_80 : vector<128xf32> to vector<128x1xf32>
    %slice3A_82 = vector.extract_strided_slice %add3A_39 {offsets = [0, 1280], sizes = [128, 128], strides = [1, 1]} : vector<128x8192xf32> to vector<128x128xf32>
    %reduce_min3A_83 = arith.constant dense<0x7F800000> : vector<128xf32>
    %reduce_min3A_84 = vector.multi_reduction <minimumf>, %slice3A_82, %reduce_min3A_83 [1] : vector<128x128xf32> to vector<128xf32>
    %broadcast_in_dim3A_85 = vector.shape_cast %reduce_min3A_84 : vector<128xf32> to vector<128x1xf32>
    %slice3A_86 = vector.extract_strided_slice %add3A_39 {offsets = [0, 1408], sizes = [128, 128], strides = [1, 1]} : vector<128x8192xf32> to vector<128x128xf32>
    %reduce_min3A_87 = arith.constant dense<0x7F800000> : vector<128xf32>
    %reduce_min3A_88 = vector.multi_reduction <minimumf>, %slice3A_86, %reduce_min3A_87 [1] : vector<128x128xf32> to vector<128xf32>
    %broadcast_in_dim3A_89 = vector.shape_cast %reduce_min3A_88 : vector<128xf32> to vector<128x1xf32>
    %slice3A_90 = vector.extract_strided_slice %add3A_39 {offsets = [0, 1536], sizes = [128, 128], strides = [1, 1]} : vector<128x8192xf32> to vector<128x128xf32>
    %reduce_min3A_91 = arith.constant dense<0x7F800000> : vector<128xf32>
    %reduce_min3A_92 = vector.multi_reduction <minimumf>, %slice3A_90, %reduce_min3A_91 [1] : vector<128x128xf32> to vector<128xf32>
    %broadcast_in_dim3A_93 = vector.shape_cast %reduce_min3A_92 : vector<128xf32> to vector<128x1xf32>
    %slice3A_94 = vector.extract_strided_slice %add3A_39 {offsets = [0, 1664], sizes = [128, 128], strides = [1, 1]} : vector<128x8192xf32> to vector<128x128xf32>
    %reduce_min3A_95 = arith.constant dense<0x7F800000> : vector<128xf32>
    %reduce_min3A_96 = vector.multi_reduction <minimumf>, %slice3A_94, %reduce_min3A_95 [1] : vector<128x128xf32> to vector<128xf32>
    %broadcast_in_dim3A_97 = vector.shape_cast %reduce_min3A_96 : vector<128xf32> to vector<128x1xf32>
    %slice3A_98 = vector.extract_strided_slice %add3A_39 {offsets = [0, 1792], sizes = [128, 128], strides = [1, 1]} : vector<128x8192xf32> to vector<128x128xf32>
    %reduce_min3A_99 = arith.constant dense<0x7F800000> : vector<128xf32>
    %reduce_min3A_100 = vector.multi_reduction <minimumf>, %slice3A_98, %reduce_min3A_99 [1] : vector<128x128xf32> to vector<128xf32>
    %broadcast_in_dim3A_101 = vector.shape_cast %reduce_min3A_100 : vector<128xf32> to vector<128x1xf32>
    %slice3A_102 = vector.extract_strided_slice %add3A_39 {offsets = [0, 1920], sizes = [128, 128], strides = [1, 1]} : vector<128x8192xf32> to vector<128x128xf32>
    %reduce_min3A_103 = arith.constant dense<0x7F800000> : vector<128xf32>
    %reduce_min3A_104 = vector.multi_reduction <minimumf>, %slice3A_102, %reduce_min3A_103 [1] : vector<128x128xf32> to vector<128xf32>
    %broadcast_in_dim3A_105 = vector.shape_cast %reduce_min3A_104 : vector<128xf32> to vector<128x1xf32>
    %slice3A_106 = vector.extract_strided_slice %add3A_39 {offsets = [0, 2048], sizes = [128, 128], strides = [1, 1]} : vector<128x8192xf32> to vector<128x128xf32>
    %reduce_min3A_107 = arith.constant dense<0x7F800000> : vector<128xf32>
    %reduce_min3A_108 = vector.multi_reduction <minimumf>, %slice3A_106, %reduce_min3A_107 [1] : vector<128x128xf32> to vector<128xf32>
    %broadcast_in_dim3A_109 = vector.shape_cast %reduce_min3A_108 : vector<128xf32> to vector<128x1xf32>
    %slice3A_110 = vector.extract_strided_slice %add3A_39 {offsets = [0, 2176], sizes = [128, 128], strides = [1, 1]} : vector<128x8192xf32> to vector<128x128xf32>
    %reduce_min3A_111 = arith.constant dense<0x7F800000> : vector<128xf32>
    %reduce_min3A_112 = vector.multi_reduction <minimumf>, %slice3A_110, %reduce_min3A_111 [1] : vector<128x128xf32> to vector<128xf32>
    %broadcast_in_dim3A_113 = vector.shape_cast %reduce_min3A_112 : vector<128xf32> to vector<128x1xf32>
    %slice3A_114 = vector.extract_strided_slice %add3A_39 {offsets = [0, 2304], sizes = [128, 128], strides = [1, 1]} : vector<128x8192xf32> to vector<128x128xf32>
    %reduce_min3A_115 = arith.constant dense<0x7F800000> : vector<128xf32>
    %reduce_min3A_116 = vector.multi_reduction <minimumf>, %slice3A_114, %reduce_min3A_115 [1] : vector<128x128xf32> to vector<128xf32>
    %broadcast_in_dim3A_117 = vector.shape_cast %reduce_min3A_116 : vector<128xf32> to vector<128x1xf32>
    %slice3A_118 = vector.extract_strided_slice %add3A_39 {offsets = [0, 2432], sizes = [128, 128], strides = [1, 1]} : vector<128x8192xf32> to vector<128x128xf32>
    %reduce_min3A_119 = arith.constant dense<0x7F800000> : vector<128xf32>
    %reduce_min3A_120 = vector.multi_reduction <minimumf>, %slice3A_118, %reduce_min3A_119 [1] : vector<128x128xf32> to vector<128xf32>
    %broadcast_in_dim3A_121 = vector.shape_cast %reduce_min3A_120 : vector<128xf32> to vector<128x1xf32>
    %slice3A_122 = vector.extract_strided_slice %add3A_39 {offsets = [0, 2560], sizes = [128, 128], strides = [1, 1]} : vector<128x8192xf32> to vector<128x128xf32>
    %reduce_min3A_123 = arith.constant dense<0x7F800000> : vector<128xf32>
    %reduce_min3A_124 = vector.multi_reduction <minimumf>, %slice3A_122, %reduce_min3A_123 [1] : vector<128x128xf32> to vector<128xf32>
    %broadcast_in_dim3A_125 = vector.shape_cast %reduce_min3A_124 : vector<128xf32> to vector<128x1xf32>
    %slice3A_126 = vector.extract_strided_slice %add3A_39 {offsets = [0, 2688], sizes = [128, 128], strides = [1, 1]} : vector<128x8192xf32> to vector<128x128xf32>
    %reduce_min3A_127 = arith.constant dense<0x7F800000> : vector<128xf32>
    %reduce_min3A_128 = vector.multi_reduction <minimumf>, %slice3A_126, %reduce_min3A_127 [1] : vector<128x128xf32> to vector<128xf32>
    %broadcast_in_dim3A_129 = vector.shape_cast %reduce_min3A_128 : vector<128xf32> to vector<128x1xf32>
    %slice3A_130 = vector.extract_strided_slice %add3A_39 {offsets = [0, 2816], sizes = [128, 128], strides = [1, 1]} : vector<128x8192xf32> to vector<128x128xf32>
    %reduce_min3A_131 = arith.constant dense<0x7F800000> : vector<128xf32>
    %reduce_min3A_132 = vector.multi_reduction <minimumf>, %slice3A_130, %reduce_min3A_131 [1] : vector<128x128xf32> to vector<128xf32>
    %broadcast_in_dim3A_133 = vector.shape_cast %reduce_min3A_132 : vector<128xf32> to vector<128x1xf32>
    %slice3A_134 = vector.extract_strided_slice %add3A_39 {offsets = [0, 2944], sizes = [128, 128], strides = [1, 1]} : vector<128x8192xf32> to vector<128x128xf32>
    %reduce_min3A_135 = arith.constant dense<0x7F800000> : vector<128xf32>
    %reduce_min3A_136 = vector.multi_reduction <minimumf>, %slice3A_134, %reduce_min3A_135 [1] : vector<128x128xf32> to vector<128xf32>
    %broadcast_in_dim3A_137 = vector.shape_cast %reduce_min3A_136 : vector<128xf32> to vector<128x1xf32>
    %slice3A_138 = vector.extract_strided_slice %add3A_39 {offsets = [0, 3072], sizes = [128, 128], strides = [1, 1]} : vector<128x8192xf32> to vector<128x128xf32>
    %reduce_min3A_139 = arith.constant dense<0x7F800000> : vector<128xf32>
    %reduce_min3A_140 = vector.multi_reduction <minimumf>, %slice3A_138, %reduce_min3A_139 [1] : vector<128x128xf32> to vector<128xf32>
    %broadcast_in_dim3A_141 = vector.shape_cast %reduce_min3A_140 : vector<128xf32> to vector<128x1xf32>
    %slice3A_142 = vector.extract_strided_slice %add3A_39 {offsets = [0, 3200], sizes = [128, 128], strides = [1, 1]} : vector<128x8192xf32> to vector<128x128xf32>
    %reduce_min3A_143 = arith.constant dense<0x7F800000> : vector<128xf32>
    %reduce_min3A_144 = vector.multi_reduction <minimumf>, %slice3A_142, %reduce_min3A_143 [1] : vector<128x128xf32> to vector<128xf32>
    %broadcast_in_dim3A_145 = vector.shape_cast %reduce_min3A_144 : vector<128xf32> to vector<128x1xf32>
    %slice3A_146 = vector.extract_strided_slice %add3A_39 {offsets = [0, 3328], sizes = [128, 128], strides = [1, 1]} : vector<128x8192xf32> to vector<128x128xf32>
    %reduce_min3A_147 = arith.constant dense<0x7F800000> : vector<128xf32>
    %reduce_min3A_148 = vector.multi_reduction <minimumf>, %slice3A_146, %reduce_min3A_147 [1] : vector<128x128xf32> to vector<128xf32>
    %broadcast_in_dim3A_149 = vector.shape_cast %reduce_min3A_148 : vector<128xf32> to vector<128x1xf32>
    %slice3A_150 = vector.extract_strided_slice %add3A_39 {offsets = [0, 3456], sizes = [128, 128], strides = [1, 1]} : vector<128x8192xf32> to vector<128x128xf32>
    %reduce_min3A_151 = arith.constant dense<0x7F800000> : vector<128xf32>
    %reduce_min3A_152 = vector.multi_reduction <minimumf>, %slice3A_150, %reduce_min3A_151 [1] : vector<128x128xf32> to vector<128xf32>
    %broadcast_in_dim3A_153 = vector.shape_cast %reduce_min3A_152 : vector<128xf32> to vector<128x1xf32>
    %slice3A_154 = vector.extract_strided_slice %add3A_39 {offsets = [0, 3584], sizes = [128, 128], strides = [1, 1]} : vector<128x8192xf32> to vector<128x128xf32>
    %reduce_min3A_155 = arith.constant dense<0x7F800000> : vector<128xf32>
    %reduce_min3A_156 = vector.multi_reduction <minimumf>, %slice3A_154, %reduce_min3A_155 [1] : vector<128x128xf32> to vector<128xf32>
    %broadcast_in_dim3A_157 = vector.shape_cast %reduce_min3A_156 : vector<128xf32> to vector<128x1xf32>
    %slice3A_158 = vector.extract_strided_slice %add3A_39 {offsets = [0, 3712], sizes = [128, 128], strides = [1, 1]} : vector<128x8192xf32> to vector<128x128xf32>
    %reduce_min3A_159 = arith.constant dense<0x7F800000> : vector<128xf32>
    %reduce_min3A_160 = vector.multi_reduction <minimumf>, %slice3A_158, %reduce_min3A_159 [1] : vector<128x128xf32> to vector<128xf32>
    %broadcast_in_dim3A_161 = vector.shape_cast %reduce_min3A_160 : vector<128xf32> to vector<128x1xf32>
    %slice3A_162 = vector.extract_strided_slice %add3A_39 {offsets = [0, 3840], sizes = [128, 128], strides = [1, 1]} : vector<128x8192xf32> to vector<128x128xf32>
    %reduce_min3A_163 = arith.constant dense<0x7F800000> : vector<128xf32>
    %reduce_min3A_164 = vector.multi_reduction <minimumf>, %slice3A_162, %reduce_min3A_163 [1] : vector<128x128xf32> to vector<128xf32>
    %broadcast_in_dim3A_165 = vector.shape_cast %reduce_min3A_164 : vector<128xf32> to vector<128x1xf32>
    %slice3A_166 = vector.extract_strided_slice %add3A_39 {offsets = [0, 3968], sizes = [128, 128], strides = [1, 1]} : vector<128x8192xf32> to vector<128x128xf32>
    %reduce_min3A_167 = arith.constant dense<0x7F800000> : vector<128xf32>
    %reduce_min3A_168 = vector.multi_reduction <minimumf>, %slice3A_166, %reduce_min3A_167 [1] : vector<128x128xf32> to vector<128xf32>
    %broadcast_in_dim3A_169 = vector.shape_cast %reduce_min3A_168 : vector<128xf32> to vector<128x1xf32>
    %slice3A_170 = vector.extract_strided_slice %add3A_39 {offsets = [0, 4096], sizes = [128, 128], strides = [1, 1]} : vector<128x8192xf32> to vector<128x128xf32>
    %reduce_min3A_171 = arith.constant dense<0x7F800000> : vector<128xf32>
    %reduce_min3A_172 = vector.multi_reduction <minimumf>, %slice3A_170, %reduce_min3A_171 [1] : vector<128x128xf32> to vector<128xf32>
    %broadcast_in_dim3A_173 = vector.shape_cast %reduce_min3A_172 : vector<128xf32> to vector<128x1xf32>
    %slice3A_174 = vector.extract_strided_slice %add3A_39 {offsets = [0, 4224], sizes = [128, 128], strides = [1, 1]} : vector<128x8192xf32> to vector<128x128xf32>
    %reduce_min3A_175 = arith.constant dense<0x7F800000> : vector<128xf32>
    %reduce_min3A_176 = vector.multi_reduction <minimumf>, %slice3A_174, %reduce_min3A_175 [1] : vector<128x128xf32> to vector<128xf32>
    %broadcast_in_dim3A_177 = vector.shape_cast %reduce_min3A_176 : vector<128xf32> to vector<128x1xf32>
    %slice3A_178 = vector.extract_strided_slice %add3A_39 {offsets = [0, 4352], sizes = [128, 128], strides = [1, 1]} : vector<128x8192xf32> to vector<128x128xf32>
    %reduce_min3A_179 = arith.constant dense<0x7F800000> : vector<128xf32>
    %reduce_min3A_180 = vector.multi_reduction <minimumf>, %slice3A_178, %reduce_min3A_179 [1] : vector<128x128xf32> to vector<128xf32>
    %broadcast_in_dim3A_181 = vector.shape_cast %reduce_min3A_180 : vector<128xf32> to vector<128x1xf32>
    %slice3A_182 = vector.extract_strided_slice %add3A_39 {offsets = [0, 4480], sizes = [128, 128], strides = [1, 1]} : vector<128x8192xf32> to vector<128x128xf32>
    %reduce_min3A_183 = arith.constant dense<0x7F800000> : vector<128xf32>
    %reduce_min3A_184 = vector.multi_reduction <minimumf>, %slice3A_182, %reduce_min3A_183 [1] : vector<128x128xf32> to vector<128xf32>
    %broadcast_in_dim3A_185 = vector.shape_cast %reduce_min3A_184 : vector<128xf32> to vector<128x1xf32>
    %slice3A_186 = vector.extract_strided_slice %add3A_39 {offsets = [0, 4608], sizes = [128, 128], strides = [1, 1]} : vector<128x8192xf32> to vector<128x128xf32>
    %reduce_min3A_187 = arith.constant dense<0x7F800000> : vector<128xf32>
    %reduce_min3A_188 = vector.multi_reduction <minimumf>, %slice3A_186, %reduce_min3A_187 [1] : vector<128x128xf32> to vector<128xf32>
    %broadcast_in_dim3A_189 = vector.shape_cast %reduce_min3A_188 : vector<128xf32> to vector<128x1xf32>
    %slice3A_190 = vector.extract_strided_slice %add3A_39 {offsets = [0, 4736], sizes = [128, 128], strides = [1, 1]} : vector<128x8192xf32> to vector<128x128xf32>
    %reduce_min3A_191 = arith.constant dense<0x7F800000> : vector<128xf32>
    %reduce_min3A_192 = vector.multi_reduction <minimumf>, %slice3A_190, %reduce_min3A_191 [1] : vector<128x128xf32> to vector<128xf32>
    %broadcast_in_dim3A_193 = vector.shape_cast %reduce_min3A_192 : vector<128xf32> to vector<128x1xf32>
    %slice3A_194 = vector.extract_strided_slice %add3A_39 {offsets = [0, 4864], sizes = [128, 128], strides = [1, 1]} : vector<128x8192xf32> to vector<128x128xf32>
    %reduce_min3A_195 = arith.constant dense<0x7F800000> : vector<128xf32>
    %reduce_min3A_196 = vector.multi_reduction <minimumf>, %slice3A_194, %reduce_min3A_195 [1] : vector<128x128xf32> to vector<128xf32>
    %broadcast_in_dim3A_197 = vector.shape_cast %reduce_min3A_196 : vector<128xf32> to vector<128x1xf32>
    %slice3A_198 = vector.extract_strided_slice %add3A_39 {offsets = [0, 4992], sizes = [128, 128], strides = [1, 1]} : vector<128x8192xf32> to vector<128x128xf32>
    %reduce_min3A_199 = arith.constant dense<0x7F800000> : vector<128xf32>
    %reduce_min3A_200 = vector.multi_reduction <minimumf>, %slice3A_198, %reduce_min3A_199 [1] : vector<128x128xf32> to vector<128xf32>
    %broadcast_in_dim3A_201 = vector.shape_cast %reduce_min3A_200 : vector<128xf32> to vector<128x1xf32>
    %slice3A_202 = vector.extract_strided_slice %add3A_39 {offsets = [0, 5120], sizes = [128, 128], strides = [1, 1]} : vector<128x8192xf32> to vector<128x128xf32>
    %reduce_min3A_203 = arith.constant dense<0x7F800000> : vector<128xf32>
    %reduce_min3A_204 = vector.multi_reduction <minimumf>, %slice3A_202, %reduce_min3A_203 [1] : vector<128x128xf32> to vector<128xf32>
    %broadcast_in_dim3A_205 = vector.shape_cast %reduce_min3A_204 : vector<128xf32> to vector<128x1xf32>
    %slice3A_206 = vector.extract_strided_slice %add3A_39 {offsets = [0, 5248], sizes = [128, 128], strides = [1, 1]} : vector<128x8192xf32> to vector<128x128xf32>
    %reduce_min3A_207 = arith.constant dense<0x7F800000> : vector<128xf32>
    %reduce_min3A_208 = vector.multi_reduction <minimumf>, %slice3A_206, %reduce_min3A_207 [1] : vector<128x128xf32> to vector<128xf32>
    %broadcast_in_dim3A_209 = vector.shape_cast %reduce_min3A_208 : vector<128xf32> to vector<128x1xf32>
    %slice3A_210 = vector.extract_strided_slice %add3A_39 {offsets = [0, 5376], sizes = [128, 128], strides = [1, 1]} : vector<128x8192xf32> to vector<128x128xf32>
    %reduce_min3A_211 = arith.constant dense<0x7F800000> : vector<128xf32>
    %reduce_min3A_212 = vector.multi_reduction <minimumf>, %slice3A_210, %reduce_min3A_211 [1] : vector<128x128xf32> to vector<128xf32>
    %broadcast_in_dim3A_213 = vector.shape_cast %reduce_min3A_212 : vector<128xf32> to vector<128x1xf32>
    %slice3A_214 = vector.extract_strided_slice %add3A_39 {offsets = [0, 5504], sizes = [128, 128], strides = [1, 1]} : vector<128x8192xf32> to vector<128x128xf32>
    %reduce_min3A_215 = arith.constant dense<0x7F800000> : vector<128xf32>
    %reduce_min3A_216 = vector.multi_reduction <minimumf>, %slice3A_214, %reduce_min3A_215 [1] : vector<128x128xf32> to vector<128xf32>
    %broadcast_in_dim3A_217 = vector.shape_cast %reduce_min3A_216 : vector<128xf32> to vector<128x1xf32>
    %slice3A_218 = vector.extract_strided_slice %add3A_39 {offsets = [0, 5632], sizes = [128, 128], strides = [1, 1]} : vector<128x8192xf32> to vector<128x128xf32>
    %reduce_min3A_219 = arith.constant dense<0x7F800000> : vector<128xf32>
    %reduce_min3A_220 = vector.multi_reduction <minimumf>, %slice3A_218, %reduce_min3A_219 [1] : vector<128x128xf32> to vector<128xf32>
    %broadcast_in_dim3A_221 = vector.shape_cast %reduce_min3A_220 : vector<128xf32> to vector<128x1xf32>
    %slice3A_222 = vector.extract_strided_slice %add3A_39 {offsets = [0, 5760], sizes = [128, 128], strides = [1, 1]} : vector<128x8192xf32> to vector<128x128xf32>
    %reduce_min3A_223 = arith.constant dense<0x7F800000> : vector<128xf32>
    %reduce_min3A_224 = vector.multi_reduction <minimumf>, %slice3A_222, %reduce_min3A_223 [1] : vector<128x128xf32> to vector<128xf32>
    %broadcast_in_dim3A_225 = vector.shape_cast %reduce_min3A_224 : vector<128xf32> to vector<128x1xf32>
    %slice3A_226 = vector.extract_strided_slice %add3A_39 {offsets = [0, 5888], sizes = [128, 128], strides = [1, 1]} : vector<128x8192xf32> to vector<128x128xf32>
    %reduce_min3A_227 = arith.constant dense<0x7F800000> : vector<128xf32>
    %reduce_min3A_228 = vector.multi_reduction <minimumf>, %slice3A_226, %reduce_min3A_227 [1] : vector<128x128xf32> to vector<128xf32>
    %broadcast_in_dim3A_229 = vector.shape_cast %reduce_min3A_228 : vector<128xf32> to vector<128x1xf32>
    %slice3A_230 = vector.extract_strided_slice %add3A_39 {offsets = [0, 6016], sizes = [128, 128], strides = [1, 1]} : vector<128x8192xf32> to vector<128x128xf32>
    %reduce_min3A_231 = arith.constant dense<0x7F800000> : vector<128xf32>
    %reduce_min3A_232 = vector.multi_reduction <minimumf>, %slice3A_230, %reduce_min3A_231 [1] : vector<128x128xf32> to vector<128xf32>
    %broadcast_in_dim3A_233 = vector.shape_cast %reduce_min3A_232 : vector<128xf32> to vector<128x1xf32>
    %slice3A_234 = vector.extract_strided_slice %add3A_39 {offsets = [0, 6144], sizes = [128, 128], strides = [1, 1]} : vector<128x8192xf32> to vector<128x128xf32>
    %reduce_min3A_235 = arith.constant dense<0x7F800000> : vector<128xf32>
    %reduce_min3A_236 = vector.multi_reduction <minimumf>, %slice3A_234, %reduce_min3A_235 [1] : vector<128x128xf32> to vector<128xf32>
    %broadcast_in_dim3A_237 = vector.shape_cast %reduce_min3A_236 : vector<128xf32> to vector<128x1xf32>
    %slice3A_238 = vector.extract_strided_slice %add3A_39 {offsets = [0, 6272], sizes = [128, 128], strides = [1, 1]} : vector<128x8192xf32> to vector<128x128xf32>
    %reduce_min3A_239 = arith.constant dense<0x7F800000> : vector<128xf32>
    %reduce_min3A_240 = vector.multi_reduction <minimumf>, %slice3A_238, %reduce_min3A_239 [1] : vector<128x128xf32> to vector<128xf32>
    %broadcast_in_dim3A_241 = vector.shape_cast %reduce_min3A_240 : vector<128xf32> to vector<128x1xf32>
    %slice3A_242 = vector.extract_strided_slice %add3A_39 {offsets = [0, 6400], sizes = [128, 128], strides = [1, 1]} : vector<128x8192xf32> to vector<128x128xf32>
    %reduce_min3A_243 = arith.constant dense<0x7F800000> : vector<128xf32>
    %reduce_min3A_244 = vector.multi_reduction <minimumf>, %slice3A_242, %reduce_min3A_243 [1] : vector<128x128xf32> to vector<128xf32>
    %broadcast_in_dim3A_245 = vector.shape_cast %reduce_min3A_244 : vector<128xf32> to vector<128x1xf32>
    %slice3A_246 = vector.extract_strided_slice %add3A_39 {offsets = [0, 6528], sizes = [128, 128], strides = [1, 1]} : vector<128x8192xf32> to vector<128x128xf32>
    %reduce_min3A_247 = arith.constant dense<0x7F800000> : vector<128xf32>
    %reduce_min3A_248 = vector.multi_reduction <minimumf>, %slice3A_246, %reduce_min3A_247 [1] : vector<128x128xf32> to vector<128xf32>
    %broadcast_in_dim3A_249 = vector.shape_cast %reduce_min3A_248 : vector<128xf32> to vector<128x1xf32>
    %slice3A_250 = vector.extract_strided_slice %add3A_39 {offsets = [0, 6656], sizes = [128, 128], strides = [1, 1]} : vector<128x8192xf32> to vector<128x128xf32>
    %reduce_min3A_251 = arith.constant dense<0x7F800000> : vector<128xf32>
    %reduce_min3A_252 = vector.multi_reduction <minimumf>, %slice3A_250, %reduce_min3A_251 [1] : vector<128x128xf32> to vector<128xf32>
    %broadcast_in_dim3A_253 = vector.shape_cast %reduce_min3A_252 : vector<128xf32> to vector<128x1xf32>
    %slice3A_254 = vector.extract_strided_slice %add3A_39 {offsets = [0, 6784], sizes = [128, 128], strides = [1, 1]} : vector<128x8192xf32> to vector<128x128xf32>
    %reduce_min3A_255 = arith.constant dense<0x7F800000> : vector<128xf32>
    %reduce_min3A_256 = vector.multi_reduction <minimumf>, %slice3A_254, %reduce_min3A_255 [1] : vector<128x128xf32> to vector<128xf32>
    %broadcast_in_dim3A_257 = vector.shape_cast %reduce_min3A_256 : vector<128xf32> to vector<128x1xf32>
    %slice3A_258 = vector.extract_strided_slice %add3A_39 {offsets = [0, 6912], sizes = [128, 128], strides = [1, 1]} : vector<128x8192xf32> to vector<128x128xf32>
    %reduce_min3A_259 = arith.constant dense<0x7F800000> : vector<128xf32>
    %reduce_min3A_260 = vector.multi_reduction <minimumf>, %slice3A_258, %reduce_min3A_259 [1] : vector<128x128xf32> to vector<128xf32>
    %broadcast_in_dim3A_261 = vector.shape_cast %reduce_min3A_260 : vector<128xf32> to vector<128x1xf32>
    %slice3A_262 = vector.extract_strided_slice %add3A_39 {offsets = [0, 7040], sizes = [128, 128], strides = [1, 1]} : vector<128x8192xf32> to vector<128x128xf32>
    %reduce_min3A_263 = arith.constant dense<0x7F800000> : vector<128xf32>
    %reduce_min3A_264 = vector.multi_reduction <minimumf>, %slice3A_262, %reduce_min3A_263 [1] : vector<128x128xf32> to vector<128xf32>
    %broadcast_in_dim3A_265 = vector.shape_cast %reduce_min3A_264 : vector<128xf32> to vector<128x1xf32>
    %slice3A_266 = vector.extract_strided_slice %add3A_39 {offsets = [0, 7168], sizes = [128, 128], strides = [1, 1]} : vector<128x8192xf32> to vector<128x128xf32>
    %reduce_min3A_267 = arith.constant dense<0x7F800000> : vector<128xf32>
    %reduce_min3A_268 = vector.multi_reduction <minimumf>, %slice3A_266, %reduce_min3A_267 [1] : vector<128x128xf32> to vector<128xf32>
    %broadcast_in_dim3A_269 = vector.shape_cast %reduce_min3A_268 : vector<128xf32> to vector<128x1xf32>
    %slice3A_270 = vector.extract_strided_slice %add3A_39 {offsets = [0, 7296], sizes = [128, 128], strides = [1, 1]} : vector<128x8192xf32> to vector<128x128xf32>
    %reduce_min3A_271 = arith.constant dense<0x7F800000> : vector<128xf32>
    %reduce_min3A_272 = vector.multi_reduction <minimumf>, %slice3A_270, %reduce_min3A_271 [1] : vector<128x128xf32> to vector<128xf32>
    %broadcast_in_dim3A_273 = vector.shape_cast %reduce_min3A_272 : vector<128xf32> to vector<128x1xf32>
    %slice3A_274 = vector.extract_strided_slice %add3A_39 {offsets = [0, 7424], sizes = [128, 128], strides = [1, 1]} : vector<128x8192xf32> to vector<128x128xf32>
    %reduce_min3A_275 = arith.constant dense<0x7F800000> : vector<128xf32>
    %reduce_min3A_276 = vector.multi_reduction <minimumf>, %slice3A_274, %reduce_min3A_275 [1] : vector<128x128xf32> to vector<128xf32>
    %broadcast_in_dim3A_277 = vector.shape_cast %reduce_min3A_276 : vector<128xf32> to vector<128x1xf32>
    %slice3A_278 = vector.extract_strided_slice %add3A_39 {offsets = [0, 7552], sizes = [128, 128], strides = [1, 1]} : vector<128x8192xf32> to vector<128x128xf32>
    %reduce_min3A_279 = arith.constant dense<0x7F800000> : vector<128xf32>
    %reduce_min3A_280 = vector.multi_reduction <minimumf>, %slice3A_278, %reduce_min3A_279 [1] : vector<128x128xf32> to vector<128xf32>
    %broadcast_in_dim3A_281 = vector.shape_cast %reduce_min3A_280 : vector<128xf32> to vector<128x1xf32>
    %slice3A_282 = vector.extract_strided_slice %add3A_39 {offsets = [0, 7680], sizes = [128, 128], strides = [1, 1]} : vector<128x8192xf32> to vector<128x128xf32>
    %reduce_min3A_283 = arith.constant dense<0x7F800000> : vector<128xf32>
    %reduce_min3A_284 = vector.multi_reduction <minimumf>, %slice3A_282, %reduce_min3A_283 [1] : vector<128x128xf32> to vector<128xf32>
    %broadcast_in_dim3A_285 = vector.shape_cast %reduce_min3A_284 : vector<128xf32> to vector<128x1xf32>
    %slice3A_286 = vector.extract_strided_slice %add3A_39 {offsets = [0, 7808], sizes = [128, 128], strides = [1, 1]} : vector<128x8192xf32> to vector<128x128xf32>
    %reduce_min3A_287 = arith.constant dense<0x7F800000> : vector<128xf32>
    %reduce_min3A_288 = vector.multi_reduction <minimumf>, %slice3A_286, %reduce_min3A_287 [1] : vector<128x128xf32> to vector<128xf32>
    %broadcast_in_dim3A_289 = vector.shape_cast %reduce_min3A_288 : vector<128xf32> to vector<128x1xf32>
    %slice3A_290 = vector.extract_strided_slice %add3A_39 {offsets = [0, 7936], sizes = [128, 128], strides = [1, 1]} : vector<128x8192xf32> to vector<128x128xf32>
    %reduce_min3A_291 = arith.constant dense<0x7F800000> : vector<128xf32>
    %reduce_min3A_292 = vector.multi_reduction <minimumf>, %slice3A_290, %reduce_min3A_291 [1] : vector<128x128xf32> to vector<128xf32>
    %broadcast_in_dim3A_293 = vector.shape_cast %reduce_min3A_292 : vector<128xf32> to vector<128x1xf32>
    %slice3A_294 = vector.extract_strided_slice %add3A_39 {offsets = [0, 8064], sizes = [128, 128], strides = [1, 1]} : vector<128x8192xf32> to vector<128x128xf32>
    %reduce_min3A_295 = arith.constant dense<0x7F800000> : vector<128xf32>
    %reduce_min3A_296 = vector.multi_reduction <minimumf>, %slice3A_294, %reduce_min3A_295 [1] : vector<128x128xf32> to vector<128xf32>
    %broadcast_in_dim3A_297 = vector.shape_cast %reduce_min3A_296 : vector<128xf32> to vector<128x1xf32>
    %concatenate3A = tpu.concatenate %broadcast_in_dim3A, %broadcast_in_dim3A_49, %broadcast_in_dim3A_53, %broadcast_in_dim3A_57, %broadcast_in_dim3A_61, %broadcast_in_dim3A_65, %broadcast_in_dim3A_69, %broadcast_in_dim3A_73, %broadcast_in_dim3A_77, %broadcast_in_dim3A_81, %broadcast_in_dim3A_85, %broadcast_in_dim3A_89, %broadcast_in_dim3A_93, %broadcast_in_dim3A_97, %broadcast_in_dim3A_101, %broadcast_in_dim3A_105, %broadcast_in_dim3A_109, %broadcast_in_dim3A_113, %broadcast_in_dim3A_117, %broadcast_in_dim3A_121, %broadcast_in_dim3A_125, %broadcast_in_dim3A_129, %broadcast_in_dim3A_133, %broadcast_in_dim3A_137, %broadcast_in_dim3A_141, %broadcast_in_dim3A_145, %broadcast_in_dim3A_149, %broadcast_in_dim3A_153, %broadcast_in_dim3A_157, %broadcast_in_dim3A_161, %broadcast_in_dim3A_165, %broadcast_in_dim3A_169, %broadcast_in_dim3A_173, %broadcast_in_dim3A_177, %broadcast_in_dim3A_181, %broadcast_in_dim3A_185, %broadcast_in_dim3A_189, %broadcast_in_dim3A_193, %broadcast_in_dim3A_197, %broadcast_in_dim3A_201, %broadcast_in_dim3A_205, %broadcast_in_dim3A_209, %broadcast_in_dim3A_213, %broadcast_in_dim3A_217, %broadcast_in_dim3A_221, %broadcast_in_dim3A_225, %broadcast_in_dim3A_229, %broadcast_in_dim3A_233, %broadcast_in_dim3A_237, %broadcast_in_dim3A_241, %broadcast_in_dim3A_245, %broadcast_in_dim3A_249, %broadcast_in_dim3A_253, %broadcast_in_dim3A_257, %broadcast_in_dim3A_261, %broadcast_in_dim3A_265, %broadcast_in_dim3A_269, %broadcast_in_dim3A_273, %broadcast_in_dim3A_277, %broadcast_in_dim3A_281, %broadcast_in_dim3A_285, %broadcast_in_dim3A_289, %broadcast_in_dim3A_293, %broadcast_in_dim3A_297 in 1 : vector<128x1xf32>, vector<128x1xf32>, vector<128x1xf32>, vector<128x1xf32>, vector<128x1xf32>, vector<128x1xf32>, vector<128x1xf32>, vector<128x1xf32>, vector<128x1xf32>, vector<128x1xf32>, vector<128x1xf32>, vector<128x1xf32>, vector<128x1xf32>, vector<128x1xf32>, vector<128x1xf32>, vector<128x1xf32>, vector<128x1xf32>, vector<128x1xf32>, vector<128x1xf32>, vector<128x1xf32>, vector<128x1xf32>, vector<128x1xf32>, vector<128x1xf32>, vector<128x1xf32>, vector<128x1xf32>, vector<128x1xf32>, vector<128x1xf32>, vector<128x1xf32>, vector<128x1xf32>, vector<128x1xf32>, vector<128x1xf32>, vector<128x1xf32>, vector<128x1xf32>, vector<128x1xf32>, vector<128x1xf32>, vector<128x1xf32>, vector<128x1xf32>, vector<128x1xf32>, vector<128x1xf32>, vector<128x1xf32>, vector<128x1xf32>, vector<128x1xf32>, vector<128x1xf32>, vector<128x1xf32>, vector<128x1xf32>, vector<128x1xf32>, vector<128x1xf32>, vector<128x1xf32>, vector<128x1xf32>, vector<128x1xf32>, vector<128x1xf32>, vector<128x1xf32>, vector<128x1xf32>, vector<128x1xf32>, vector<128x1xf32>, vector<128x1xf32>, vector<128x1xf32>, vector<128x1xf32>, vector<128x1xf32>, vector<128x1xf32>, vector<128x1xf32>, vector<128x1xf32>, vector<128x1xf32>, vector<128x1xf32> -> vector<128x64xf32>
    %iota3A = tpu.iota {dimensions = array<i32: 1>} : vector<128x64xi32>
    %reduce_min3A_298 = arith.constant dense<0x7F800000> : vector<128xf32>
    %reduce_min3A_299 = vector.multi_reduction <minimumf>, %concatenate3A, %reduce_min3A_298 [1] : vector<128x64xf32> to vector<128xf32>
    %broadcast_in_dim3A_300 = vector.shape_cast %reduce_min3A_299 : vector<128xf32> to vector<128x1xf32>
    %eq3A = vector.broadcast %broadcast_in_dim3A_300 : vector<128x1xf32> to vector<128x64xf32>
    %eq3A_301 = arith.cmpf oeq, %concatenate3A, %eq3A : vector<128x64xf32>
    %jit3A = arith.constant 64 : i32
    %broadcast_in_dim3A_302 = vector.broadcast %jit3A : i32 to vector<128x64xi32>
    %select_n3A = arith.select %eq3A_301, %iota3A, %broadcast_in_dim3A_302 : vector<128x64xi1>, vector<128x64xi32>
    %reduce_min3A_303 = arith.constant dense<2147483647> : vector<128xi32>
    %reduce_min3A_304 = vector.multi_reduction <minsi>, %select_n3A, %reduce_min3A_303 [1] : vector<128x64xi32> to vector<128xi32>
    %broadcast_in_dim3A_305 = vector.shape_cast %reduce_min3A_304 : vector<128xi32> to vector<128x1xi32>
    %eq3A_306 = vector.broadcast %broadcast_in_dim3A_305 : vector<128x1xi32> to vector<128x64xi32>
    %eq3A_307 = arith.cmpi eq, %iota3A, %eq3A_306 : vector<128x64xi32>
    %jit3A_308 = arith.constant 0x7F800000 : f32
    %broadcast_in_dim3A_309 = vector.broadcast %jit3A_308 : f32 to vector<128x64xf32>
    %select_n3A_310 = arith.select %eq3A_307, %broadcast_in_dim3A_309, %concatenate3A : vector<128x64xi1>, vector<128x64xf32>
    %reduce_min3A_311 = arith.constant dense<0x7F800000> : vector<128xf32>
    %reduce_min3A_312 = vector.multi_reduction <minimumf>, %select_n3A_310, %reduce_min3A_311 [1] : vector<128x64xf32> to vector<128xf32>
    %broadcast_in_dim3A_313 = vector.shape_cast %reduce_min3A_312 : vector<128xf32> to vector<128x1xf32>
    %eq3A_314 = vector.broadcast %broadcast_in_dim3A_313 : vector<128x1xf32> to vector<128x64xf32>
    %eq3A_315 = arith.cmpf oeq, %select_n3A_310, %eq3A_314 : vector<128x64xf32>
    %jit3A_316 = arith.constant 64 : i32
    %broadcast_in_dim3A_317 = vector.broadcast %jit3A_316 : i32 to vector<128x64xi32>
    %select_n3A_318 = arith.select %eq3A_315, %iota3A, %broadcast_in_dim3A_317 : vector<128x64xi1>, vector<128x64xi32>
    %reduce_min3A_319 = arith.constant dense<2147483647> : vector<128xi32>
    %reduce_min3A_320 = vector.multi_reduction <minsi>, %select_n3A_318, %reduce_min3A_319 [1] : vector<128x64xi32> to vector<128xi32>
    %broadcast_in_dim3A_321 = vector.shape_cast %reduce_min3A_320 : vector<128xi32> to vector<128x1xi32>
    %eq3A_322 = vector.broadcast %broadcast_in_dim3A_321 : vector<128x1xi32> to vector<128x64xi32>
    %eq3A_323 = arith.cmpi eq, %iota3A, %eq3A_322 : vector<128x64xi32>
    %jit3A_324 = arith.constant 0x7F800000 : f32
    %broadcast_in_dim3A_325 = vector.broadcast %jit3A_324 : f32 to vector<128x64xf32>
    %select_n3A_326 = arith.select %eq3A_323, %broadcast_in_dim3A_325, %select_n3A_310 : vector<128x64xi1>, vector<128x64xf32>
    %reduce_min3A_327 = arith.constant dense<0x7F800000> : vector<128xf32>
    %reduce_min3A_328 = vector.multi_reduction <minimumf>, %select_n3A_326, %reduce_min3A_327 [1] : vector<128x64xf32> to vector<128xf32>
    %broadcast_in_dim3A_329 = vector.shape_cast %reduce_min3A_328 : vector<128xf32> to vector<128x1xf32>
    %eq3A_330 = vector.broadcast %broadcast_in_dim3A_329 : vector<128x1xf32> to vector<128x64xf32>
    %eq3A_331 = arith.cmpf oeq, %select_n3A_326, %eq3A_330 : vector<128x64xf32>
    %jit3A_332 = arith.constant 64 : i32
    %broadcast_in_dim3A_333 = vector.broadcast %jit3A_332 : i32 to vector<128x64xi32>
    %select_n3A_334 = arith.select %eq3A_331, %iota3A, %broadcast_in_dim3A_333 : vector<128x64xi1>, vector<128x64xi32>
    %reduce_min3A_335 = arith.constant dense<2147483647> : vector<128xi32>
    %reduce_min3A_336 = vector.multi_reduction <minsi>, %select_n3A_334, %reduce_min3A_335 [1] : vector<128x64xi32> to vector<128xi32>
    %broadcast_in_dim3A_337 = vector.shape_cast %reduce_min3A_336 : vector<128xi32> to vector<128x1xi32>
    %eq3A_338 = vector.broadcast %broadcast_in_dim3A_337 : vector<128x1xi32> to vector<128x64xi32>
    %eq3A_339 = arith.cmpi eq, %iota3A, %eq3A_338 : vector<128x64xi32>
    %jit3A_340 = arith.constant 0x7F800000 : f32
    %broadcast_in_dim3A_341 = vector.broadcast %jit3A_340 : f32 to vector<128x64xf32>
    %select_n3A_342 = arith.select %eq3A_339, %broadcast_in_dim3A_341, %select_n3A_326 : vector<128x64xi1>, vector<128x64xf32>
    %reduce_min3A_343 = arith.constant dense<0x7F800000> : vector<128xf32>
    %reduce_min3A_344 = vector.multi_reduction <minimumf>, %select_n3A_342, %reduce_min3A_343 [1] : vector<128x64xf32> to vector<128xf32>
    %broadcast_in_dim3A_345 = vector.shape_cast %reduce_min3A_344 : vector<128xf32> to vector<128x1xf32>
    %eq3A_346 = vector.broadcast %broadcast_in_dim3A_345 : vector<128x1xf32> to vector<128x64xf32>
    %eq3A_347 = arith.cmpf oeq, %select_n3A_342, %eq3A_346 : vector<128x64xf32>
    %jit3A_348 = arith.constant 64 : i32
    %broadcast_in_dim3A_349 = vector.broadcast %jit3A_348 : i32 to vector<128x64xi32>
    %select_n3A_350 = arith.select %eq3A_347, %iota3A, %broadcast_in_dim3A_349 : vector<128x64xi1>, vector<128x64xi32>
    %reduce_min3A_351 = arith.constant dense<2147483647> : vector<128xi32>
    %reduce_min3A_352 = vector.multi_reduction <minsi>, %select_n3A_350, %reduce_min3A_351 [1] : vector<128x64xi32> to vector<128xi32>
    %broadcast_in_dim3A_353 = vector.shape_cast %reduce_min3A_352 : vector<128xi32> to vector<128x1xi32>
    %eq3A_354 = vector.broadcast %broadcast_in_dim3A_353 : vector<128x1xi32> to vector<128x64xi32>
    %eq3A_355 = arith.cmpi eq, %iota3A, %eq3A_354 : vector<128x64xi32>
    %jit3A_356 = arith.constant 0x7F800000 : f32
    %broadcast_in_dim3A_357 = vector.broadcast %jit3A_356 : f32 to vector<128x64xf32>
    %select_n3A_358 = arith.select %eq3A_355, %broadcast_in_dim3A_357, %select_n3A_342 : vector<128x64xi1>, vector<128x64xf32>
    %reduce_min3A_359 = arith.constant dense<0x7F800000> : vector<128xf32>
    %reduce_min3A_360 = vector.multi_reduction <minimumf>, %select_n3A_358, %reduce_min3A_359 [1] : vector<128x64xf32> to vector<128xf32>
    %broadcast_in_dim3A_361 = vector.shape_cast %reduce_min3A_360 : vector<128xf32> to vector<128x1xf32>
    %eq3A_362 = vector.broadcast %broadcast_in_dim3A_361 : vector<128x1xf32> to vector<128x64xf32>
    %eq3A_363 = arith.cmpf oeq, %select_n3A_358, %eq3A_362 : vector<128x64xf32>
    %jit3A_364 = arith.constant 64 : i32
    %broadcast_in_dim3A_365 = vector.broadcast %jit3A_364 : i32 to vector<128x64xi32>
    %select_n3A_366 = arith.select %eq3A_363, %iota3A, %broadcast_in_dim3A_365 : vector<128x64xi1>, vector<128x64xi32>
    %reduce_min3A_367 = arith.constant dense<2147483647> : vector<128xi32>
    %reduce_min3A_368 = vector.multi_reduction <minsi>, %select_n3A_366, %reduce_min3A_367 [1] : vector<128x64xi32> to vector<128xi32>
    %broadcast_in_dim3A_369 = vector.shape_cast %reduce_min3A_368 : vector<128xi32> to vector<128x1xi32>
    %eq3A_370 = vector.broadcast %broadcast_in_dim3A_369 : vector<128x1xi32> to vector<128x64xi32>
    %eq3A_371 = arith.cmpi eq, %iota3A, %eq3A_370 : vector<128x64xi32>
    %jit3A_372 = arith.constant 0x7F800000 : f32
    %broadcast_in_dim3A_373 = vector.broadcast %jit3A_372 : f32 to vector<128x64xf32>
    %select_n3A_374 = arith.select %eq3A_371, %broadcast_in_dim3A_373, %select_n3A_358 : vector<128x64xi1>, vector<128x64xf32>
    %reduce_min3A_375 = arith.constant dense<0x7F800000> : vector<128xf32>
    %reduce_min3A_376 = vector.multi_reduction <minimumf>, %select_n3A_374, %reduce_min3A_375 [1] : vector<128x64xf32> to vector<128xf32>
    %broadcast_in_dim3A_377 = vector.shape_cast %reduce_min3A_376 : vector<128xf32> to vector<128x1xf32>
    %eq3A_378 = vector.broadcast %broadcast_in_dim3A_377 : vector<128x1xf32> to vector<128x64xf32>
    %eq3A_379 = arith.cmpf oeq, %select_n3A_374, %eq3A_378 : vector<128x64xf32>
    %jit3A_380 = arith.constant 64 : i32
    %broadcast_in_dim3A_381 = vector.broadcast %jit3A_380 : i32 to vector<128x64xi32>
    %select_n3A_382 = arith.select %eq3A_379, %iota3A, %broadcast_in_dim3A_381 : vector<128x64xi1>, vector<128x64xi32>
    %reduce_min3A_383 = arith.constant dense<2147483647> : vector<128xi32>
    %reduce_min3A_384 = vector.multi_reduction <minsi>, %select_n3A_382, %reduce_min3A_383 [1] : vector<128x64xi32> to vector<128xi32>
    %broadcast_in_dim3A_385 = vector.shape_cast %reduce_min3A_384 : vector<128xi32> to vector<128x1xi32>
    %eq3A_386 = vector.broadcast %broadcast_in_dim3A_385 : vector<128x1xi32> to vector<128x64xi32>
    %eq3A_387 = arith.cmpi eq, %iota3A, %eq3A_386 : vector<128x64xi32>
    %jit3A_388 = arith.constant 0x7F800000 : f32
    %broadcast_in_dim3A_389 = vector.broadcast %jit3A_388 : f32 to vector<128x64xf32>
    %select_n3A_390 = arith.select %eq3A_387, %broadcast_in_dim3A_389, %select_n3A_374 : vector<128x64xi1>, vector<128x64xf32>
    %reduce_min3A_391 = arith.constant dense<0x7F800000> : vector<128xf32>
    %reduce_min3A_392 = vector.multi_reduction <minimumf>, %select_n3A_390, %reduce_min3A_391 [1] : vector<128x64xf32> to vector<128xf32>
    %broadcast_in_dim3A_393 = vector.shape_cast %reduce_min3A_392 : vector<128xf32> to vector<128x1xf32>
    %eq3A_394 = vector.broadcast %broadcast_in_dim3A_393 : vector<128x1xf32> to vector<128x64xf32>
    %eq3A_395 = arith.cmpf oeq, %select_n3A_390, %eq3A_394 : vector<128x64xf32>
    %jit3A_396 = arith.constant 64 : i32
    %broadcast_in_dim3A_397 = vector.broadcast %jit3A_396 : i32 to vector<128x64xi32>
    %select_n3A_398 = arith.select %eq3A_395, %iota3A, %broadcast_in_dim3A_397 : vector<128x64xi1>, vector<128x64xi32>
    %reduce_min3A_399 = arith.constant dense<2147483647> : vector<128xi32>
    %reduce_min3A_400 = vector.multi_reduction <minsi>, %select_n3A_398, %reduce_min3A_399 [1] : vector<128x64xi32> to vector<128xi32>
    %broadcast_in_dim3A_401 = vector.shape_cast %reduce_min3A_400 : vector<128xi32> to vector<128x1xi32>
    %eq3A_402 = vector.broadcast %broadcast_in_dim3A_401 : vector<128x1xi32> to vector<128x64xi32>
    %eq3A_403 = arith.cmpi eq, %iota3A, %eq3A_402 : vector<128x64xi32>
    %jit3A_404 = arith.constant 0x7F800000 : f32
    %broadcast_in_dim3A_405 = vector.broadcast %jit3A_404 : f32 to vector<128x64xf32>
    %select_n3A_406 = arith.select %eq3A_403, %broadcast_in_dim3A_405, %select_n3A_390 : vector<128x64xi1>, vector<128x64xf32>
    %reduce_min3A_407 = arith.constant dense<0x7F800000> : vector<128xf32>
    %reduce_min3A_408 = vector.multi_reduction <minimumf>, %select_n3A_406, %reduce_min3A_407 [1] : vector<128x64xf32> to vector<128xf32>
    %broadcast_in_dim3A_409 = vector.shape_cast %reduce_min3A_408 : vector<128xf32> to vector<128x1xf32>
    %eq3A_410 = vector.broadcast %broadcast_in_dim3A_409 : vector<128x1xf32> to vector<128x64xf32>
    %eq3A_411 = arith.cmpf oeq, %select_n3A_406, %eq3A_410 : vector<128x64xf32>
    %jit3A_412 = arith.constant 64 : i32
    %broadcast_in_dim3A_413 = vector.broadcast %jit3A_412 : i32 to vector<128x64xi32>
    %select_n3A_414 = arith.select %eq3A_411, %iota3A, %broadcast_in_dim3A_413 : vector<128x64xi1>, vector<128x64xi32>
    %reduce_min3A_415 = arith.constant dense<2147483647> : vector<128xi32>
    %reduce_min3A_416 = vector.multi_reduction <minsi>, %select_n3A_414, %reduce_min3A_415 [1] : vector<128x64xi32> to vector<128xi32>
    %broadcast_in_dim3A_417 = vector.shape_cast %reduce_min3A_416 : vector<128xi32> to vector<128x1xi32>
    %eq3A_418 = vector.broadcast %broadcast_in_dim3A_417 : vector<128x1xi32> to vector<128x64xi32>
    %eq3A_419 = arith.cmpi eq, %iota3A, %eq3A_418 : vector<128x64xi32>
    %jit3A_420 = arith.constant 0x7F800000 : f32
    %broadcast_in_dim3A_421 = vector.broadcast %jit3A_420 : f32 to vector<128x64xf32>
    %select_n3A_422 = arith.select %eq3A_419, %broadcast_in_dim3A_421, %select_n3A_406 : vector<128x64xi1>, vector<128x64xf32>
    %reduce_min3A_423 = arith.constant dense<0x7F800000> : vector<128xf32>
    %reduce_min3A_424 = vector.multi_reduction <minimumf>, %select_n3A_422, %reduce_min3A_423 [1] : vector<128x64xf32> to vector<128xf32>
    %broadcast_in_dim3A_425 = vector.shape_cast %reduce_min3A_424 : vector<128xf32> to vector<128x1xf32>
    %eq3A_426 = vector.broadcast %broadcast_in_dim3A_425 : vector<128x1xf32> to vector<128x64xf32>
    %eq3A_427 = arith.cmpf oeq, %select_n3A_422, %eq3A_426 : vector<128x64xf32>
    %jit3A_428 = arith.constant 64 : i32
    %broadcast_in_dim3A_429 = vector.broadcast %jit3A_428 : i32 to vector<128x64xi32>
    %select_n3A_430 = arith.select %eq3A_427, %iota3A, %broadcast_in_dim3A_429 : vector<128x64xi1>, vector<128x64xi32>
    %reduce_min3A_431 = arith.constant dense<2147483647> : vector<128xi32>
    %reduce_min3A_432 = vector.multi_reduction <minsi>, %select_n3A_430, %reduce_min3A_431 [1] : vector<128x64xi32> to vector<128xi32>
    %broadcast_in_dim3A_433 = vector.shape_cast %reduce_min3A_432 : vector<128xi32> to vector<128x1xi32>
    %eq3A_434 = vector.broadcast %broadcast_in_dim3A_433 : vector<128x1xi32> to vector<128x64xi32>
    %eq3A_435 = arith.cmpi eq, %iota3A, %eq3A_434 : vector<128x64xi32>
    %jit3A_436 = arith.constant 0x7F800000 : f32
    %broadcast_in_dim3A_437 = vector.broadcast %jit3A_436 : f32 to vector<128x64xf32>
    %select_n3A_438 = arith.select %eq3A_435, %broadcast_in_dim3A_437, %select_n3A_422 : vector<128x64xi1>, vector<128x64xf32>
    %reduce_min3A_439 = arith.constant dense<0x7F800000> : vector<128xf32>
    %reduce_min3A_440 = vector.multi_reduction <minimumf>, %select_n3A_438, %reduce_min3A_439 [1] : vector<128x64xf32> to vector<128xf32>
    %broadcast_in_dim3A_441 = vector.shape_cast %reduce_min3A_440 : vector<128xf32> to vector<128x1xf32>
    %eq3A_442 = vector.broadcast %broadcast_in_dim3A_441 : vector<128x1xf32> to vector<128x64xf32>
    %eq3A_443 = arith.cmpf oeq, %select_n3A_438, %eq3A_442 : vector<128x64xf32>
    %jit3A_444 = arith.constant 64 : i32
    %broadcast_in_dim3A_445 = vector.broadcast %jit3A_444 : i32 to vector<128x64xi32>
    %select_n3A_446 = arith.select %eq3A_443, %iota3A, %broadcast_in_dim3A_445 : vector<128x64xi1>, vector<128x64xi32>
    %reduce_min3A_447 = arith.constant dense<2147483647> : vector<128xi32>
    %reduce_min3A_448 = vector.multi_reduction <minsi>, %select_n3A_446, %reduce_min3A_447 [1] : vector<128x64xi32> to vector<128xi32>
    %broadcast_in_dim3A_449 = vector.shape_cast %reduce_min3A_448 : vector<128xi32> to vector<128x1xi32>
    %eq3A_450 = vector.broadcast %broadcast_in_dim3A_449 : vector<128x1xi32> to vector<128x64xi32>
    %eq3A_451 = arith.cmpi eq, %iota3A, %eq3A_450 : vector<128x64xi32>
    %jit3A_452 = arith.constant 0x7F800000 : f32
    %broadcast_in_dim3A_453 = vector.broadcast %jit3A_452 : f32 to vector<128x64xf32>
    %select_n3A_454 = arith.select %eq3A_451, %broadcast_in_dim3A_453, %select_n3A_438 : vector<128x64xi1>, vector<128x64xf32>
    %reduce_min3A_455 = arith.constant dense<0x7F800000> : vector<128xf32>
    %reduce_min3A_456 = vector.multi_reduction <minimumf>, %select_n3A_454, %reduce_min3A_455 [1] : vector<128x64xf32> to vector<128xf32>
    %broadcast_in_dim3A_457 = vector.shape_cast %reduce_min3A_456 : vector<128xf32> to vector<128x1xf32>
    %eq3A_458 = vector.broadcast %broadcast_in_dim3A_457 : vector<128x1xf32> to vector<128x64xf32>
    %eq3A_459 = arith.cmpf oeq, %select_n3A_454, %eq3A_458 : vector<128x64xf32>
    %jit3A_460 = arith.constant 64 : i32
    %broadcast_in_dim3A_461 = vector.broadcast %jit3A_460 : i32 to vector<128x64xi32>
    %select_n3A_462 = arith.select %eq3A_459, %iota3A, %broadcast_in_dim3A_461 : vector<128x64xi1>, vector<128x64xi32>
    %reduce_min3A_463 = arith.constant dense<2147483647> : vector<128xi32>
    %reduce_min3A_464 = vector.multi_reduction <minsi>, %select_n3A_462, %reduce_min3A_463 [1] : vector<128x64xi32> to vector<128xi32>
    %broadcast_in_dim3A_465 = vector.shape_cast %reduce_min3A_464 : vector<128xi32> to vector<128x1xi32>
    %eq3A_466 = vector.broadcast %broadcast_in_dim3A_465 : vector<128x1xi32> to vector<128x64xi32>
    %eq3A_467 = arith.cmpi eq, %iota3A, %eq3A_466 : vector<128x64xi32>
    %jit3A_468 = arith.constant 0x7F800000 : f32
    %broadcast_in_dim3A_469 = vector.broadcast %jit3A_468 : f32 to vector<128x64xf32>
    %select_n3A_470 = arith.select %eq3A_467, %broadcast_in_dim3A_469, %select_n3A_454 : vector<128x64xi1>, vector<128x64xf32>
    %reduce_min3A_471 = arith.constant dense<0x7F800000> : vector<128xf32>
    %reduce_min3A_472 = vector.multi_reduction <minimumf>, %select_n3A_470, %reduce_min3A_471 [1] : vector<128x64xf32> to vector<128xf32>
    %broadcast_in_dim3A_473 = vector.shape_cast %reduce_min3A_472 : vector<128xf32> to vector<128x1xf32>
    %eq3A_474 = vector.broadcast %broadcast_in_dim3A_473 : vector<128x1xf32> to vector<128x64xf32>
    %eq3A_475 = arith.cmpf oeq, %select_n3A_470, %eq3A_474 : vector<128x64xf32>
    %jit3A_476 = arith.constant 64 : i32
    %broadcast_in_dim3A_477 = vector.broadcast %jit3A_476 : i32 to vector<128x64xi32>
    %select_n3A_478 = arith.select %eq3A_475, %iota3A, %broadcast_in_dim3A_477 : vector<128x64xi1>, vector<128x64xi32>
    %reduce_min3A_479 = arith.constant dense<2147483647> : vector<128xi32>
    %reduce_min3A_480 = vector.multi_reduction <minsi>, %select_n3A_478, %reduce_min3A_479 [1] : vector<128x64xi32> to vector<128xi32>
    %broadcast_in_dim3A_481 = vector.shape_cast %reduce_min3A_480 : vector<128xi32> to vector<128x1xi32>
    %eq3A_482 = vector.broadcast %broadcast_in_dim3A_481 : vector<128x1xi32> to vector<128x64xi32>
    %eq3A_483 = arith.cmpi eq, %iota3A, %eq3A_482 : vector<128x64xi32>
    %jit3A_484 = arith.constant 0x7F800000 : f32
    %broadcast_in_dim3A_485 = vector.broadcast %jit3A_484 : f32 to vector<128x64xf32>
    %select_n3A_486 = arith.select %eq3A_483, %broadcast_in_dim3A_485, %select_n3A_470 : vector<128x64xi1>, vector<128x64xf32>
    %reduce_min3A_487 = arith.constant dense<0x7F800000> : vector<128xf32>
    %reduce_min3A_488 = vector.multi_reduction <minimumf>, %select_n3A_486, %reduce_min3A_487 [1] : vector<128x64xf32> to vector<128xf32>
    %broadcast_in_dim3A_489 = vector.shape_cast %reduce_min3A_488 : vector<128xf32> to vector<128x1xf32>
    %eq3A_490 = vector.broadcast %broadcast_in_dim3A_489 : vector<128x1xf32> to vector<128x64xf32>
    %eq3A_491 = arith.cmpf oeq, %select_n3A_486, %eq3A_490 : vector<128x64xf32>
    %jit3A_492 = arith.constant 64 : i32
    %broadcast_in_dim3A_493 = vector.broadcast %jit3A_492 : i32 to vector<128x64xi32>
    %select_n3A_494 = arith.select %eq3A_491, %iota3A, %broadcast_in_dim3A_493 : vector<128x64xi1>, vector<128x64xi32>
    %reduce_min3A_495 = arith.constant dense<2147483647> : vector<128xi32>
    %reduce_min3A_496 = vector.multi_reduction <minsi>, %select_n3A_494, %reduce_min3A_495 [1] : vector<128x64xi32> to vector<128xi32>
    %broadcast_in_dim3A_497 = vector.shape_cast %reduce_min3A_496 : vector<128xi32> to vector<128x1xi32>
    %eq3A_498 = vector.broadcast %broadcast_in_dim3A_497 : vector<128x1xi32> to vector<128x64xi32>
    %eq3A_499 = arith.cmpi eq, %iota3A, %eq3A_498 : vector<128x64xi32>
    %jit3A_500 = arith.constant 0x7F800000 : f32
    %broadcast_in_dim3A_501 = vector.broadcast %jit3A_500 : f32 to vector<128x64xf32>
    %select_n3A_502 = arith.select %eq3A_499, %broadcast_in_dim3A_501, %select_n3A_486 : vector<128x64xi1>, vector<128x64xf32>
    %reduce_min3A_503 = arith.constant dense<0x7F800000> : vector<128xf32>
    %reduce_min3A_504 = vector.multi_reduction <minimumf>, %select_n3A_502, %reduce_min3A_503 [1] : vector<128x64xf32> to vector<128xf32>
    %broadcast_in_dim3A_505 = vector.shape_cast %reduce_min3A_504 : vector<128xf32> to vector<128x1xf32>
    %eq3A_506 = vector.broadcast %broadcast_in_dim3A_505 : vector<128x1xf32> to vector<128x64xf32>
    %eq3A_507 = arith.cmpf oeq, %select_n3A_502, %eq3A_506 : vector<128x64xf32>
    %jit3A_508 = arith.constant 64 : i32
    %broadcast_in_dim3A_509 = vector.broadcast %jit3A_508 : i32 to vector<128x64xi32>
    %select_n3A_510 = arith.select %eq3A_507, %iota3A, %broadcast_in_dim3A_509 : vector<128x64xi1>, vector<128x64xi32>
    %reduce_min3A_511 = arith.constant dense<2147483647> : vector<128xi32>
    %reduce_min3A_512 = vector.multi_reduction <minsi>, %select_n3A_510, %reduce_min3A_511 [1] : vector<128x64xi32> to vector<128xi32>
    %broadcast_in_dim3A_513 = vector.shape_cast %reduce_min3A_512 : vector<128xi32> to vector<128x1xi32>
    %eq3A_514 = vector.broadcast %broadcast_in_dim3A_513 : vector<128x1xi32> to vector<128x64xi32>
    %eq3A_515 = arith.cmpi eq, %iota3A, %eq3A_514 : vector<128x64xi32>
    %jit3A_516 = arith.constant 0x7F800000 : f32
    %broadcast_in_dim3A_517 = vector.broadcast %jit3A_516 : f32 to vector<128x64xf32>
    %select_n3A_518 = arith.select %eq3A_515, %broadcast_in_dim3A_517, %select_n3A_502 : vector<128x64xi1>, vector<128x64xf32>
    %reduce_min3A_519 = arith.constant dense<0x7F800000> : vector<128xf32>
    %reduce_min3A_520 = vector.multi_reduction <minimumf>, %select_n3A_518, %reduce_min3A_519 [1] : vector<128x64xf32> to vector<128xf32>
    %broadcast_in_dim3A_521 = vector.shape_cast %reduce_min3A_520 : vector<128xf32> to vector<128x1xf32>
    %eq3A_522 = vector.broadcast %broadcast_in_dim3A_521 : vector<128x1xf32> to vector<128x64xf32>
    %eq3A_523 = arith.cmpf oeq, %select_n3A_518, %eq3A_522 : vector<128x64xf32>
    %jit3A_524 = arith.constant 64 : i32
    %broadcast_in_dim3A_525 = vector.broadcast %jit3A_524 : i32 to vector<128x64xi32>
    %select_n3A_526 = arith.select %eq3A_523, %iota3A, %broadcast_in_dim3A_525 : vector<128x64xi1>, vector<128x64xi32>
    %reduce_min3A_527 = arith.constant dense<2147483647> : vector<128xi32>
    %reduce_min3A_528 = vector.multi_reduction <minsi>, %select_n3A_526, %reduce_min3A_527 [1] : vector<128x64xi32> to vector<128xi32>
    %broadcast_in_dim3A_529 = vector.shape_cast %reduce_min3A_528 : vector<128xi32> to vector<128x1xi32>
    %eq3A_530 = vector.broadcast %broadcast_in_dim3A_529 : vector<128x1xi32> to vector<128x64xi32>
    %eq3A_531 = arith.cmpi eq, %iota3A, %eq3A_530 : vector<128x64xi32>
    %jit3A_532 = arith.constant 0x7F800000 : f32
    %broadcast_in_dim3A_533 = vector.broadcast %jit3A_532 : f32 to vector<128x64xf32>
    %select_n3A_534 = arith.select %eq3A_531, %broadcast_in_dim3A_533, %select_n3A_518 : vector<128x64xi1>, vector<128x64xf32>
    %reduce_min3A_535 = arith.constant dense<0x7F800000> : vector<128xf32>
    %reduce_min3A_536 = vector.multi_reduction <minimumf>, %select_n3A_534, %reduce_min3A_535 [1] : vector<128x64xf32> to vector<128xf32>
    %broadcast_in_dim3A_537 = vector.shape_cast %reduce_min3A_536 : vector<128xf32> to vector<128x1xf32>
    %eq3A_538 = vector.broadcast %broadcast_in_dim3A_537 : vector<128x1xf32> to vector<128x64xf32>
    %eq3A_539 = arith.cmpf oeq, %select_n3A_534, %eq3A_538 : vector<128x64xf32>
    %jit3A_540 = arith.constant 64 : i32
    %broadcast_in_dim3A_541 = vector.broadcast %jit3A_540 : i32 to vector<128x64xi32>
    %select_n3A_542 = arith.select %eq3A_539, %iota3A, %broadcast_in_dim3A_541 : vector<128x64xi1>, vector<128x64xi32>
    %reduce_min3A_543 = arith.constant dense<2147483647> : vector<128xi32>
    %reduce_min3A_544 = vector.multi_reduction <minsi>, %select_n3A_542, %reduce_min3A_543 [1] : vector<128x64xi32> to vector<128xi32>
    %broadcast_in_dim3A_545 = vector.shape_cast %reduce_min3A_544 : vector<128xi32> to vector<128x1xi32>
    %eq3A_546 = vector.broadcast %broadcast_in_dim3A_545 : vector<128x1xi32> to vector<128x64xi32>
    %eq3A_547 = arith.cmpi eq, %iota3A, %eq3A_546 : vector<128x64xi32>
    %jit3A_548 = arith.constant 0x7F800000 : f32
    %broadcast_in_dim3A_549 = vector.broadcast %jit3A_548 : f32 to vector<128x64xf32>
    %select_n3A_550 = arith.select %eq3A_547, %broadcast_in_dim3A_549, %select_n3A_534 : vector<128x64xi1>, vector<128x64xf32>
    %reduce_min3A_551 = arith.constant dense<0x7F800000> : vector<128xf32>
    %reduce_min3A_552 = vector.multi_reduction <minimumf>, %select_n3A_550, %reduce_min3A_551 [1] : vector<128x64xf32> to vector<128xf32>
    %broadcast_in_dim3A_553 = vector.shape_cast %reduce_min3A_552 : vector<128xf32> to vector<128x1xf32>
    %eq3A_554 = vector.broadcast %broadcast_in_dim3A_553 : vector<128x1xf32> to vector<128x64xf32>
    %eq3A_555 = arith.cmpf oeq, %select_n3A_550, %eq3A_554 : vector<128x64xf32>
    %jit3A_556 = arith.constant 64 : i32
    %broadcast_in_dim3A_557 = vector.broadcast %jit3A_556 : i32 to vector<128x64xi32>
    %select_n3A_558 = arith.select %eq3A_555, %iota3A, %broadcast_in_dim3A_557 : vector<128x64xi1>, vector<128x64xi32>
    %reduce_min3A_559 = arith.constant dense<2147483647> : vector<128xi32>
    %reduce_min3A_560 = vector.multi_reduction <minsi>, %select_n3A_558, %reduce_min3A_559 [1] : vector<128x64xi32> to vector<128xi32>
    %broadcast_in_dim3A_561 = vector.shape_cast %reduce_min3A_560 : vector<128xi32> to vector<128x1xi32>
    %eq3A_562 = vector.broadcast %broadcast_in_dim3A_561 : vector<128x1xi32> to vector<128x64xi32>
    %eq3A_563 = arith.cmpi eq, %iota3A, %eq3A_562 : vector<128x64xi32>
    %jit3A_564 = arith.constant 0x7F800000 : f32
    %broadcast_in_dim3A_565 = vector.broadcast %jit3A_564 : f32 to vector<128x64xf32>
    %select_n3A_566 = arith.select %eq3A_563, %broadcast_in_dim3A_565, %select_n3A_550 : vector<128x64xi1>, vector<128x64xf32>
    %reduce_min3A_567 = arith.constant dense<0x7F800000> : vector<128xf32>
    %reduce_min3A_568 = vector.multi_reduction <minimumf>, %select_n3A_566, %reduce_min3A_567 [1] : vector<128x64xf32> to vector<128xf32>
    %broadcast_in_dim3A_569 = vector.shape_cast %reduce_min3A_568 : vector<128xf32> to vector<128x1xf32>
    %eq3A_570 = vector.broadcast %broadcast_in_dim3A_569 : vector<128x1xf32> to vector<128x64xf32>
    %eq3A_571 = arith.cmpf oeq, %select_n3A_566, %eq3A_570 : vector<128x64xf32>
    %jit3A_572 = arith.constant 64 : i32
    %broadcast_in_dim3A_573 = vector.broadcast %jit3A_572 : i32 to vector<128x64xi32>
    %select_n3A_574 = arith.select %eq3A_571, %iota3A, %broadcast_in_dim3A_573 : vector<128x64xi1>, vector<128x64xi32>
    %reduce_min3A_575 = arith.constant dense<2147483647> : vector<128xi32>
    %reduce_min3A_576 = vector.multi_reduction <minsi>, %select_n3A_574, %reduce_min3A_575 [1] : vector<128x64xi32> to vector<128xi32>
    %broadcast_in_dim3A_577 = vector.shape_cast %reduce_min3A_576 : vector<128xi32> to vector<128x1xi32>
    %eq3A_578 = vector.broadcast %broadcast_in_dim3A_577 : vector<128x1xi32> to vector<128x64xi32>
    %eq3A_579 = arith.cmpi eq, %iota3A, %eq3A_578 : vector<128x64xi32>
    %jit3A_580 = arith.constant 0x7F800000 : f32
    %broadcast_in_dim3A_581 = vector.broadcast %jit3A_580 : f32 to vector<128x64xf32>
    %select_n3A_582 = arith.select %eq3A_579, %broadcast_in_dim3A_581, %select_n3A_566 : vector<128x64xi1>, vector<128x64xf32>
    %reduce_min3A_583 = arith.constant dense<0x7F800000> : vector<128xf32>
    %reduce_min3A_584 = vector.multi_reduction <minimumf>, %select_n3A_582, %reduce_min3A_583 [1] : vector<128x64xf32> to vector<128xf32>
    %broadcast_in_dim3A_585 = vector.shape_cast %reduce_min3A_584 : vector<128xf32> to vector<128x1xf32>
    %eq3A_586 = vector.broadcast %broadcast_in_dim3A_585 : vector<128x1xf32> to vector<128x64xf32>
    %eq3A_587 = arith.cmpf oeq, %select_n3A_582, %eq3A_586 : vector<128x64xf32>
    %jit3A_588 = arith.constant 64 : i32
    %broadcast_in_dim3A_589 = vector.broadcast %jit3A_588 : i32 to vector<128x64xi32>
    %select_n3A_590 = arith.select %eq3A_587, %iota3A, %broadcast_in_dim3A_589 : vector<128x64xi1>, vector<128x64xi32>
    %reduce_min3A_591 = arith.constant dense<2147483647> : vector<128xi32>
    %reduce_min3A_592 = vector.multi_reduction <minsi>, %select_n3A_590, %reduce_min3A_591 [1] : vector<128x64xi32> to vector<128xi32>
    %broadcast_in_dim3A_593 = vector.shape_cast %reduce_min3A_592 : vector<128xi32> to vector<128x1xi32>
    %eq3A_594 = vector.broadcast %broadcast_in_dim3A_593 : vector<128x1xi32> to vector<128x64xi32>
    %eq3A_595 = arith.cmpi eq, %iota3A, %eq3A_594 : vector<128x64xi32>
    %jit3A_596 = arith.constant 0x7F800000 : f32
    %broadcast_in_dim3A_597 = vector.broadcast %jit3A_596 : f32 to vector<128x64xf32>
    %select_n3A_598 = arith.select %eq3A_595, %broadcast_in_dim3A_597, %select_n3A_582 : vector<128x64xi1>, vector<128x64xf32>
    %reduce_min3A_599 = arith.constant dense<0x7F800000> : vector<128xf32>
    %reduce_min3A_600 = vector.multi_reduction <minimumf>, %select_n3A_598, %reduce_min3A_599 [1] : vector<128x64xf32> to vector<128xf32>
    %broadcast_in_dim3A_601 = vector.shape_cast %reduce_min3A_600 : vector<128xf32> to vector<128x1xf32>
    %eq3A_602 = vector.broadcast %broadcast_in_dim3A_601 : vector<128x1xf32> to vector<128x64xf32>
    %eq3A_603 = arith.cmpf oeq, %select_n3A_598, %eq3A_602 : vector<128x64xf32>
    %jit3A_604 = arith.constant 64 : i32
    %broadcast_in_dim3A_605 = vector.broadcast %jit3A_604 : i32 to vector<128x64xi32>
    %select_n3A_606 = arith.select %eq3A_603, %iota3A, %broadcast_in_dim3A_605 : vector<128x64xi1>, vector<128x64xi32>
    %reduce_min3A_607 = arith.constant dense<2147483647> : vector<128xi32>
    %reduce_min3A_608 = vector.multi_reduction <minsi>, %select_n3A_606, %reduce_min3A_607 [1] : vector<128x64xi32> to vector<128xi32>
    %broadcast_in_dim3A_609 = vector.shape_cast %reduce_min3A_608 : vector<128xi32> to vector<128x1xi32>
    %eq3A_610 = vector.broadcast %broadcast_in_dim3A_609 : vector<128x1xi32> to vector<128x64xi32>
    %eq3A_611 = arith.cmpi eq, %iota3A, %eq3A_610 : vector<128x64xi32>
    %jit3A_612 = arith.constant 0x7F800000 : f32
    %broadcast_in_dim3A_613 = vector.broadcast %jit3A_612 : f32 to vector<128x64xf32>
    %select_n3A_614 = arith.select %eq3A_611, %broadcast_in_dim3A_613, %select_n3A_598 : vector<128x64xi1>, vector<128x64xf32>
    %reduce_min3A_615 = arith.constant dense<0x7F800000> : vector<128xf32>
    %reduce_min3A_616 = vector.multi_reduction <minimumf>, %select_n3A_614, %reduce_min3A_615 [1] : vector<128x64xf32> to vector<128xf32>
    %broadcast_in_dim3A_617 = vector.shape_cast %reduce_min3A_616 : vector<128xf32> to vector<128x1xf32>
    %eq3A_618 = vector.broadcast %broadcast_in_dim3A_617 : vector<128x1xf32> to vector<128x64xf32>
    %eq3A_619 = arith.cmpf oeq, %select_n3A_614, %eq3A_618 : vector<128x64xf32>
    %jit3A_620 = arith.constant 64 : i32
    %broadcast_in_dim3A_621 = vector.broadcast %jit3A_620 : i32 to vector<128x64xi32>
    %select_n3A_622 = arith.select %eq3A_619, %iota3A, %broadcast_in_dim3A_621 : vector<128x64xi1>, vector<128x64xi32>
    %reduce_min3A_623 = arith.constant dense<2147483647> : vector<128xi32>
    %reduce_min3A_624 = vector.multi_reduction <minsi>, %select_n3A_622, %reduce_min3A_623 [1] : vector<128x64xi32> to vector<128xi32>
    %broadcast_in_dim3A_625 = vector.shape_cast %reduce_min3A_624 : vector<128xi32> to vector<128x1xi32>
    %eq3A_626 = vector.broadcast %broadcast_in_dim3A_625 : vector<128x1xi32> to vector<128x64xi32>
    %eq3A_627 = arith.cmpi eq, %iota3A, %eq3A_626 : vector<128x64xi32>
    %jit3A_628 = arith.constant 0x7F800000 : f32
    %broadcast_in_dim3A_629 = vector.broadcast %jit3A_628 : f32 to vector<128x64xf32>
    %select_n3A_630 = arith.select %eq3A_627, %broadcast_in_dim3A_629, %select_n3A_614 : vector<128x64xi1>, vector<128x64xf32>
    %reduce_min3A_631 = arith.constant dense<0x7F800000> : vector<128xf32>
    %reduce_min3A_632 = vector.multi_reduction <minimumf>, %select_n3A_630, %reduce_min3A_631 [1] : vector<128x64xf32> to vector<128xf32>
    %broadcast_in_dim3A_633 = vector.shape_cast %reduce_min3A_632 : vector<128xf32> to vector<128x1xf32>
    %eq3A_634 = vector.broadcast %broadcast_in_dim3A_633 : vector<128x1xf32> to vector<128x64xf32>
    %eq3A_635 = arith.cmpf oeq, %select_n3A_630, %eq3A_634 : vector<128x64xf32>
    %jit3A_636 = arith.constant 64 : i32
    %broadcast_in_dim3A_637 = vector.broadcast %jit3A_636 : i32 to vector<128x64xi32>
    %select_n3A_638 = arith.select %eq3A_635, %iota3A, %broadcast_in_dim3A_637 : vector<128x64xi1>, vector<128x64xi32>
    %reduce_min3A_639 = arith.constant dense<2147483647> : vector<128xi32>
    %reduce_min3A_640 = vector.multi_reduction <minsi>, %select_n3A_638, %reduce_min3A_639 [1] : vector<128x64xi32> to vector<128xi32>
    %broadcast_in_dim3A_641 = vector.shape_cast %reduce_min3A_640 : vector<128xi32> to vector<128x1xi32>
    %eq3A_642 = vector.broadcast %broadcast_in_dim3A_641 : vector<128x1xi32> to vector<128x64xi32>
    %eq3A_643 = arith.cmpi eq, %iota3A, %eq3A_642 : vector<128x64xi32>
    %jit3A_644 = arith.constant 0x7F800000 : f32
    %broadcast_in_dim3A_645 = vector.broadcast %jit3A_644 : f32 to vector<128x64xf32>
    %select_n3A_646 = arith.select %eq3A_643, %broadcast_in_dim3A_645, %select_n3A_630 : vector<128x64xi1>, vector<128x64xf32>
    %reduce_min3A_647 = arith.constant dense<0x7F800000> : vector<128xf32>
    %reduce_min3A_648 = vector.multi_reduction <minimumf>, %select_n3A_646, %reduce_min3A_647 [1] : vector<128x64xf32> to vector<128xf32>
    %broadcast_in_dim3A_649 = vector.shape_cast %reduce_min3A_648 : vector<128xf32> to vector<128x1xf32>
    %eq3A_650 = vector.broadcast %broadcast_in_dim3A_649 : vector<128x1xf32> to vector<128x64xf32>
    %eq3A_651 = arith.cmpf oeq, %select_n3A_646, %eq3A_650 : vector<128x64xf32>
    %jit3A_652 = arith.constant 64 : i32
    %broadcast_in_dim3A_653 = vector.broadcast %jit3A_652 : i32 to vector<128x64xi32>
    %select_n3A_654 = arith.select %eq3A_651, %iota3A, %broadcast_in_dim3A_653 : vector<128x64xi1>, vector<128x64xi32>
    %reduce_min3A_655 = arith.constant dense<2147483647> : vector<128xi32>
    %reduce_min3A_656 = vector.multi_reduction <minsi>, %select_n3A_654, %reduce_min3A_655 [1] : vector<128x64xi32> to vector<128xi32>
    %broadcast_in_dim3A_657 = vector.shape_cast %reduce_min3A_656 : vector<128xi32> to vector<128x1xi32>
    %eq3A_658 = vector.broadcast %broadcast_in_dim3A_657 : vector<128x1xi32> to vector<128x64xi32>
    %eq3A_659 = arith.cmpi eq, %iota3A, %eq3A_658 : vector<128x64xi32>
    %jit3A_660 = arith.constant 0x7F800000 : f32
    %broadcast_in_dim3A_661 = vector.broadcast %jit3A_660 : f32 to vector<128x64xf32>
    %select_n3A_662 = arith.select %eq3A_659, %broadcast_in_dim3A_661, %select_n3A_646 : vector<128x64xi1>, vector<128x64xf32>
    %reduce_min3A_663 = arith.constant dense<0x7F800000> : vector<128xf32>
    %reduce_min3A_664 = vector.multi_reduction <minimumf>, %select_n3A_662, %reduce_min3A_663 [1] : vector<128x64xf32> to vector<128xf32>
    %broadcast_in_dim3A_665 = vector.shape_cast %reduce_min3A_664 : vector<128xf32> to vector<128x1xf32>
    %eq3A_666 = vector.broadcast %broadcast_in_dim3A_665 : vector<128x1xf32> to vector<128x64xf32>
    %eq3A_667 = arith.cmpf oeq, %select_n3A_662, %eq3A_666 : vector<128x64xf32>
    %jit3A_668 = arith.constant 64 : i32
    %broadcast_in_dim3A_669 = vector.broadcast %jit3A_668 : i32 to vector<128x64xi32>
    %select_n3A_670 = arith.select %eq3A_667, %iota3A, %broadcast_in_dim3A_669 : vector<128x64xi1>, vector<128x64xi32>
    %reduce_min3A_671 = arith.constant dense<2147483647> : vector<128xi32>
    %reduce_min3A_672 = vector.multi_reduction <minsi>, %select_n3A_670, %reduce_min3A_671 [1] : vector<128x64xi32> to vector<128xi32>
    %broadcast_in_dim3A_673 = vector.shape_cast %reduce_min3A_672 : vector<128xi32> to vector<128x1xi32>
    %eq3A_674 = vector.broadcast %broadcast_in_dim3A_673 : vector<128x1xi32> to vector<128x64xi32>
    %eq3A_675 = arith.cmpi eq, %iota3A, %eq3A_674 : vector<128x64xi32>
    %jit3A_676 = arith.constant 0x7F800000 : f32
    %broadcast_in_dim3A_677 = vector.broadcast %jit3A_676 : f32 to vector<128x64xf32>
    %select_n3A_678 = arith.select %eq3A_675, %broadcast_in_dim3A_677, %select_n3A_662 : vector<128x64xi1>, vector<128x64xf32>
    %reduce_min3A_679 = arith.constant dense<0x7F800000> : vector<128xf32>
    %reduce_min3A_680 = vector.multi_reduction <minimumf>, %select_n3A_678, %reduce_min3A_679 [1] : vector<128x64xf32> to vector<128xf32>
    %broadcast_in_dim3A_681 = vector.shape_cast %reduce_min3A_680 : vector<128xf32> to vector<128x1xf32>
    %eq3A_682 = vector.broadcast %broadcast_in_dim3A_681 : vector<128x1xf32> to vector<128x64xf32>
    %eq3A_683 = arith.cmpf oeq, %select_n3A_678, %eq3A_682 : vector<128x64xf32>
    %jit3A_684 = arith.constant 64 : i32
    %broadcast_in_dim3A_685 = vector.broadcast %jit3A_684 : i32 to vector<128x64xi32>
    %select_n3A_686 = arith.select %eq3A_683, %iota3A, %broadcast_in_dim3A_685 : vector<128x64xi1>, vector<128x64xi32>
    %reduce_min3A_687 = arith.constant dense<2147483647> : vector<128xi32>
    %reduce_min3A_688 = vector.multi_reduction <minsi>, %select_n3A_686, %reduce_min3A_687 [1] : vector<128x64xi32> to vector<128xi32>
    %broadcast_in_dim3A_689 = vector.shape_cast %reduce_min3A_688 : vector<128xi32> to vector<128x1xi32>
    %eq3A_690 = vector.broadcast %broadcast_in_dim3A_689 : vector<128x1xi32> to vector<128x64xi32>
    %eq3A_691 = arith.cmpi eq, %iota3A, %eq3A_690 : vector<128x64xi32>
    %jit3A_692 = arith.constant 0x7F800000 : f32
    %broadcast_in_dim3A_693 = vector.broadcast %jit3A_692 : f32 to vector<128x64xf32>
    %select_n3A_694 = arith.select %eq3A_691, %broadcast_in_dim3A_693, %select_n3A_678 : vector<128x64xi1>, vector<128x64xf32>
    %reduce_min3A_695 = arith.constant dense<0x7F800000> : vector<128xf32>
    %reduce_min3A_696 = vector.multi_reduction <minimumf>, %select_n3A_694, %reduce_min3A_695 [1] : vector<128x64xf32> to vector<128xf32>
    %broadcast_in_dim3A_697 = vector.shape_cast %reduce_min3A_696 : vector<128xf32> to vector<128x1xf32>
    %eq3A_698 = vector.broadcast %broadcast_in_dim3A_697 : vector<128x1xf32> to vector<128x64xf32>
    %eq3A_699 = arith.cmpf oeq, %select_n3A_694, %eq3A_698 : vector<128x64xf32>
    %jit3A_700 = arith.constant 64 : i32
    %broadcast_in_dim3A_701 = vector.broadcast %jit3A_700 : i32 to vector<128x64xi32>
    %select_n3A_702 = arith.select %eq3A_699, %iota3A, %broadcast_in_dim3A_701 : vector<128x64xi1>, vector<128x64xi32>
    %reduce_min3A_703 = arith.constant dense<2147483647> : vector<128xi32>
    %reduce_min3A_704 = vector.multi_reduction <minsi>, %select_n3A_702, %reduce_min3A_703 [1] : vector<128x64xi32> to vector<128xi32>
    %broadcast_in_dim3A_705 = vector.shape_cast %reduce_min3A_704 : vector<128xi32> to vector<128x1xi32>
    %eq3A_706 = vector.broadcast %broadcast_in_dim3A_705 : vector<128x1xi32> to vector<128x64xi32>
    %eq3A_707 = arith.cmpi eq, %iota3A, %eq3A_706 : vector<128x64xi32>
    %jit3A_708 = arith.constant 0x7F800000 : f32
    %broadcast_in_dim3A_709 = vector.broadcast %jit3A_708 : f32 to vector<128x64xf32>
    %select_n3A_710 = arith.select %eq3A_707, %broadcast_in_dim3A_709, %select_n3A_694 : vector<128x64xi1>, vector<128x64xf32>
    %reduce_min3A_711 = arith.constant dense<0x7F800000> : vector<128xf32>
    %reduce_min3A_712 = vector.multi_reduction <minimumf>, %select_n3A_710, %reduce_min3A_711 [1] : vector<128x64xf32> to vector<128xf32>
    %broadcast_in_dim3A_713 = vector.shape_cast %reduce_min3A_712 : vector<128xf32> to vector<128x1xf32>
    %eq3A_714 = vector.broadcast %broadcast_in_dim3A_713 : vector<128x1xf32> to vector<128x64xf32>
    %eq3A_715 = arith.cmpf oeq, %select_n3A_710, %eq3A_714 : vector<128x64xf32>
    %jit3A_716 = arith.constant 64 : i32
    %broadcast_in_dim3A_717 = vector.broadcast %jit3A_716 : i32 to vector<128x64xi32>
    %select_n3A_718 = arith.select %eq3A_715, %iota3A, %broadcast_in_dim3A_717 : vector<128x64xi1>, vector<128x64xi32>
    %reduce_min3A_719 = arith.constant dense<2147483647> : vector<128xi32>
    %reduce_min3A_720 = vector.multi_reduction <minsi>, %select_n3A_718, %reduce_min3A_719 [1] : vector<128x64xi32> to vector<128xi32>
    %broadcast_in_dim3A_721 = vector.shape_cast %reduce_min3A_720 : vector<128xi32> to vector<128x1xi32>
    %eq3A_722 = vector.broadcast %broadcast_in_dim3A_721 : vector<128x1xi32> to vector<128x64xi32>
    %eq3A_723 = arith.cmpi eq, %iota3A, %eq3A_722 : vector<128x64xi32>
    %jit3A_724 = arith.constant 0x7F800000 : f32
    %broadcast_in_dim3A_725 = vector.broadcast %jit3A_724 : f32 to vector<128x64xf32>
    %select_n3A_726 = arith.select %eq3A_723, %broadcast_in_dim3A_725, %select_n3A_710 : vector<128x64xi1>, vector<128x64xf32>
    %reduce_min3A_727 = arith.constant dense<0x7F800000> : vector<128xf32>
    %reduce_min3A_728 = vector.multi_reduction <minimumf>, %select_n3A_726, %reduce_min3A_727 [1] : vector<128x64xf32> to vector<128xf32>
    %broadcast_in_dim3A_729 = vector.shape_cast %reduce_min3A_728 : vector<128xf32> to vector<128x1xf32>
    %eq3A_730 = vector.broadcast %broadcast_in_dim3A_729 : vector<128x1xf32> to vector<128x64xf32>
    %eq3A_731 = arith.cmpf oeq, %select_n3A_726, %eq3A_730 : vector<128x64xf32>
    %jit3A_732 = arith.constant 64 : i32
    %broadcast_in_dim3A_733 = vector.broadcast %jit3A_732 : i32 to vector<128x64xi32>
    %select_n3A_734 = arith.select %eq3A_731, %iota3A, %broadcast_in_dim3A_733 : vector<128x64xi1>, vector<128x64xi32>
    %reduce_min3A_735 = arith.constant dense<2147483647> : vector<128xi32>
    %reduce_min3A_736 = vector.multi_reduction <minsi>, %select_n3A_734, %reduce_min3A_735 [1] : vector<128x64xi32> to vector<128xi32>
    %broadcast_in_dim3A_737 = vector.shape_cast %reduce_min3A_736 : vector<128xi32> to vector<128x1xi32>
    %eq3A_738 = vector.broadcast %broadcast_in_dim3A_737 : vector<128x1xi32> to vector<128x64xi32>
    %eq3A_739 = arith.cmpi eq, %iota3A, %eq3A_738 : vector<128x64xi32>
    %jit3A_740 = arith.constant 0x7F800000 : f32
    %broadcast_in_dim3A_741 = vector.broadcast %jit3A_740 : f32 to vector<128x64xf32>
    %select_n3A_742 = arith.select %eq3A_739, %broadcast_in_dim3A_741, %select_n3A_726 : vector<128x64xi1>, vector<128x64xf32>
    %reduce_min3A_743 = arith.constant dense<0x7F800000> : vector<128xf32>
    %reduce_min3A_744 = vector.multi_reduction <minimumf>, %select_n3A_742, %reduce_min3A_743 [1] : vector<128x64xf32> to vector<128xf32>
    %broadcast_in_dim3A_745 = vector.shape_cast %reduce_min3A_744 : vector<128xf32> to vector<128x1xf32>
    %eq3A_746 = vector.broadcast %broadcast_in_dim3A_745 : vector<128x1xf32> to vector<128x64xf32>
    %eq3A_747 = arith.cmpf oeq, %select_n3A_742, %eq3A_746 : vector<128x64xf32>
    %jit3A_748 = arith.constant 64 : i32
    %broadcast_in_dim3A_749 = vector.broadcast %jit3A_748 : i32 to vector<128x64xi32>
    %select_n3A_750 = arith.select %eq3A_747, %iota3A, %broadcast_in_dim3A_749 : vector<128x64xi1>, vector<128x64xi32>
    %reduce_min3A_751 = arith.constant dense<2147483647> : vector<128xi32>
    %reduce_min3A_752 = vector.multi_reduction <minsi>, %select_n3A_750, %reduce_min3A_751 [1] : vector<128x64xi32> to vector<128xi32>
    %broadcast_in_dim3A_753 = vector.shape_cast %reduce_min3A_752 : vector<128xi32> to vector<128x1xi32>
    %eq3A_754 = vector.broadcast %broadcast_in_dim3A_753 : vector<128x1xi32> to vector<128x64xi32>
    %eq3A_755 = arith.cmpi eq, %iota3A, %eq3A_754 : vector<128x64xi32>
    %jit3A_756 = arith.constant 0x7F800000 : f32
    %broadcast_in_dim3A_757 = vector.broadcast %jit3A_756 : f32 to vector<128x64xf32>
    %select_n3A_758 = arith.select %eq3A_755, %broadcast_in_dim3A_757, %select_n3A_742 : vector<128x64xi1>, vector<128x64xf32>
    %reduce_min3A_759 = arith.constant dense<0x7F800000> : vector<128xf32>
    %reduce_min3A_760 = vector.multi_reduction <minimumf>, %select_n3A_758, %reduce_min3A_759 [1] : vector<128x64xf32> to vector<128xf32>
    %broadcast_in_dim3A_761 = vector.shape_cast %reduce_min3A_760 : vector<128xf32> to vector<128x1xf32>
    %eq3A_762 = vector.broadcast %broadcast_in_dim3A_761 : vector<128x1xf32> to vector<128x64xf32>
    %eq3A_763 = arith.cmpf oeq, %select_n3A_758, %eq3A_762 : vector<128x64xf32>
    %jit3A_764 = arith.constant 64 : i32
    %broadcast_in_dim3A_765 = vector.broadcast %jit3A_764 : i32 to vector<128x64xi32>
    %select_n3A_766 = arith.select %eq3A_763, %iota3A, %broadcast_in_dim3A_765 : vector<128x64xi1>, vector<128x64xi32>
    %reduce_min3A_767 = arith.constant dense<2147483647> : vector<128xi32>
    %reduce_min3A_768 = vector.multi_reduction <minsi>, %select_n3A_766, %reduce_min3A_767 [1] : vector<128x64xi32> to vector<128xi32>
    %broadcast_in_dim3A_769 = vector.shape_cast %reduce_min3A_768 : vector<128xi32> to vector<128x1xi32>
    %eq3A_770 = vector.broadcast %broadcast_in_dim3A_769 : vector<128x1xi32> to vector<128x64xi32>
    %eq3A_771 = arith.cmpi eq, %iota3A, %eq3A_770 : vector<128x64xi32>
    %jit3A_772 = arith.constant 0x7F800000 : f32
    %broadcast_in_dim3A_773 = vector.broadcast %jit3A_772 : f32 to vector<128x64xf32>
    %select_n3A_774 = arith.select %eq3A_771, %broadcast_in_dim3A_773, %select_n3A_758 : vector<128x64xi1>, vector<128x64xf32>
    %reduce_min3A_775 = arith.constant dense<0x7F800000> : vector<128xf32>
    %reduce_min3A_776 = vector.multi_reduction <minimumf>, %select_n3A_774, %reduce_min3A_775 [1] : vector<128x64xf32> to vector<128xf32>
    %broadcast_in_dim3A_777 = vector.shape_cast %reduce_min3A_776 : vector<128xf32> to vector<128x1xf32>
    %eq3A_778 = vector.broadcast %broadcast_in_dim3A_777 : vector<128x1xf32> to vector<128x64xf32>
    %eq3A_779 = arith.cmpf oeq, %select_n3A_774, %eq3A_778 : vector<128x64xf32>
    %jit3A_780 = arith.constant 64 : i32
    %broadcast_in_dim3A_781 = vector.broadcast %jit3A_780 : i32 to vector<128x64xi32>
    %select_n3A_782 = arith.select %eq3A_779, %iota3A, %broadcast_in_dim3A_781 : vector<128x64xi1>, vector<128x64xi32>
    %reduce_min3A_783 = arith.constant dense<2147483647> : vector<128xi32>
    %reduce_min3A_784 = vector.multi_reduction <minsi>, %select_n3A_782, %reduce_min3A_783 [1] : vector<128x64xi32> to vector<128xi32>
    %broadcast_in_dim3A_785 = vector.shape_cast %reduce_min3A_784 : vector<128xi32> to vector<128x1xi32>
    %eq3A_786 = vector.broadcast %broadcast_in_dim3A_785 : vector<128x1xi32> to vector<128x64xi32>
    %eq3A_787 = arith.cmpi eq, %iota3A, %eq3A_786 : vector<128x64xi32>
    %jit3A_788 = arith.constant 0x7F800000 : f32
    %broadcast_in_dim3A_789 = vector.broadcast %jit3A_788 : f32 to vector<128x64xf32>
    %select_n3A_790 = arith.select %eq3A_787, %broadcast_in_dim3A_789, %select_n3A_774 : vector<128x64xi1>, vector<128x64xf32>
    %reduce_min3A_791 = arith.constant dense<0x7F800000> : vector<128xf32>
    %reduce_min3A_792 = vector.multi_reduction <minimumf>, %select_n3A_790, %reduce_min3A_791 [1] : vector<128x64xf32> to vector<128xf32>
    %swap3A_793 = arith.constant 0 : index
    %swap3A_794 = arith.constant 0 : index
    %swap3A_795 = arith.constant 0 : index
    %swap3A_796 = vector.load %arg8[%swap3A_793, %swap3A_794, %swap3A_795] : memref<1x1x128xf32, #tpu.memory_space<vmem>>, vector<1x1x128xf32>
    %swap3A_797 = vector.shape_cast %swap3A_796 : vector<1x1x128xf32> to vector<128xf32>
    %swap3A_798 = vector.shape_cast %reduce_min3A_792 : vector<128xf32> to vector<1x1x128xf32>
    tpu.vector_store %arg8[%swap3A_793, %swap3A_794, %swap3A_795], %swap3A_798 {strides = array<i32>} : memref<1x1x128xf32, #tpu.memory_space<vmem>>, vector<1x1x128xf32>,
    return
  }
  func.func @transform_0(%arg0: i32) -> (i32, i32, i32) {
    %c0_i32 = arith.constant 0 : i32
    %c0_i32_0 = arith.constant 0 : i32
    %c0_i32_1 = arith.constant 0 : i32
    return %arg0, %c0_i32, %c0_i32_0 : i32, i32, i32
  }
  func.func @transform_1(%arg0: i32) -> (i32, i32, i32) {
    %c0_i32 = arith.constant 0 : i32
    %c0_i32_0 = arith.constant 0 : i32
    %c0_i32_1 = arith.constant 0 : i32
    return %arg0, %c0_i32, %c0_i32_0 : i32, i32, i32
  }
  func.func @transform_2(%arg0: i32) -> (i32, i32, i32) {
    %c0_i32 = arith.constant 0 : i32
    %c0_i32_0 = arith.constant 0 : i32
    %c0_i32_1 = arith.constant 0 : i32
    return %arg0, %c0_i32, %c0_i32_0 : i32, i32, i32
  }
  func.func @transform_3(%arg0: i32) -> (i32, i32, i32) {
    %c0_i32 = arith.constant 0 : i32
    %c0_i32_0 = arith.constant 0 : i32
    %c0_i32_1 = arith.constant 0 : i32
    return %arg0, %c0_i32, %c0_i32_0 : i32, i32, i32
  }
  func.func @transform_4(%arg0: i32) -> (i32, i32, i32) {
    %c0_i32 = arith.constant 0 : i32
    %c0_i32_0 = arith.constant 0 : i32
    %c0_i32_1 = arith.constant 0 : i32
    return %arg0, %c0_i32, %c0_i32_0 : i32, i32, i32
  }
  func.func @transform_5(%arg0: i32) -> (i32, i32, i32) {
    %c0_i32 = arith.constant 0 : i32
    %c0_i32_0 = arith.constant 0 : i32
    %c0_i32_1 = arith.constant 0 : i32
    return %arg0, %c0_i32, %c0_i32_0 : i32, i32, i32
  }
  func.func @transform_6(%arg0: i32) -> (i32, i32, i32) {
    %c0_i32 = arith.constant 0 : i32
    %c0_i32_0 = arith.constant 0 : i32
    %c0_i32_1 = arith.constant 0 : i32
    return %arg0, %c0_i32, %c0_i32_0 : i32, i32, i32
  }
  func.func @transform_7(%arg0: i32) -> (i32, i32, i32) {
    %c0_i32 = arith.constant 0 : i32
    %c0_i32_0 = arith.constant 0 : i32
    %c0_i32_1 = arith.constant 0 : i32
    return %arg0, %c0_i32, %c0_i32_0 : i32, i32, i32
  }
}

module attributes {stable_mosaic.version = 14 : i64} {
  func.func @_mlp_body(%arg0: i32, %arg1: memref<2048x1xf32, #tpu.memory_space<vmem>>, %arg2: memref<2048x1xf32, #tpu.memory_space<vmem>>, %arg3: memref<2048x1xf32, #tpu.memory_space<vmem>>, %arg4: memref<3x512xf32, #tpu.memory_space<vmem>>, %arg5: memref<1x512xf32, #tpu.memory_space<vmem>>, %arg6: memref<512x512xf32, #tpu.memory_space<vmem>>, %arg7: memref<1x512xf32, #tpu.memory_space<vmem>>, %arg8: memref<512x512xf32, #tpu.memory_space<vmem>>, %arg9: memref<1x512xf32, #tpu.memory_space<vmem>>, %arg10: memref<512x768xf32, #tpu.memory_space<vmem>>, %arg11: memref<1x768xf32, #tpu.memory_space<vmem>>, %arg12: memref<64x768xf32, #tpu.memory_space<vmem>>) attributes {dimension_semantics = [#tpu.dimension_semantics<arbitrary>], iteration_bounds = array<i64: 64>, scalar_prefetch = 0 : i64, scratch_operands = 0 : i64, tpu.core_type = #tpu.core_type<tc>, window_params = [{transform_indices = @transform_0, window_bounds = array<i64: 2048, 1>}, {transform_indices = @transform_1, window_bounds = array<i64: 2048, 1>}, {transform_indices = @transform_2, window_bounds = array<i64: 2048, 1>}, {pipeline_mode = #tpu.pipeline_mode<synchronous>, transform_indices = @transform_3, window_bounds = array<i64: 3, 512>}, {pipeline_mode = #tpu.pipeline_mode<synchronous>, transform_indices = @transform_4, window_bounds = array<i64: 1, 512>}, {pipeline_mode = #tpu.pipeline_mode<synchronous>, transform_indices = @transform_5, window_bounds = array<i64: 512, 512>}, {pipeline_mode = #tpu.pipeline_mode<synchronous>, transform_indices = @transform_6, window_bounds = array<i64: 1, 512>}, {pipeline_mode = #tpu.pipeline_mode<synchronous>, transform_indices = @transform_7, window_bounds = array<i64: 512, 512>}, {pipeline_mode = #tpu.pipeline_mode<synchronous>, transform_indices = @transform_8, window_bounds = array<i64: 1, 512>}, {pipeline_mode = #tpu.pipeline_mode<synchronous>, transform_indices = @transform_9, window_bounds = array<i64: 512, 768>}, {pipeline_mode = #tpu.pipeline_mode<synchronous>, transform_indices = @transform_10, window_bounds = array<i64: 1, 768>}, {transform_indices = @transform_11, window_bounds = array<i64: 64, 768>}]} {
    %get3A = arith.constant 0 : index
    %get3A_0 = arith.constant 0 : index
    %get3A_1 = vector.load %arg1[%get3A, %get3A_0] : memref<2048x1xf32, #tpu.memory_space<vmem>>, vector<2048x1xf32>
    %get3A_2 = arith.constant 0 : index
    %get3A_3 = arith.constant 0 : index
    %get3A_4 = vector.load %arg2[%get3A_2, %get3A_3] : memref<2048x1xf32, #tpu.memory_space<vmem>>, vector<2048x1xf32>
    %get3A_5 = arith.constant 0 : index
    %get3A_6 = arith.constant 0 : index
    %get3A_7 = vector.load %arg3[%get3A_5, %get3A_6] : memref<2048x1xf32, #tpu.memory_space<vmem>>, vector<2048x1xf32>
    %concatenate3A = tpu.concatenate %get3A_1, %get3A_4, %get3A_7 in 1 : vector<2048x1xf32>, vector<2048x1xf32>, vector<2048x1xf32> -> vector<2048x3xf32>
    %get3A_8 = arith.constant 0 : index
    %get3A_9 = arith.constant 0 : index
    %get3A_10 = vector.load %arg4[%get3A_8, %get3A_9] : memref<3x512xf32, #tpu.memory_space<vmem>>, vector<3x512xf32>
    %dot_general3A = arith.constant dense<0.000000e+00> : vector<2048x512xf32>
    %dot_general3A_11 = tpu.matmul %concatenate3A, %get3A_10, %dot_general3A {dimension_numbers = #tpu.dot_dimension_numbers<[1], [0], [0], [1], [0, 0, 1, 1], [], []>, transpose_lhs_hint = false} : vector<2048x3xf32>, vector<3x512xf32>, vector<2048x512xf32> -> vector<2048x512xf32>
    %get3A_12 = arith.constant 0 : index
    %get3A_13 = arith.constant 0 : index
    %get3A_14 = vector.load %arg5[%get3A_12, %get3A_13] : memref<1x512xf32, #tpu.memory_space<vmem>>, vector<1x512xf32>
    %add3A = vector.broadcast %get3A_14 : vector<1x512xf32> to vector<2048x512xf32>
    %add3A_15 = arith.addf %dot_general3A_11, %add3A : vector<2048x512xf32>
    %mul3A = arith.constant 5.000000e-01 : f32
    %mul3A_16 = vector.broadcast %mul3A : f32 to vector<2048x512xf32>
    %mul3A_17 = arith.mulf %mul3A_16, %add3A_15 : vector<2048x512xf32>
    %mul3A_18 = arith.constant 0.707106769 : f32
    %mul3A_19 = vector.broadcast %mul3A_18 : f32 to vector<2048x512xf32>
    %mul3A_20 = arith.mulf %add3A_15, %mul3A_19 : vector<2048x512xf32>
    %erf3A = math.erf %mul3A_20 : vector<2048x512xf32>
    %add3A_21 = arith.constant 1.000000e+00 : f32
    %add3A_22 = vector.broadcast %add3A_21 : f32 to vector<2048x512xf32>
    %add3A_23 = arith.addf %add3A_22, %erf3A : vector<2048x512xf32>
    %mul3A_24 = arith.mulf %mul3A_17, %add3A_23 : vector<2048x512xf32>
    %convert_element_type3A = arith.truncf %mul3A_24 : vector<2048x512xf32> to vector<2048x512xbf16>
    %get3A_25 = arith.constant 0 : index
    %get3A_26 = arith.constant 0 : index
    %get3A_27 = vector.load %arg6[%get3A_25, %get3A_26] : memref<512x512xf32, #tpu.memory_space<vmem>>, vector<512x512xf32>
    %convert_element_type3A_28 = arith.truncf %get3A_27 : vector<512x512xf32> to vector<512x512xbf16>
    %dot_general3A_29 = arith.constant dense<0.000000e+00> : vector<2048x512xf32>
    %dot_general3A_30 = tpu.matmul %convert_element_type3A, %convert_element_type3A_28, %dot_general3A_29 {dimension_numbers = #tpu.dot_dimension_numbers<[1], [0], [0], [1], [0, 0, 1, 1], [], []>, transpose_lhs_hint = false} : vector<2048x512xbf16>, vector<512x512xbf16>, vector<2048x512xf32> -> vector<2048x512xf32>
    %get3A_31 = arith.constant 0 : index
    %get3A_32 = arith.constant 0 : index
    %get3A_33 = vector.load %arg7[%get3A_31, %get3A_32] : memref<1x512xf32, #tpu.memory_space<vmem>>, vector<1x512xf32>
    %add3A_34 = vector.broadcast %get3A_33 : vector<1x512xf32> to vector<2048x512xf32>
    %add3A_35 = arith.addf %dot_general3A_30, %add3A_34 : vector<2048x512xf32>
    %mul3A_36 = arith.constant 5.000000e-01 : f32
    %mul3A_37 = vector.broadcast %mul3A_36 : f32 to vector<2048x512xf32>
    %mul3A_38 = arith.mulf %mul3A_37, %add3A_35 : vector<2048x512xf32>
    %mul3A_39 = arith.constant 0.707106769 : f32
    %mul3A_40 = vector.broadcast %mul3A_39 : f32 to vector<2048x512xf32>
    %mul3A_41 = arith.mulf %add3A_35, %mul3A_40 : vector<2048x512xf32>
    %erf3A_42 = math.erf %mul3A_41 : vector<2048x512xf32>
    %add3A_43 = arith.constant 1.000000e+00 : f32
    %add3A_44 = vector.broadcast %add3A_43 : f32 to vector<2048x512xf32>
    %add3A_45 = arith.addf %add3A_44, %erf3A_42 : vector<2048x512xf32>
    %mul3A_46 = arith.mulf %mul3A_38, %add3A_45 : vector<2048x512xf32>
    %convert_element_type3A_47 = arith.truncf %mul3A_46 : vector<2048x512xf32> to vector<2048x512xbf16>
    %get3A_48 = arith.constant 0 : index
    %get3A_49 = arith.constant 0 : index
    %get3A_50 = vector.load %arg8[%get3A_48, %get3A_49] : memref<512x512xf32, #tpu.memory_space<vmem>>, vector<512x512xf32>
    %convert_element_type3A_51 = arith.truncf %get3A_50 : vector<512x512xf32> to vector<512x512xbf16>
    %dot_general3A_52 = arith.constant dense<0.000000e+00> : vector<2048x512xf32>
    %dot_general3A_53 = tpu.matmul %convert_element_type3A_47, %convert_element_type3A_51, %dot_general3A_52 {dimension_numbers = #tpu.dot_dimension_numbers<[1], [0], [0], [1], [0, 0, 1, 1], [], []>, transpose_lhs_hint = false} : vector<2048x512xbf16>, vector<512x512xbf16>, vector<2048x512xf32> -> vector<2048x512xf32>
    %get3A_54 = arith.constant 0 : index
    %get3A_55 = arith.constant 0 : index
    %get3A_56 = vector.load %arg9[%get3A_54, %get3A_55] : memref<1x512xf32, #tpu.memory_space<vmem>>, vector<1x512xf32>
    %add3A_57 = vector.broadcast %get3A_56 : vector<1x512xf32> to vector<2048x512xf32>
    %add3A_58 = arith.addf %dot_general3A_53, %add3A_57 : vector<2048x512xf32>
    %mul3A_59 = arith.constant 5.000000e-01 : f32
    %mul3A_60 = vector.broadcast %mul3A_59 : f32 to vector<2048x512xf32>
    %mul3A_61 = arith.mulf %mul3A_60, %add3A_58 : vector<2048x512xf32>
    %mul3A_62 = arith.constant 0.707106769 : f32
    %mul3A_63 = vector.broadcast %mul3A_62 : f32 to vector<2048x512xf32>
    %mul3A_64 = arith.mulf %add3A_58, %mul3A_63 : vector<2048x512xf32>
    %erf3A_65 = math.erf %mul3A_64 : vector<2048x512xf32>
    %add3A_66 = arith.constant 1.000000e+00 : f32
    %add3A_67 = vector.broadcast %add3A_66 : f32 to vector<2048x512xf32>
    %add3A_68 = arith.addf %add3A_67, %erf3A_65 : vector<2048x512xf32>
    %mul3A_69 = arith.mulf %mul3A_61, %add3A_68 : vector<2048x512xf32>
    %convert_element_type3A_70 = arith.truncf %mul3A_69 : vector<2048x512xf32> to vector<2048x512xbf16>
    %get3A_71 = arith.constant 0 : index
    %get3A_72 = arith.constant 0 : index
    %get3A_73 = vector.load %arg10[%get3A_71, %get3A_72] : memref<512x768xf32, #tpu.memory_space<vmem>>, vector<512x768xf32>
    %convert_element_type3A_74 = arith.truncf %get3A_73 : vector<512x768xf32> to vector<512x768xbf16>
    %dot_general3A_75 = arith.constant dense<0.000000e+00> : vector<2048x768xf32>
    %dot_general3A_76 = tpu.matmul %convert_element_type3A_70, %convert_element_type3A_74, %dot_general3A_75 {dimension_numbers = #tpu.dot_dimension_numbers<[1], [0], [0], [1], [0, 0, 1, 1], [], []>, transpose_lhs_hint = false} : vector<2048x512xbf16>, vector<512x768xbf16>, vector<2048x768xf32> -> vector<2048x768xf32>
    %get3A_77 = arith.constant 0 : index
    %get3A_78 = arith.constant 0 : index
    %get3A_79 = vector.load %arg11[%get3A_77, %get3A_78] : memref<1x768xf32, #tpu.memory_space<vmem>>, vector<1x768xf32>
    %add3A_80 = vector.broadcast %get3A_79 : vector<1x768xf32> to vector<2048x768xf32>
    %add3A_81 = arith.addf %dot_general3A_76, %add3A_80 : vector<2048x768xf32>
    %reshape3A = vector.shape_cast %add3A_81 : vector<2048x768xf32> to vector<64x32x768xf32>
    %reduce_max3A = arith.constant dense<0xFF800000> : vector<64x768xf32>
    %reduce_max3A_82 = vector.multi_reduction <maximumf>, %reshape3A, %reduce_max3A [1] : vector<64x32x768xf32> to vector<64x768xf32>
    %swap3A = arith.constant 0 : index
    %swap3A_83 = arith.constant 0 : index
    %swap3A_84 = vector.load %arg12[%swap3A, %swap3A_83] : memref<64x768xf32, #tpu.memory_space<vmem>>, vector<64x768xf32>
    tpu.vector_store %arg12[%swap3A, %swap3A_83], %reduce_max3A_82 {strides = array<i32>} : memref<64x768xf32, #tpu.memory_space<vmem>>, vector<64x768xf32>,
    return
  }
  func.func @transform_0(%arg0: i32) -> (i32, i32) {
    %c0_i32 = arith.constant 0 : i32
    %c0_i32_0 = arith.constant 0 : i32
    return %arg0, %c0_i32 : i32, i32
  }
  func.func @transform_1(%arg0: i32) -> (i32, i32) {
    %c0_i32 = arith.constant 0 : i32
    %c0_i32_0 = arith.constant 0 : i32
    return %arg0, %c0_i32 : i32, i32
  }
  func.func @transform_2(%arg0: i32) -> (i32, i32) {
    %c0_i32 = arith.constant 0 : i32
    %c0_i32_0 = arith.constant 0 : i32
    return %arg0, %c0_i32 : i32, i32
  }
  func.func @transform_3(%arg0: i32) -> (i32, i32) {
    %c0_i32 = arith.constant 0 : i32
    %c0_i32_0 = arith.constant 0 : i32
    %c0_i32_1 = arith.constant 0 : i32
    return %c0_i32, %c0_i32_0 : i32, i32
  }
  func.func @transform_4(%arg0: i32) -> (i32, i32) {
    %c0_i32 = arith.constant 0 : i32
    %c0_i32_0 = arith.constant 0 : i32
    %c0_i32_1 = arith.constant 0 : i32
    return %c0_i32, %c0_i32_0 : i32, i32
  }
  func.func @transform_5(%arg0: i32) -> (i32, i32) {
    %c0_i32 = arith.constant 0 : i32
    %c0_i32_0 = arith.constant 0 : i32
    %c0_i32_1 = arith.constant 0 : i32
    return %c0_i32, %c0_i32_0 : i32, i32
  }
  func.func @transform_6(%arg0: i32) -> (i32, i32) {
    %c0_i32 = arith.constant 0 : i32
    %c0_i32_0 = arith.constant 0 : i32
    %c0_i32_1 = arith.constant 0 : i32
    return %c0_i32, %c0_i32_0 : i32, i32
  }
  func.func @transform_7(%arg0: i32) -> (i32, i32) {
    %c0_i32 = arith.constant 0 : i32
    %c0_i32_0 = arith.constant 0 : i32
    %c0_i32_1 = arith.constant 0 : i32
    return %c0_i32, %c0_i32_0 : i32, i32
  }
  func.func @transform_8(%arg0: i32) -> (i32, i32) {
    %c0_i32 = arith.constant 0 : i32
    %c0_i32_0 = arith.constant 0 : i32
    %c0_i32_1 = arith.constant 0 : i32
    return %c0_i32, %c0_i32_0 : i32, i32
  }
  func.func @transform_9(%arg0: i32) -> (i32, i32) {
    %c0_i32 = arith.constant 0 : i32
    %c0_i32_0 = arith.constant 0 : i32
    %c0_i32_1 = arith.constant 0 : i32
    return %c0_i32, %c0_i32_0 : i32, i32
  }
  func.func @transform_10(%arg0: i32) -> (i32, i32) {
    %c0_i32 = arith.constant 0 : i32
    %c0_i32_0 = arith.constant 0 : i32
    %c0_i32_1 = arith.constant 0 : i32
    return %c0_i32, %c0_i32_0 : i32, i32
  }
  func.func @transform_11(%arg0: i32) -> (i32, i32) {
    %c0_i32 = arith.constant 0 : i32
    %c0_i32_0 = arith.constant 0 : i32
    return %arg0, %c0_i32 : i32, i32
  }
}

</mosaic_0001>

<sc_bundles>
// kernel: kernel.6.cloned.1.call-start
scs
__scs_entry_jumppad:
0x0: {  	(pc) =	sbr.rel $0x88, $3  }
0x1: {  	(tag) =	ssettag $0x0;
	lr =	simm.s32 $0x1  }
0x2: {  	[smem:$0x3F98] =	sst lr;
	_ =	strace $0xD0000000  }
0x3: {  	_ = 	snop  }
0x4: {  	_ = 	snop  }
0x5: {  	_ = 	snop  }
0x6: {  	_ = 	snop  }
0x7: {  	_ = 	snop  }
__scs_overlays_trampoline_lowered:
0x8: {  	[smem:$0x3FA7] =	sst s0  }
0x9: {  	[smem:$0x3FA8] =	sst s1  }
0xa: {  	[smem:$0x3FA9] =	sst s2  }
0xb: {  	[smem:$0x3FAA] =	sst s3  }
0xc: {  	[smem:$0x3FAB] =	sst s4  }
0xd: {  	[smem:$0x3FAC] =	sst s5  }
0xe: {  	[smem:$0x3FAD] =	sst s6  }
0xf: {  	[smem:$0x3FAE] =	sst s7  }
0x10: {  	[smem:$0x3FAF] =	sst s8  }
0x11: {  	[smem:$0x3FB0] =	sst s9;
	s0 =	simm.s32 @!p0 $0x0  }
0x12: {  	s1 =	sld [smem:$0x3F96];
	s0 =	simm.s32 @p0 $0x1  }
0x13: {  	[smem:$0x3FB1] =	sst s0;
	s0 =	simm.s32 @!p1 $0x0  }
0x14: {  	s2 =	sld [smem:$0x3F95];
	s0 =	simm.s32 @p1 $0x1  }
0x15: {  	[smem:$0x3FB2] =	sst s0;
	s0 =	simm.s32 @!p2 $0x0  }
0x16: {  	s3 =	sld [smem:$0x3FDB];
	s0 =	simm.s32 @p2 $0x1  }
0x17: {  	s4 =	simm.s32 $0x1BF5;
	[smem:$0x3FB4] =	sst s0  }
0x18: {  	s0 =	sld [smem:$0x3F97];
	_ =	swait.ge [sflag:s4], $0x0  }
0x19: {  	s7 =	sld [smem:$0x3F98]  }
0x1a: {  	s8 =	sadd.s32 $0xFFFFE003, lr  }
0x1b: {  	s9 =	sadd.s32 $0xFFFFFEF7, lr;
	s5 =	simm.s32 $0xFFFFFFFF;
	p2 =	slt.u32 s8, $0xFFFFF086  }
0x1c: {  	p1 =	slt.u32 s9, $0xF7A;
	s5 =	simm.s32 @!p2 $0x0  }
0x1d: {  	s5 =	simm.s32 @p1 $0x1;
	p0 =	seq.s32 s7, s2  }
0x1e: {  	s7 =	smul.u32 @!p0 $0xF7A, s2;
	p2 =	seq.s32 @!p0 s5, $0x0  }
0x1f: {  	s9 =	smul.u32 $0xF7A, s1;
	s8 =	simm.s32 @!p0 $0x1BF5;
	p2 =	por !p2, p0  }
0x20: {  	[sflag:s8] =	ssyncset.s32 @!p0 $0xFFFFF086;
	s6 =	sadd.s32 @!p0 s3, s7;
	s7 =	simm.s32 @!p0 $0x108  }
0x21: {  	s3 =	sadd.s32 s3, s9;
	s6 =	sadd.s32 @!p0 $0x88, s6;
	s7 =	simm.s32 @p2 $0x1082  }
0x22: {  	[simem:s7], [sflag:s8] =	dma.local @!p0 [hbm:s6], $0xF7A  }
0x23: {  	s9 =	sor.u32 $0xD0000000, s2;
	s6 =	simm.s32 $0x108;
	_ =	swait.ge @!p0 [sflag:s8], $0x0  }
0x24: {  	s3 =	sadd.s32 $0x88, s3;
	s6 =	simm.s32 @!p1 $0x1082;
	[sflag:s4] =	ssyncset.s32 $0xFFFFF086  }
0x25: {  	[simem:s6], [sflag:s4] =	dma.local [hbm:s3], $0xF7A  }
0x26: {  	[smem:$0x3F98] =	sst s1;
	(tag) =	ssettag s2;
	_ =	strace s9  }
0x27: {  	s1 =	sld [smem:$0x3FA8]  }
0x28: {  	s2 =	sld [smem:$0x3FA9]  }
0x29: {  	s4 =	sld [smem:$0x3FAB]  }
0x2a: {  	p0 =	seq.s32 s5, $0x0;
	s5 =	sld [smem:$0x3FAC]  }
0x2b: {  	s6 =	sld [smem:$0x3FAD]  }
0x2c: {  	s7 =	sld [smem:$0x3FAE]  }
0x2d: {  	s3 =	simm.s32 $0x108;
	s8 =	sld [smem:$0x3FAF]  }
0x2e: {  	s3 =	simm.s32 @!p0 $0x1082;
	s9 =	sld [smem:$0x3FB0]  }
0x2f: {  	lr =	sadd.s32 s0, s3;
	s0 =	sld [smem:$0x3FA7]  }
0x30: {  	s3 =	sld [smem:$0x3FAA]  }
0x31: {  	[smem:$0x3FB3] =	sst s10  }
0x32: {  	s10 =	sld [smem:$0x3FB1];
	_ =	sdelay $0x3  }
0x33: {  	p0 =	seq.s32 s10, $0x1;
	s10 =	sld [smem:$0x3FB3];
	_ =	sdelay $0x3  }
0x34: {  	[smem:$0x3FB3] =	sst s10  }
0x35: {  	s10 =	sld [smem:$0x3FB2];
	_ =	sdelay $0x3  }
0x36: {  	p1 =	seq.s32 s10, $0x1;
	s10 =	sld [smem:$0x3FB3];
	_ =	sdelay $0x3  }
0x37: {  	[smem:$0x3FB3] =	sst s10  }
0x38: {  	s10 =	sld [smem:$0x3FB4]  }
0x39: {  	_ = 	snop;
	(pc) =	sbr.ind lr, $3  }
0x3a: {  	_ = 	snop  }
0x3b: {  	_ = 	snop  }
0x3c: {  	p2 =	seq.s32 s10, $0x1;
	s10 =	sld [smem:$0x3FB3]  }
0x3d: {  	_ =	shalt  }
0x3e: {  	_ =	shalt  }
0x3f: {  	_ =	shalt  }
0x40: {  	_ =	shalt  }
0x41: {  	_ =	shalt  }
0x42: {  	_ =	shalt  }
0x43: {  	_ =	shalt  }
0x44: {  	_ =	shalt  }
0x45: {  	_ =	shalt  }
0x46: {  	_ =	shalt  }
0x47: {  	_ =	shalt  }
0x48: {  	_ =	shalt  }
0x49: {  	_ =	shalt  }
0x4a: {  	_ =	shalt  }
0x4b: {  	_ =	shalt  }
0x4c: {  	_ =	shalt  }
0x4d: {  	_ =	shalt  }
0x4e: {  	_ =	shalt  }
0x4f: {  	_ =	shalt  }
0x50: {  	_ =	shalt  }
0x51: {  	_ =	shalt  }
0x52: {  	_ =	shalt  }
0x53: {  	_ =	shalt  }
0x54: {  	_ =	shalt  }
0x55: {  	_ =	shalt  }
0x56: {  	_ =	shalt  }
0x57: {  	_ =	shalt  }
0x58: {  	_ =	shalt  }
0x59: {  	_ =	shalt  }
0x5a: {  	_ =	shalt  }
0x5b: {  	_ =	shalt  }
0x5c: {  	_ =	shalt  }
0x5d: {  	_ =	shalt  }
0x5e: {  	_ =	shalt  }
0x5f: {  	_ =	shalt  }
0x60: {  	_ =	shalt  }
0x61: {  	_ =	shalt  }
0x62: {  	_ =	shalt  }
0x63: {  	_ =	shalt  }
0x64: {  	_ =	shalt  }
0x65: {  	_ =	shalt  }
0x66: {  	_ =	shalt  }
0x67: {  	_ =	shalt  }
0x68: {  	_ =	shalt  }
0x69: {  	_ =	shalt  }
0x6a: {  	_ =	shalt  }
0x6b: {  	_ =	shalt  }
0x6c: {  	_ =	shalt  }
0x6d: {  	_ =	shalt  }
0x6e: {  	_ =	shalt  }
0x6f: {  	_ =	shalt  }
0x70: {  	_ =	shalt  }
0x71: {  	_ =	shalt  }
0x72: {  	_ =	shalt  }
0x73: {  	_ =	shalt  }
0x74: {  	_ =	shalt  }
0x75: {  	_ =	shalt  }
0x76: {  	_ =	shalt  }
0x77: {  	_ =	shalt  }
0x78: {  	_ =	shalt  }
0x79: {  	_ =	shalt  }
0x7a: {  	_ =	shalt  }
0x7b: {  	_ =	shalt  }
0x7c: {  	_ =	shalt  }
0x7d: {  	_ =	shalt  }
0x7e: {  	_ =	shalt  }
0x7f: {  	_ =	shalt  }
0x80: {  	_ =	shalt  }
0x81: {  	_ =	shalt  }
0x82: {  	_ =	shalt  }
0x83: {  	_ =	shalt  }
0x84: {  	_ =	shalt  }
0x85: {  	_ =	shalt  }
0x86: {  	_ =	shalt  }
0x87: {  	_ =	shalt  }
.Lfunc_end0:
.L_simem_size_0:
called_computation_lowered:
.L_overlay_start_0:
0x88: {  	s2 =	sld [smem:$0x3FD9]  }
0x89: {  	s3 =	sld [smem:$0x3FFE];
	_ =	sdelay $0x1  }
0x8a: {  	s1 =	srdreg.scid  }
0x8b: {  	s0 =	sand.u32 $0x1, s1  }
0x8c: {  	s14 =	sshll.u32 s0, $0xA;
	s2 =	sadd.s32 s3, s2  }
0x8d: {  	s2 =	sadd.s32 s2, s14  }
0x8e: {  	[smem:$0x3FBF] =	sst s2  }
0x8f: {  	_ = 	snop  }
0x90: {  	s2 =	sld [smem:$0x3FD0];
	_ =	sdelay $0x2  }
0x91: {  	s15 =	simm.s32 $0xA;
	s4 =	simm.s32 $0x10  }
0x92: {  	[smem:s4], [sflag:s15] =	dma.local [hbm:s2], $0x1  }
0x93: {  	_ =	swait.eq [sflag:s15], $0x1  }
0x94: {  	[sflag:s15] =	ssyncset.done $0x0  }
0x95: {  	s16 =	sld [smem:$0x10];
	[sflag:s15] =	ssyncadd.s32 $0xFFFFFFFF  }
0x96: {  	s17 =	sld [smem:$0x12];
	(tm) =	ssettm $0x1  }
0x97: {  	s18 =	sld [smem:$0x3FFB];
	_ =	sdelay $0x3  }
0x98: {  	_ =	strace s18  }
0x99: {  	s4 =	sld [smem:$0x3FFC];
	_ =	sdelay $0x3  }
0x9a: {  	_ =	strace s4  }
0x9b: {  	s4 =	sld [smem:$0x3FFD];
	_ =	sdelay $0x3  }
0x9c: {  	_ =	strace s4  }
0x9d: {  	_ =	strace $0x8FFFFFFF  }
0x9e: {  	s19 =	sld [smem:$0x3FDB];
	_ =	sdelay $0x1  }
0x9f: {  	s5 =	simm.s32 $_scs_section_size  }
0xa0: {  	s6 =	simm.s32 $_size__tile_overlayer_lowered;
	s7 =	simm.s32 $_tile_overlayer_lowered  }
0xa1: {  	s22 =	simm.s32 $0x1BFF;
	s21 =	sshll.u32 s7, $0x1;
	s4 =	sadd.s32 s5, s19  }
0xa2: {  	s8 =	simm.s32 $0x0;
	s20 =	sshll.u32 s6, $0x1;
	s6 =	sadd.s32 s21, s4  }
0xa3: {  	[timem:s8], [sflag:s22] =	dma.local [hbm:s6], s20  }
0xa4: {  	_ =	swait.ge [sflag:s22], s20  }
0xa5: {  	s5 =	ssub.s32 $0x0, s20;
	[sflag:s22] =	ssyncset.done $0x0  }
0xa6: {  	[sflag:s22] =	ssyncadd.s32 s5;
	_ =	sdelay $0x1  }
0xa7: {  	s23 =	simm.s32 $0x1B8B  }
0xa8: {  	_ =	swait.ge [sflag:s23], $0x1  }
0xa9: {  	[sflag:s23] =	ssyncset.done $0x0  }
0xaa: {  	s25 =	simm.s32 $0x1B8E;
	s24 =	sld [smem:$0x3FFE];
	[sflag:s23] =	ssyncadd.s32 $0xFFFFFFFF  }
0xab: {  	s26 =	simm.s32 $execute0_lowered;
	[smem:$0x3FD2] =	sst s25  }
0xac: {  	s6 =	sshll.u32 s26, $0x1;
	_ =	strace $0x80000046;
	[dreg:$0x1] =	wrdreg $0xFFFFFFFF  }
0xad: {  	s28 =	simm.s32 $_size_execute0_lowered;
	s4 =	sadd.s32 s4, s6;
	[dreg:$0x0] =	wrdreg $0x0  }
0xae: {  	s6 =	sshll.u32 s28, $0x1;
	[dreg:$0x2] =	wrdreg s4  }
0xaf: {  	[dreg:$0x3] =	wrdreg s6  }
0xb0: {  	[dreg:$0x4] =	wrdreg $0xC0  }
0xb1: {  	_ =	task [dreg:s8], $0x5FFFF  }
0xb2: {  	[dreg:$0x1] =	wrdreg $0xFFFFFFFF  }
0xb3: {  	[dreg:$0x0] =	wrdreg $0x60  }
0xb4: {  	[dreg:$0x2] =	wrdreg s24  }
0xb5: {  	[dreg:$0x3] =	wrdreg s16  }
0xb6: {  	[dreg:$0x4] =	wrdreg s17  }
0xb7: {  	[dreg:$0x5] =	wrdreg $0x9  }
0xb8: {  	_ =	task.clear_ibuf [dreg:s8], $0x6FFFF;
	_ =	strace $0x90000046  }
0xb9: {  	s29 =	simm.s32 $0x9;
	_ =	strace $0x80000048  }
0xba: {  	_ =	swait.ge [sflag:s29], $0x1  }
0xbb: {  	[sflag:s29] =	ssyncadd.s32 $0xFFFFFFFF  }
0xbc: {  	_ =	strace $0x90000048  }
0xbd: {  	_ =	sfence  }
0xbe: {  	s30 =	sld [smem:$0x0];
	_ =	sdelay $0x2  }
0xbf: {  	s31 =	sshll.u32 s1, $0xD;
	s1 =	sshrl.u32 s1, $0x2  }
0xc0: {  	s3 =	sand.u32 $0x4000, s31;
	s1 =	sadd.s32 s1, s30  }
0xc1: {  	s0 =	sor.u32 s3, s0;
	s1 =	sshll.u32 s1, $0x11  }
0xc2: {  	s0 =	sor.u32 s1, s0  }
0xc3: {  	s0 =	sadd.s32 $0x8F2B, s0  }
0xc4: {  	[sflag:s0] =	ssyncadd.remote.s32 $0x1  }
0xc5: {  	_ =	sfence.sel $0xFFFF  }
0xc6: {  	[dreg:$0x0] =	wrdreg $0xFFFFFFFF;
	(pc) =	sbr.abs _section_cstart, $3  }
0xc7: {  	[dreg:$0x1] =	wrdreg $0xFFFFFFFF  }
0xc8: {  	_ =	task.clear_ibuf [dreg:s8], $0x2FFFF;
	_ =	strace $0x9FFFFFFF  }
0xc9: {  	(tm) =	ssettm $0x7FFFFFFF  }
tec
execute0_lowered:
.L_overlay_start_1:
0x0: {  	(tag) =	ssettag $0x1  }
0x1: {  	s0 =	rddreg [dreg:$0x0]  }
0x2: {  	s1 =	rddreg [dreg:$0x1]  }
0x3: {  	s2 =	srdreg.scid;
	s3 =	stileid.u32  }
0x4: {  	s4 =	rddreg [dreg:$0x2];
	s30 =	simm.s32 $0x8400;
	s31 =	simm.s32 $0x1  }
0x5: {  	s28 =	simm.s32 $0x0;
	s5 =	sand.u32 $0x1, s2;
	s16 =	sshll.u32 s3, $0x1  }
0x6: {  	s2 =	simm.s32 $0x0;
	s7 =	sshrl.u32 s3, $0x2;
	s3 =	sadd.s32 $0x13A00, s0  }
0x7: {  	s6 =	sor.u32 s5, s16;
	[smem:$0x7FF] =	sst s2;
	s18 =	sshll.u32 s7, $0x10  }
0x8: {  	s10 =	sshll.u32 s7, $0xA;
	s7 =	sshll.u32 s7, $0xF;
	s17 =	sshll.u32 s6, $0x7  }
0x9: {  	s5 =	ssub.s32 $0x2, s5;
	_ =	strace $0x80000047;
	s8 =	sand.u32 $0x380, s17  }
0xa: {  	s19 =	sshrl.u32 s5, $0x1;
	s23 =	sshll.u32 s6, $0x11;
	s9 =	sor.u32 s18, s8  }
0xb: {  	s5 =	ssub.s32 s5, s19;
	s7 =	sor.u32 s7, s8;
	s9 =	sshrl.u32 s9, $0x3  }
0xc: {  	s10 =	sor.u32 s10, s8;
	s7 =	sshrl.u32 s7, $0x3;
	s1 =	sadd.s32 s1, s9  }
0xd: {  	v0 =	vimm.s32 $0xFEDCBA98;
	v1 =	vimm.s32 $0x76543210;
	v3 =	vimm.s32 $0xBA987654;
	s11 =	sadd.s32 s9, s0;
	s26 =	sadd.s32 s4, s7;
	[dreg:$0xb] =	wrdreg s1  }
0xe: {  	v4 =	vimm.s32 $0x10FEDCBA;
	v5 =	vimm.s32 $0x98765432;
	s10 =	sshrl.u32 s10, $0x3;
	s12 =	sadd.s32 $0xB400, s11;
	[dreg:$0xd] =	wrdreg s26  }
0xf: {  	v6 =	vimm.s32 $0xFEDCBA9;
	v7 =	vimm.s32 $0x87654321;
	v0 =	vunpack.c.l.s4.s8 v0;
	s10 =	sadd.s32 s10, s0;
	s11 =	sadd.s32 $0x3400, s11;
	[dreg:$0x4] =	wrdreg s12  }
0x10: {  	v4 =	vunpack.c.l.s4.s8 v4;
	v5 =	vunpack.c.l.s4.s8 v5;
	v6 =	vunpack.c.l.s4.s8 v6;
	s19 =	simm.s32 $0x80;
	s20 =	sadd.s32 $0x13400, s10;
	[dreg:$0x5] =	wrdreg s11  }
0x11: {  	v7 =	vunpack.c.l.s4.s8 v7;
	v2 =	vunpack.c.0.s8.s32 v0;
	v0 =	vimm.s32 $0x3210FEDC;
	s18 =	smax.u32 s5, $0x1;
	s21 =	sadd.s32 $0x13600, s10;
	[dreg:$0x6] =	wrdreg s20  }
0x12: {  	v3 =	vunpack.c.l.s4.s8 v3;
	v4 =	vunpack.c.0.s8.s32 v4;
	v0 =	vunpack.c.l.s4.s8 v0;
	s0 =	sadd.s32 s7, s0;
	s22 =	sadd.s32 $0x13800, s10;
	[dreg:$0x7] =	wrdreg s21  }
0x13: {  	v5 =	vunpack.c.0.s8.s32 v5;
	v6 =	vunpack.c.0.s8.s32 v6;
	v7 =	vunpack.c.0.s8.s32 v7;
	s10 =	sadd.s32 $0x413A00, s10;
	s24 =	sadd.s32 $0x413C00, s0;
	[dreg:$0x8] =	wrdreg s22  }
.Ltmp0:
0x14: {  	v1 =	vunpack.c.l.s4.s8 v1;
	v3 =	vunpack.c.0.s8.s32 v3;
	v0 =	vunpack.c.0.s8.s32 v0;
	s29 =	sadd.s32 $0x417C00, s0;
	[dreg:$0x9] =	wrdreg s10;
	(pc) =	sbr.rel .LBB2_1-.Ltmp0, $4  }
0x15: {  	v9 =	vand.u32 $0xF, v2;
	v5 =	vcombine.low v5, v4;
	v6 =	vcombine.low v7, v6;
	s17 =	sadd.s32 $0x41BC00, s0;
	s1 =	simm.s32 $0x2;
	[dreg:$0xa] =	wrdreg s24  }
0x16: {  	v2 =	vimm.s32 $0x40000000;
	v8 =	vcombine.low v3, v0;
	v3 =	vunpack.c.0.s8.s32 v1;
	s10 =	sshll.u32 s6, $0x14;
	s11 =	sadd.s32 s3, s23;
	[dreg:$0xe] =	wrdreg s29  }
0x17: {  	v5 =	vand.u32 $0xF, v5;
	v6 =	vand.u32 $0xF, v6;
	v0 =	vlaneseq.u32;
	s20 =	simm.s32 $0x400;
	s21 =	simm.s32 $0x3;
	s25 =	sadd.s32 $0x10, s11  }
0x18: {  	v1 =	vimm.f32 $+Inf;
	s22 =	simm.s32 $0x2000;
	s23 =	simm.s32 $0x4000;
	v3 =	vcombine.low v9, v3;
	v4 =	vand.u32 $0xF, v8;
	[dreg:$0xc] =	wrdreg s25  }
.LBB2_28:
0x19: {  	s0 =	rddreg [dreg:$0xd];
	s4 =	simm.s32 $0xE500  }
0x1a: {  	[hbm4b:s0+s19] =	stream.strided.scatter [tilespmem:s4], [sflag:$0x3], $0x1000, s20, s19, $0x38;
	[tilespmem:$0x12500] =	vst v63  }
0x1b: {  	_ =	swait.ge [sflag:s21], $0x1000  }
0x1c: {  	[sflag:s21] =	ssyncset.done $0x0  }
0x1d: {  	s24 =	simm.s32 $0xF500;
	s16 =	rddreg [dreg:$0xa];
	[sflag:s21] =	ssyncadd.s32 $0xFFFFF000  }
0x1e: {  	[hbm4b:s16+s19] =	stream.strided.scatter [tilespmem:s24], [sflag:$0x3], $0x1000, s20, s19, $0x38;
	[tilespmem:$0x12500] =	vst v63  }
0x1f: {  	_ =	swait.ge [sflag:s21], $0x1000  }
0x20: {  	[sflag:s21] =	ssyncset.done $0x0  }
0x21: {  	s26 =	simm.s32 $0x10500;
	s25 =	rddreg [dreg:$0xe];
	[sflag:s21] =	ssyncadd.s32 $0xFFFFF000  }
0x22: {  	[hbm4b:s25+s19] =	stream.strided.scatter [tilespmem:s26], [sflag:$0x3], $0x1000, s20, s19, $0x38;
	[tilespmem:$0x12500] =	vst v63  }
0x23: {  	s28 =	sadd.s32 $0x1, s28;
	_ =	swait.ge [sflag:s21], $0x1000  }
0x24: {  	p0 =	sne.s32 s28, s18;
	[sflag:s21] =	ssyncset.done $0x0  }
.Ltmp1:
0x25: {  	s29 =	simm.s32 $0x11500;
	[sflag:s21] =	ssyncadd.s32 $0xFFFFF000;
	(pc) =	sbr.rel @!p0 .LBB2_29-.Ltmp1, $4  }
0x26: {  	[hbm4b:s17+s19] =	stream.strided.scatter [tilespmem:s29], [sflag:$0x3], $0x1000, s20, s19, $0x38;
	[tilespmem:$0x12500] =	vst v63  }
0x27: {  	_ =	swait.ge [sflag:s21], $0x1000  }
0x28: {  	[sflag:s21] =	ssyncset.done $0x0  }
0x29: {  	[sflag:s21] =	ssyncadd.s32 $0xFFFFF000  }
.LBB2_1:
0x2a: {  	s0 =	rddreg [dreg:$0xb]  }
0x2b: {  	[tilespmem:s2], [sflag:$0x3] =	stream.strided.gather [hbm4b:s0+s19], $0x2000, s20, s19, $0x38;
	[tilespmem:$0x12500] =	vst v63  }
0x2c: {  	_ =	swait.ge [sflag:s21], $0x2000  }
0x2d: {  	[sflag:s21] =	ssyncset.done $0x0  }
0x2e: {  	s7 =	rddreg [dreg:$0x4];
	[sflag:s21] =	ssyncadd.s32 $0xFFFFE000  }
0x2f: {  	[tilespmem:s22], [sflag:$0x3] =	stream.strided.gather [hbm4b:s7+s19], $0x2000, s20, s19, $0x38;
	[tilespmem:$0x12500] =	vst v63  }
0x30: {  	_ =	swait.ge [sflag:s21], $0x2000  }
0x31: {  	[sflag:s21] =	ssyncset.done $0x0  }
0x32: {  	s8 =	rddreg [dreg:$0x5];
	[sflag:s21] =	ssyncadd.s32 $0xFFFFE000  }
0x33: {  	[tilespmem:s23], [sflag:$0x3] =	stream.strided.gather [hbm4b:s8+s19], $0x2000, s20, s19, $0x38;
	[tilespmem:$0x12500] =	vst v63  }
0x34: {  	_ =	swait.ge [sflag:s21], $0x2000  }
0x35: {  	[sflag:s21] =	ssyncset.done $0x0  }
0x36: {  	s4 =	simm.s32 $0x6000;
	s9 =	rddreg [dreg:$0x6];
	[sflag:s21] =	ssyncadd.s32 $0xFFFFE000  }
0x37: {  	[tilespmem:s4], [sflag:$0x3] =	stream.linear.gather [hbm4b:s9+s2], $0x80, $0x38;
	[tilespmem:$0x12500] =	vst v63  }
0x38: {  	_ =	swait.ge [sflag:s21], $0x80  }
0x39: {  	[sflag:s21] =	ssyncset.done $0x0  }
0x3a: {  	s13 =	simm.s32 $0x6100;
	s12 =	rddreg [dreg:$0x7];
	[sflag:s21] =	ssyncadd.s32 $0xFFFFFF80  }
0x3b: {  	[tilespmem:s13], [sflag:$0x3] =	stream.linear.gather [hbm4b:s12+s2], $0x80, $0x38;
	[tilespmem:$0x12500] =	vst v63  }
0x3c: {  	_ =	swait.ge [sflag:s21], $0x80  }
0x3d: {  	[sflag:s21] =	ssyncset.done $0x0  }
0x3e: {  	s15 =	simm.s32 $0x6200;
	s14 =	rddreg [dreg:$0x8];
	[sflag:s21] =	ssyncadd.s32 $0xFFFFFF80  }
0x3f: {  	[tilespmem:s15], [sflag:$0x3] =	stream.linear.gather [hbm4b:s14+s2], $0x80, $0x38;
	[tilespmem:$0x12500] =	vst v63  }
0x40: {  	_ =	swait.ge [sflag:s21], $0x80  }
0x41: {  	[sflag:s21] =	ssyncset.done $0x0  }
0x42: {  	s24 =	simm.s32 $0x6300;
	s16 =	rddreg [dreg:$0x9];
	[sflag:s21] =	ssyncadd.s32 $0xFFFFFF80  }
0x43: {  	[tilespmem:s24], [sflag:$0x3] =	stream.linear.gather [hbm4b:s16+s2], $0x80, $0x38;
	[tilespmem:$0x12500] =	vst v63  }
0x44: {  	_ =	swait.ge [sflag:s21], $0x80  }
0x45: {  	[sflag:s21] =	ssyncset.done $0x0  }
0x46: {  	s25 =	simm.s32 $0x6400;
	[sflag:s21] =	ssyncadd.s32 $0xFFFFFF80  }
0x47: {  	[tilespmem:s25], [sflag:$0x1] =	stream.strided.gather [hbm4b:s11+s19], $0x2000, s20, s19, $0x38;
	[tilespmem:$0x12500] =	vst v63  }
0x48: {  	s29 =	simm.s32 $0x0;
	s26 =	rddreg [dreg:$0xc]  }
0x49: {  	[tilespmem:s30], [sflag:$0x2] =	stream.strided.gather [hbm4b:s26+s19], $0x2000, s20, s19, $0x38;
	[tilespmem:$0x12500] =	vst v63  }
.LBB2_2:
0x4a: {  	_ =	swait.ge [sflag:s31], $0x2000  }
0x4b: {  	[sflag:s31] =	ssyncset.done $0x0  }
0x4c: {  	s0 =	sshll.u32 s29, $0x1;
	[sflag:s31] =	ssyncadd.s32 $0xFFFFE000  }
0x4d: {  	s4 =	simm.s32 $0x6440;
	v10 =	vld.msk [tilespmem:s0+$0x6300 ss:$0x0], $0xffff  }
0x4e: {  	v19 =	vld [tilespmem:s4+$0xFFFFFFC0]  }
0x4f: {  	v20 =	vld [tilespmem:s4+$0xFFFFFFD0]  }
0x50: {  	v21 =	vld [tilespmem:s4+$0xFFFFFFE0]  }
0x51: {  	v22 =	vld [tilespmem:s4+$0xFFFFFFF0]  }
0x52: {  	v23 =	vld [tilespmem:s4+$0x0]  }
0x53: {  	v24 =	vld [tilespmem:s4+$0x10];
	vm1 =	vle.f32 v19, v10  }
0x54: {  	v25 =	vld [tilespmem:s4+$0x20];
	vm5 =	vle.f32 v20, v10;
	v7 =	vmpcnt.ones.xlane vm1  }
0x55: {  	v26 =	vld [tilespmem:s4+$0x30];
	vm0 =	vle.f32 v21, v10;
	v8 =	vmpcnt.ones.xlane vm5  }
0x56: {  	vm3 =	vle.f32 v22, v10;
	v9 =	vmpcnt.ones.xlane vm0;
	(v2sf) =	vpush v7, $0x0  }
0x57: {  	vm2 =	vle.f32 v23, v10;
	v7 =	vmpcnt.ones.xlane vm3;
	(v2sf) =	vpush v8, $0x0  }
0x58: {  	vm4 =	vle.f32 v24, v10;
	v8 =	vmpcnt.ones.xlane vm2;
	(v2sf) =	vpush v9, $0x0  }
0x59: {  	vm10 =	vle.f32 v25, v10;
	v9 =	vmpcnt.ones.xlane vm4;
	(v2sf) =	vpush v7, $0x0  }
0x5a: {  	s7 =	simm.s32 $0x64C0;
	vm11 =	vle.f32 v26, v10;
	v11 =	vmpcnt.ones.xlane vm10;
	(v2sf) =	vpush v8, $0x0  }
0x5b: {  	v18 =	vld [tilespmem:s7+$0xFFFFFFC0];
	v12 =	vmpcnt.ones.xlane vm11;
	(v2sf) =	vpush v9, $0x0  }
0x5c: {  	v17 =	vld [tilespmem:s7+$0xFFFFFFD0];
	(v2sf) =	vpush v11, $0x0  }
0x5d: {  	v16 =	vld [tilespmem:s7+$0xFFFFFFE0];
	(v2sf) =	vpush v12, $0x0  }
0x5e: {  	v14 =	vld [tilespmem:s7+$0x20]  }
0x5f: {  	v13 =	vld [tilespmem:s7+$0x0]  }
0x60: {  	v15 =	vld [tilespmem:s7+$0x30]  }
0x61: {  	s6 =	simm.s32 $0x0;
	v12 =	vld [tilespmem:s7+$0xFFFFFFF0]  }
0x62: {  	v29 =	vor.u32 s6, v0;
	vm14 =	vle.f32 v18, v10;
	vm6 =	vle.f32 v16, v10;
	v7 =	vld [tilespmem:s0+$0x6000]  }
0x63: {  	vm12 =	vle.f32 v14, v10;
	vm8 =	vmmov vm1;
	vm1 =	vmmov vm3;
	v11 =	vld [tilespmem:s7+$0x10]  }
0x64: {  	s5 =	simm.s32 $0x0;
	v27 =	vmpcnt.ones.xlane vm14;
	vm3 =	vmmov vm0;
	vm0 =	vle.f32 v17, v10;
	v8 =	vld [tilespmem:s0+$0x6100]  }
0x65: {  	vm13 =	vle.f32 v15, v10;
	vm5 =	vmmov vm5;
	v28 =	vmpcnt.ones.xlane vm0;
	v9 =	vld [tilespmem:s0+$0x6200];
	[tilespmem:s5+$0xA400] =	vst.msk vm8, v19;
	s8 =	spop (v2sf)  }
0x66: {  	v19 =	vmpcnt.ones.xlane vm6;
	[tilespmem:s5+$0xC480] =	vst.msk vm8, v29;
	vm7 =	vle.f32 v12, v10;
	(v2sf) =	vpush v27, $0x0;
	s24 =	sadd.s32 $0x0, s8;
	s9 =	spop (v2sf)  }
0x67: {  	vm8 =	vle.f32 v13, v10;
	v62 =	vmpcnt.ones.xlane vm7;
	(v2sf) =	vpush v28, $0x0;
	[tilespmem:s24+$0xA400] =	vst.msk vm5, v20;
	s26 =	sadd.s32 s24, s9;
	s12 =	spop (v2sf)  }
0x68: {  	vm9 =	vle.f32 v11, v10;
	v20 =	vmpcnt.ones.xlane vm8;
	(v2sf) =	vpush v19, $0x0;
	[tilespmem:s26+$0xA400] =	vst.msk vm3, v21;
	s6 =	sadd.s32 s26, s12;
	s13 =	spop (v2sf)  }
0x69: {  	vm2 =	vmmov vm2;
	v19 =	vmpcnt.ones.xlane vm9;
	(v2sf) =	vpush v62, $0x0;
	[tilespmem:s6+$0xA400] =	vst.msk vm1, v22;
	s7 =	sadd.s32 s6, s13;
	s14 =	spop (v2sf)  }
0x6a: {  	v63 =	vmpcnt.ones.xlane vm12;
	vm4 =	vmmov vm4;
	(v2sf) =	vpush v20, $0x0;
	[tilespmem:s7+$0xA400] =	vst.msk vm2, v23;
	s9 =	sadd.s32 s7, s14;
	s15 =	spop (v2sf)  }
0x6b: {  	s25 =	simm.s32 $0x70;
	vm10 =	vmmov vm10;
	v20 =	vmpcnt.ones.xlane vm13;
	(v2sf) =	vpush v19, $0x0;
	[tilespmem:s9+$0xA400] =	vst.msk vm4, v24;
	s12 =	sadd.s32 s9, s15;
	s16 =	spop (v2sf)  }
0x6c: {  	s4 =	simm.s32 $0x8;
	vm11 =	vmmov vm11;
	(v2sf) =	vpush v63, $0x0;
	[tilespmem:s12+$0xA400] =	vst.msk vm10, v25;
	s13 =	sadd.s32 s12, s16;
	s8 =	spop (v2sf)  }
0x6d: {  	vm14 =	vmmov vm14;
	s5 =	simm.s32 $0x6540;
	s14 =	simm.s32 $0x60;
	v19 =	vor.u32 s25, v0;
	(v2sf) =	vpush v20, $0x0;
	[tilespmem:s13+$0xA400] =	vst.msk vm11, v26;
	s8 =	sadd.s32 s13, s8  }
.LBB2_3:
0x6e: {  	v20 =	vld [tilespmem:s5+$0xFFFFFFC0];
	s4 =	sadd.s32 $0x8, s4;
	s15 =	sadd.s32 $0xFFFFFFE0, s25;
	v21 =	vor.u32 s14, v0;
	[tilespmem:s13+$0xC480] =	vst.msk vm11, v19;
	vm11 =	vmmov vm13  }
0x6f: {  	s13 =	sadd.s32 $0xFFFFFFD0, s25;
	v19 =	vld [tilespmem:s5+$0xFFFFFFD0];
	p0 =	slt.u32 s4, $0x1F8;
	v22 =	vor.u32 s15, v0;
	[tilespmem:s12+$0xC480] =	vst.msk vm10, v21;
	vm10 =	vmmov vm12  }
0x70: {  	s12 =	sadd.s32 $0xFFFFFFC0, s25;
	v23 =	vor.u32 s13, v0;
	v21 =	vld [tilespmem:s5+$0xFFFFFFE0];
	[tilespmem:s9+$0xC480] =	vst.msk vm4, v22;
	vm4 =	vmmov vm9  }
0x71: {  	s9 =	sadd.s32 $0xFFFFFFB0, s25;
	v24 =	vor.u32 s12, v0;
	v22 =	vld [tilespmem:s5+$0xFFFFFFF0];
	[tilespmem:s7+$0xC480] =	vst.msk vm2, v23;
	vm2 =	vmmov vm8  }
0x72: {  	s7 =	sadd.s32 $0xFFFFFFA0, s25;
	v25 =	vor.u32 s9, v0;
	v23 =	vld [tilespmem:s5+$0x0];
	[tilespmem:s6+$0xC480] =	vst.msk vm1, v24;
	vm1 =	vmmov vm7  }
0x73: {  	s25 =	sadd.s32 $0x80, s25;
	v26 =	vor.u32 s7, v0;
	vm15 =	vle.f32 v20, v10;
	v24 =	vld [tilespmem:s5+$0x10];
	[tilespmem:s26+$0xC480] =	vst.msk vm3, v25;
	vm3 =	vmmov vm6  }
0x74: {  	s6 =	sadd.s32 $0xFFFFFF90, s25;
	v25 =	vmpcnt.ones.xlane vm15;
	v27 =	vld [tilespmem:s5+$0x20];
	[tilespmem:s24+$0xC480] =	vst.msk vm5, v26;
	vm5 =	vmmov vm0;
	vm0 =	vle.f32 v19, v10  }
0x75: {  	v29 =	vor.u32 s6, v0;
	v26 =	vmpcnt.ones.xlane vm0;
	vm6 =	vle.f32 v21, v10;
	v28 =	vld [tilespmem:s5+$0x30];
	[tilespmem:s8+$0xA400] =	vst.msk vm14, v18;
	s6 =	spop (v2sf);
	v18 =	vmovc v20  }
0x76: {  	v20 =	vmpcnt.ones.xlane vm6;
	vm7 =	vle.f32 v22, v10;
	(v2sf) =	vpush v25, $0x0;
	[tilespmem:s8+$0xC480] =	vst.msk vm14, v29;
	s24 =	sadd.s32 s8, s6;
	s6 =	spop (v2sf)  }
0x77: {  	v25 =	vmpcnt.ones.xlane vm7;
	vm8 =	vle.f32 v23, v10;
	(v2sf) =	vpush v26, $0x0;
	[tilespmem:s24+$0xA400] =	vst.msk vm5, v17;
	s26 =	sadd.s32 s24, s6;
	s6 =	spop (v2sf);
	v17 =	vmovc v19  }
0x78: {  	v19 =	vmpcnt.ones.xlane vm8;
	vm9 =	vle.f32 v24, v10;
	(v2sf) =	vpush v20, $0x0;
	[tilespmem:s26+$0xA400] =	vst.msk vm3, v16;
	s6 =	sadd.s32 s26, s6;
	s7 =	spop (v2sf);
	v16 =	vmovc v21  }
.Ltmp2:
0x79: {  	v20 =	vmpcnt.ones.xlane vm9;
	vm12 =	vle.f32 v27, v10;
	(v2sf) =	vpush v25, $0x0;
	[tilespmem:s6+$0xA400] =	vst.msk vm1, v12;
	s7 =	sadd.s32 s6, s7;
	s8 =	spop (v2sf);
	v12 =	vmovc v22;
	(pc) =	sbr.rel @p0 .LBB2_3-.Ltmp2, $4  }
0x7a: {  	v21 =	vmpcnt.ones.xlane vm12;
	vm13 =	vle.f32 v28, v10;
	(v2sf) =	vpush v19, $0x0;
	[tilespmem:s7+$0xA400] =	vst.msk vm2, v13;
	s9 =	sadd.s32 s7, s8;
	s8 =	spop (v2sf);
	v13 =	vmovc v23  }
0x7b: {  	vm14 =	vmmov vm15;
	v19 =	vmpcnt.ones.xlane vm13;
	(v2sf) =	vpush v20, $0x0;
	[tilespmem:s9+$0xA400] =	vst.msk vm4, v11;
	s12 =	sadd.s32 s9, s8;
	s8 =	spop (v2sf);
	v11 =	vmovc v24  }
0x7c: {  	(v2sf) =	vpush v21, $0x0;
	[tilespmem:s12+$0xA400] =	vst.msk vm10, v14;
	s13 =	sadd.s32 s12, s8;
	s8 =	spop (v2sf);
	v14 =	vmov v27  }
0x7d: {  	s14 =	sadd.s32 $0xFFFFFFF0, s25;
	s5 =	sadd.s32 $0x80, s5;
	(v2sf) =	vpush v19, $0x0;
	v19 =	vor.u32 s25, v0;
	[tilespmem:s13+$0xA400] =	vst.msk vm11, v15;
	s8 =	sadd.s32 s13, s8;
	v15 =	vmov v28  }
0x7e: {  	[tilespmem:s13+$0xC480] =	vst.msk vm11, v19  }
0x7f: {  	s4 =	sadd.s32 $0xFFFFFFE0, s25;
	v10 =	vor.u32 s14, v0;
	[tilespmem:s8+$0xA400] =	vst.msk vm14, v18  }
0x80: {  	s5 =	sadd.s32 $0xFFFFFFD0, s25;
	v61 =	vor.u32 s4, v0;
	[tilespmem:s12+$0xC480] =	vst.msk vm10, v10  }
0x81: {  	s14 =	sadd.s32 $0xFFFFFFC0, s25;
	v10 =	vor.u32 s5, v0;
	[tilespmem:s9+$0xC480] =	vst.msk vm4, v61  }
0x82: {  	s16 =	sadd.s32 $0xFFFFFFA0, s25;
	v62 =	vor.u32 s14, v0;
	[tilespmem:s7+$0xC480] =	vst.msk vm2, v10  }
0x83: {  	s15 =	sadd.s32 $0xFFFFFFB0, s25;
	v63 =	vor.u32 s16, v0;
	s4 =	sadd.s32 $0x80, s25;
	[tilespmem:s6+$0xC480] =	vst.msk vm1, v62  }
0x84: {  	v10 =	vor.u32 s15, v0;
	s7 =	sadd.s32 $0xFFFFFF90, s4;
	[tilespmem:s24+$0xC480] =	vst.msk vm5, v63  }
0x85: {  	[tilespmem:s26+$0xC480] =	vst.msk vm3, v10;
	v10 =	vor.u32 s7, v0;
	s9 =	spop (v2sf)  }
0x86: {  	vm0 =	vmmov vm0;
	[tilespmem:s8+$0xC480] =	vst.msk vm14, v10;
	s5 =	sadd.s32 s8, s9;
	s12 =	spop (v2sf)  }
0x87: {  	vm1 =	vmmov vm6;
	[tilespmem:s5+$0xA400] =	vst.msk vm0, v17;
	s6 =	sadd.s32 s5, s12;
	s13 =	spop (v2sf)  }
0x88: {  	vm2 =	vmmov vm7;
	[tilespmem:s6+$0xA400] =	vst.msk vm1, v16;
	s7 =	sadd.s32 s6, s13;
	s14 =	spop (v2sf)  }
0x89: {  	vm10 =	vmmov vm8;
	[tilespmem:s7+$0xA400] =	vst.msk vm2, v12;
	s8 =	sadd.s32 s7, s14;
	s15 =	spop (v2sf)  }
0x8a: {  	vm11 =	vmmov vm9;
	[tilespmem:s8+$0xA400] =	vst.msk vm10, v13;
	s9 =	sadd.s32 s8, s15;
	s16 =	spop (v2sf)  }
0x8b: {  	vm14 =	vmmov vm12;
	[tilespmem:s9+$0xA400] =	vst.msk vm11, v11;
	s12 =	sadd.s32 s9, s16;
	s24 =	spop (v2sf)  }
0x8c: {  	vm15 =	vmmov vm13;
	s25 =	sadd.s32 $0xFFFFFFF0, s4;
	[tilespmem:s12+$0xA400] =	vst.msk vm14, v14;
	s13 =	sadd.s32 s12, s24  }
0x8d: {  	v11 =	vor.u32 s25, v0;
	[tilespmem:s13+$0xA400] =	vst.msk vm15, v15  }
0x8e: {  	s26 =	sadd.s32 $0xFFFFFFE0, s4;
	v10 =	vor.u32 s4, v0;
	s16 =	sadd.s32 $0xFFFFFFC0, s4;
	s15 =	spop (v2sf);
	[tilespmem:s12+$0xC480] =	vst.msk vm14, v11  }
0x8f: {  	s24 =	sadd.s32 $0xFFFFFFB0, s4;
	[tilespmem:s13+$0xC480] =	vst.msk vm15, v10;
	s13 =	sadd.s32 s13, s15;
	s15 =	sadd.s32 $0xFFFFFFD0, s4;
	v10 =	vor.u32 s26, v0  }
0x90: {  	s4 =	sadd.s32 $0xFFFFFFA0, s4;
	v11 =	vor.u32 s15, v0;
	[tilespmem:s9+$0xC480] =	vst.msk vm11, v10;
	s25 =	sshra.s32 s13, $0x1F;
	s15 =	sand.u32 $0xF, s13  }
0x91: {  	v10 =	vor.u32 s16, v0;
	p0 =	slt.s32 s13, $0x1;
	[tilespmem:s8+$0xC480] =	vst.msk vm10, v11;
	s26 =	sshrl.u32 s25, $0x1C;
	p1 =	sne.s32 s15, $0x0  }
.Ltmp3:
0x92: {  	v11 =	vor.u32 s24, v0;
	[tilespmem:s7+$0xC480] =	vst.msk vm2, v10;
	v10 =	vor.u32 s4, v0;
	s4 =	simm.s32 $0x1;
	p0 =	por !p0, !p1;
	(pc) =	sbr.rel .LBB2_5-.Ltmp3, $4  }
0x93: {  	s24 =	sshll.u32 s29, $0x6;
	s12 =	sadd.s32 s26, s13;
	[tilespmem:s6+$0xC480] =	vst.msk vm1, v11;
	p0 =	por !p0, !p0  }
0x94: {  	[tilespmem:s5+$0xC480] =	vst.msk vm0, v10;
	s15 =	sand.u32 $0x3FFFFFC0, s24;
	s14 =	sshra.s32 s12, $0x4;
	s4 =	simm.s32 @!p0 $0x0  }
0x95: {  	v14 =	vimm.s32 $0xFFFFFFFF;
	[tilespmem:s13+$0xA400] =	vst v1;
	s16 =	sadd.s32 $0xE500, s15;
	s4 =	ssub.s32 s14, s4  }
0x96: {  	v15 =	vimm.f32 $-Inf;
	s26 =	simm.s32 $0x0;
	v10 =	vimm.s32 $0x0;
	[tilespmem:s13+$0xC480] =	vst v2;
	v11 =	vmov s16;
	s25 =	sadd.s32 $0x1, s4;
	p0 =	slt.s32 s4, $0x0  }
.LBB2_7:
0x97: {  	v18 =	vimm.f32 $+Inf;
	v19 =	vimm.s32 $0x40000000  }
.LBB2_12:
0x98: {  	vm3 =	veq.f32 v22, v15;
	vm4 =	vgt.s32 v21, v14;
	vm1 =	vmor @p1 vm1, vm2  }
0x99: {  	vm3 =	vmand vm3, vm4;
	v14 =	vsel @p1 vm1, v16, v18  }
0x9a: {  	v15 =	vsel @p1 vm1, v17, v19;
	vm0 =	vmor vm0, vm3;
	v13 =	vpsel p1, v14, v13  }
0x9b: {  	v12 =	vpsel p1, v15, v12;
	v62 =	vnsel vm0, $0x7F800000, v22;
	v63 =	vnsel vm0, $0x40000000, v21  }
0x9c: {  	vm13 =	veq.f32 v62, v13;
	vm14 =	vlt.s32 v63, v12  }
0x9d: {  	vm15 =	vlt.f32 v62, v13;
	vm0 =	vmand vm13, vm14  }
0x9e: {  	vm0 =	vmor vm15, vm0  }
0x9f: {  	v13 =	vsel vm0, v62, v13;
	v12 =	vsel vm0, v63, v12  }
.LBB2_13:
0xa0: {  	v14 =	vperm.xlane v13, v3;
	v15 =	vperm.xlane v12, v3;
	_ =	sdelay $0x1  }
0xa1: {  	vm0 =	veq.f32 v14, v13;
	vm1 =	vlt.s32 v15, v12  }
0xa2: {  	vm2 =	vlt.f32 v14, v13;
	vm0 =	vmand vm0, vm1  }
0xa3: {  	vm0 =	vmor vm2, vm0  }
0xa4: {  	v13 =	vsel vm0, v14, v13;
	v12 =	vsel vm0, v15, v12  }
0xa5: {  	v14 =	vperm.xlane v13, v4;
	v15 =	vperm.xlane v12, v4;
	_ =	sdelay $0x1  }
0xa6: {  	vm6 =	veq.f32 v14, v13;
	vm7 =	vlt.s32 v15, v12  }
0xa7: {  	vm8 =	vlt.f32 v14, v13;
	vm0 =	vmand vm6, vm7  }
0xa8: {  	vm0 =	vmor vm8, vm0  }
0xa9: {  	v13 =	vsel vm0, v14, v13;
	v12 =	vsel vm0, v15, v12  }
0xaa: {  	v14 =	vperm.xlane v13, v5;
	v15 =	vperm.xlane v12, v5;
	_ =	sdelay $0x1  }
0xab: {  	vm9 =	veq.f32 v14, v13;
	vm10 =	vlt.s32 v15, v12  }
0xac: {  	vm11 =	vlt.f32 v14, v13;
	vm0 =	vmand vm9, vm10  }
0xad: {  	vm0 =	vmor vm11, vm0  }
0xae: {  	s4 =	sand.u32 $0xF, s26;
	v13 =	vsel vm0, v14, v13;
	v12 =	vsel vm0, v15, v12  }
0xaf: {  	p1 =	sne.s32 s4, $0xF;
	v15 =	vperm.xlane v13, v6;
	v14 =	vperm.xlane v12, v6  }
0xb0: {  	v16 =	vmov s4;
	s4 =	sand.u32 @!p1 $0x10, s26;
	s26 =	sadd.s32 $0x1, s26  }
0xb1: {  	p2 =	sne.s32 s26, $0x20;
	vm12 =	veq.f32 v15, v13;
	vm13 =	vlt.s32 v14, v12  }
.Ltmp4:
0xb2: {  	vm14 =	vlt.f32 v15, v13;
	vm0 =	vmand vm12, vm13;
	(pc) =	sbr.rel @!p2 .LBB2_14-.Ltmp4, $4  }
0xb3: {  	vm0 =	vmor vm14, vm0  }
0xb4: {  	vm15 =	veq.s32 v16, v0;
	v14 =	vsel vm0, v14, v12  }
0xb5: {  	v10 =	vsel vm15, v14, v10  }
0xb6: {  	v15 =	vsel vm0, v15, v13;
	[tilespmem:v11+s4+$0x0 ss:$0x1] =	vst.idx.msk @!p1 $0xffff, v10  }
.LBB2_5:
.Ltmp5:
0xb7: {  	(pc) =	sbr.rel @p0 .LBB2_13-.Ltmp5, $2  }
0xb8: {  	_ =	sdelay $0x2  }
0xb9: {  	v12 =	vimm.s32 $0x40000000;
	v13 =	vimm.f32 $+Inf  }
0xba: {  	s4 =	simm.s32 $0xA400  }
0xbb: {  	s16 =	simm.s32 $0xC480;
	p2 =	sne.s32 s25, $0x1;
	v22 =	vld [tilespmem:s4+$0x0]  }
.Ltmp6:
0xbc: {  	v21 =	vld [tilespmem:s16+$0x0];
	(pc) =	sbr.rel @!p2 .LBB2_7-.Ltmp6, $2  }
0xbd: {  	_ =	sdelay $0x2  }
0xbe: {  	s5 =	sadd.s32 $0xFFFFFFFF, s25;
	p1 =	por $0x0, $0x0;
	s4 =	simm.s32 $0xA410;
	vm0 =	vgt.f32 v22, v15  }
0xbf: {  	vm1 =	veq.f32 v22, v15;
	vm2 =	vgt.s32 v21, v14  }
0xc0: {  	vm1 =	vmand vm1, vm2  }
0xc1: {  	v20 =	vld [tilespmem:s4+$0x0];
	s4 =	simm.s32 $0xC490;
	p2 =	sne.s32 s5, $0x1;
	vm0 =	vmor vm0, vm1  }
.Ltmp7:
0xc2: {  	v17 =	vnsel vm0, $0x40000000, v21;
	v21 =	vld [tilespmem:s4+$0x0];
	(pc) =	sbr.rel @!p2 .LBB2_9-.Ltmp7, $4  }
0xc3: {  	_ = 	snop  }
0xc4: {  	v18 =	vimm.f32 $+Inf;
	v16 =	vnsel vm0, $0x7F800000, v22  }
0xc5: {  	v19 =	vimm.s32 $0x40000000;
	vm2 =	veq.f32 v16, v13;
	vm3 =	vlt.s32 v17, v12  }
0xc6: {  	s5 =	sadd.s32 $0xFFFFFFFF, s5;
	s6 =	simm.s32 $0xA420;
	p1 =	por $0x1, $0x1;
	vm1 =	vlt.f32 v16, v13;
	vm0 =	vgt.f32 v20, v15;
	vm2 =	vmand vm2, vm3  }
.LBB2_10:
0xc7: {  	v22 =	vld [tilespmem:s6+$0x0];
	vm3 =	veq.f32 v20, v15;
	vm4 =	vgt.s32 v21, v14;
	s4 =	sadd.s32 $0x10, s4;
	vm1 =	vmor vm1, vm2;
	v23 =	vmovc v21;
	p2 =	sne.s32 s5, $0x1  }
.Ltmp8:
0xc8: {  	s5 =	sadd.s32 $0xFFFFFFFF, s5;
	v21 =	vld [tilespmem:s4+$0x0];
	vm2 =	vmand vm3, vm4;
	v18 =	vsel vm1, v16, v18;
	v19 =	vsel vm1, v17, v19;
	(pc) =	sbr.rel @p2 .LBB2_10-.Ltmp8, $4  }
0xc9: {  	vm0 =	vmor vm0, vm2  }
0xca: {  	v16 =	vnsel vm0, $0x7F800000, v20;
	v17 =	vnsel vm0, $0x40000000, v23  }
0xcb: {  	vm2 =	veq.f32 v16, v18;
	vm3 =	vlt.s32 v17, v19  }
0xcc: {  	s6 =	sadd.s32 $0x10, s6;
	vm1 =	vlt.f32 v16, v18;
	vm0 =	vgt.f32 v22, v15;
	vm2 =	vmand vm2, vm3;
	v20 =	vmovc v22  }
.Ltmp9:
0xcd: {  	(pc) =	sbr.rel .LBB2_12-.Ltmp9, $2  }
0xce: {  	_ =	sdelay $0x2  }
0xcf: {  	v22 =	vmov v20  }
.LBB2_9:
.Ltmp10:
0xd0: {  	(pc) =	sbr.rel .LBB2_12-.Ltmp10, $2  }
0xd1: {  	_ =	sdelay $0x2  }
0xd2: {  	v22 =	vmov v20;
	v18 =	vimm.f32 $+Inf;
	v19 =	vimm.s32 $0x40000000  }
.LBB2_14:
0xd3: {  	v10 =	vld [tilespmem:s24+$0xE500];
	_ =	sdelay $0x6  }
0xd4: {  	v13 =	vld [tilespmem:s24+$0xE510]  }
0xd5: {  	v11 =	vld.idx.msk [tilespmem:v10+s2+$0x0], $0xffff  }
0xd6: {  	v12 =	vld.idx.msk [tilespmem:v10+s22+$0x0], $0xffff  }
0xd7: {  	v10 =	vld.idx.msk [tilespmem:v10+s23+$0x0], $0xffff  }
0xd8: {  	v7 =	vbroadcast v7, $0x0  }
0xd9: {  	v8 =	vbroadcast v8, $0x0  }
0xda: {  	v9 =	vbroadcast v9, $0x0;
	v11 =	vsub.f32 v11, v7  }
0xdb: {  	v12 =	vsub.f32 v12, v8  }
0xdc: {  	v10 =	vsub.f32 v10, v9;
	[tilespmem:s24+$0xF500] =	vst v11  }
0xdd: {  	[tilespmem:s24+$0x10500] =	vst v12  }
0xde: {  	[tilespmem:s24+$0x11500] =	vst v10  }
0xdf: {  	v10 =	vld.idx.msk [tilespmem:v13+s2+$0x0], $0xffff  }
0xe0: {  	v11 =	vld.idx.msk [tilespmem:v13+s22+$0x0], $0xffff  }
0xe1: {  	p0 =	seq.s32 s29, $0x3F;
	v12 =	vld.idx.msk [tilespmem:v13+s23+$0x0], $0xffff  }
0xe2: {  	s4 =	sadd.s32 @!p0 $0x2, s0  }
0xe3: {  	s5 =	sshll.u32 @!p0 s4, $0xD  }
0xe4: {  	s4 =	sshll.u32 @!p0 s4, $0x7;
	s5 =	sand.u32 @!p0 $0x1F0000, s5;
	v7 =	vsub.f32 v10, v7  }
0xe5: {  	s4 =	sand.u32 @!p0 $0x300, s4;
	s5 =	sadd.s32 @!p0 s10, s5;
	v8 =	vsub.f32 v11, v8  }
0xe6: {  	s4 =	sor.u32 @!p0 s4, s5;
	[tilespmem:s24+$0xF510] =	vst v7;
	v7 =	vsub.f32 v12, v9  }
0xe7: {  	s6 =	simm.s32 @!p0 $0x400;
	s4 =	sshrl.u32 @!p0 s4, $0x3;
	[tilespmem:s24+$0x10510] =	vst v8  }
0xe8: {  	s7 =	simm.s32 @!p0 $0x6400;
	s5 =	simm.s32 @!p0 $0x80;
	s4 =	sadd.s32 @!p0 s3, s4;
	[tilespmem:s24+$0x11510] =	vst v7  }
0xe9: {  	[tilespmem:s7], [sflag:$0x1] =	stream.strided.gather @!p0 [hbm4b:s4+s5], $0x2000, s6, s5, $0x38;
	[tilespmem:$0x12500] =	vst v63  }
0xea: {  	_ =	swait.ge [sflag:s1], $0x2000  }
0xeb: {  	[sflag:s1] =	ssyncset.done $0x0  }
0xec: {  	s24 =	sor.u32 $0x1, s0;
	[sflag:s1] =	ssyncadd.s32 $0xFFFFE000  }
0xed: {  	s16 =	simm.s32 $0x8440;
	v10 =	vld.msk [tilespmem:s24+$0x6300 ss:$0x0], $0xffff  }
0xee: {  	v19 =	vld [tilespmem:s16+$0xFFFFFFC0]  }
0xef: {  	v20 =	vld [tilespmem:s16+$0xFFFFFFD0]  }
0xf0: {  	v21 =	vld [tilespmem:s16+$0xFFFFFFE0]  }
0xf1: {  	v22 =	vld [tilespmem:s16+$0xFFFFFFF0]  }
0xf2: {  	v23 =	vld [tilespmem:s16+$0x0]  }
0xf3: {  	v24 =	vld [tilespmem:s16+$0x10];
	vm1 =	vle.f32 v19, v10  }
0xf4: {  	v25 =	vld [tilespmem:s16+$0x20];
	vm5 =	vle.f32 v20, v10;
	v7 =	vmpcnt.ones.xlane vm1  }
0xf5: {  	v26 =	vld [tilespmem:s16+$0x30];
	vm0 =	vle.f32 v21, v10;
	v8 =	vmpcnt.ones.xlane vm5  }
0xf6: {  	vm3 =	vle.f32 v22, v10;
	v9 =	vmpcnt.ones.xlane vm0;
	(v2sf) =	vpush v7, $0x0  }
0xf7: {  	vm2 =	vle.f32 v23, v10;
	v7 =	vmpcnt.ones.xlane vm3;
	(v2sf) =	vpush v8, $0x0  }
0xf8: {  	vm4 =	vle.f32 v24, v10;
	v8 =	vmpcnt.ones.xlane vm2;
	(v2sf) =	vpush v9, $0x0  }
0xf9: {  	vm10 =	vle.f32 v25, v10;
	v9 =	vmpcnt.ones.xlane vm4;
	(v2sf) =	vpush v7, $0x0  }
0xfa: {  	s25 =	simm.s32 $0x84C0;
	vm11 =	vle.f32 v26, v10;
	v11 =	vmpcnt.ones.xlane vm10;
	(v2sf) =	vpush v8, $0x0  }
0xfb: {  	v18 =	vld [tilespmem:s25+$0xFFFFFFC0];
	v12 =	vmpcnt.ones.xlane vm11;
	(v2sf) =	vpush v9, $0x0  }
0xfc: {  	v17 =	vld [tilespmem:s25+$0xFFFFFFD0];
	(v2sf) =	vpush v11, $0x0  }
0xfd: {  	v16 =	vld [tilespmem:s25+$0xFFFFFFE0];
	(v2sf) =	vpush v12, $0x0  }
0xfe: {  	v14 =	vld [tilespmem:s25+$0x20]  }
0xff: {  	v13 =	vld [tilespmem:s25+$0x0]  }
0x100: {  	v15 =	vld [tilespmem:s25+$0x30]  }
0x101: {  	s7 =	simm.s32 $0x0;
	v12 =	vld [tilespmem:s25+$0xFFFFFFF0]  }
0x102: {  	v29 =	vor.u32 s7, v0;
	vm14 =	vle.f32 v18, v10;
	vm6 =	vle.f32 v16, v10;
	v7 =	vld [tilespmem:s24+$0x6000]  }
0x103: {  	vm12 =	vle.f32 v14, v10;
	vm8 =	vmmov vm1;
	vm1 =	vmmov vm3;
	v11 =	vld [tilespmem:s25+$0x10]  }
0x104: {  	s26 =	simm.s32 $0x0;
	v27 =	vmpcnt.ones.xlane vm14;
	vm3 =	vmmov vm0;
	vm0 =	vle.f32 v17, v10;
	v8 =	vld [tilespmem:s24+$0x6100]  }
0x105: {  	vm13 =	vle.f32 v15, v10;
	vm5 =	vmmov vm5;
	v28 =	vmpcnt.ones.xlane vm0;
	v9 =	vld [tilespmem:s24+$0x6200];
	[tilespmem:s26+$0xA400] =	vst.msk vm8, v19;
	s8 =	spop (v2sf)  }
0x106: {  	v19 =	vmpcnt.ones.xlane vm6;
	[tilespmem:s26+$0xC480] =	vst.msk vm8, v29;
	vm7 =	vle.f32 v12, v10;
	(v2sf) =	vpush v27, $0x0;
	s25 =	sadd.s32 $0x0, s8;
	s9 =	spop (v2sf)  }
0x107: {  	vm8 =	vle.f32 v13, v10;
	v62 =	vmpcnt.ones.xlane vm7;
	(v2sf) =	vpush v28, $0x0;
	[tilespmem:s25+$0xA400] =	vst.msk vm5, v20;
	s4 =	sadd.s32 s25, s9;
	s12 =	spop (v2sf)  }
0x108: {  	vm9 =	vle.f32 v11, v10;
	v20 =	vmpcnt.ones.xlane vm8;
	(v2sf) =	vpush v19, $0x0;
	[tilespmem:s4+$0xA400] =	vst.msk vm3, v21;
	s7 =	sadd.s32 s4, s12;
	s13 =	spop (v2sf)  }
0x109: {  	vm2 =	vmmov vm2;
	v19 =	vmpcnt.ones.xlane vm9;
	(v2sf) =	vpush v62, $0x0;
	[tilespmem:s7+$0xA400] =	vst.msk vm1, v22;
	s8 =	sadd.s32 s7, s13;
	s14 =	spop (v2sf)  }
0x10a: {  	v63 =	vmpcnt.ones.xlane vm12;
	vm4 =	vmmov vm4;
	(v2sf) =	vpush v20, $0x0;
	[tilespmem:s8+$0xA400] =	vst.msk vm2, v23;
	s12 =	sadd.s32 s8, s14;
	s15 =	spop (v2sf)  }
0x10b: {  	s5 =	simm.s32 $0x8;
	vm10 =	vmmov vm10;
	v20 =	vmpcnt.ones.xlane vm13;
	(v2sf) =	vpush v19, $0x0;
	[tilespmem:s12+$0xA400] =	vst.msk vm4, v24;
	s13 =	sadd.s32 s12, s15;
	s16 =	spop (v2sf)  }
0x10c: {  	vm11 =	vmmov vm11;
	s26 =	simm.s32 $0x70;
	(v2sf) =	vpush v63, $0x0;
	[tilespmem:s13+$0xA400] =	vst.msk vm10, v25;
	s14 =	sadd.s32 s13, s16;
	s9 =	spop (v2sf)  }
0x10d: {  	s6 =	simm.s32 $0x8540;
	vm14 =	vmmov vm14;
	v19 =	vor.u32 s26, v0;
	s15 =	simm.s32 $0x60;
	(v2sf) =	vpush v20, $0x0;
	[tilespmem:s14+$0xA400] =	vst.msk vm11, v26;
	s9 =	sadd.s32 s14, s9  }
.LBB2_15:
0x10e: {  	v20 =	vld [tilespmem:s6+$0xFFFFFFC0];
	s5 =	sadd.s32 $0x8, s5;
	s16 =	sadd.s32 $0xFFFFFFE0, s26;
	v21 =	vor.u32 s15, v0;
	[tilespmem:s14+$0xC480] =	vst.msk vm11, v19;
	vm11 =	vmmov vm13  }
0x10f: {  	s14 =	sadd.s32 $0xFFFFFFD0, s26;
	v19 =	vld [tilespmem:s6+$0xFFFFFFD0];
	p1 =	slt.u32 s5, $0x1F8;
	v22 =	vor.u32 s16, v0;
	[tilespmem:s13+$0xC480] =	vst.msk vm10, v21;
	vm10 =	vmmov vm12  }
0x110: {  	s13 =	sadd.s32 $0xFFFFFFC0, s26;
	v23 =	vor.u32 s14, v0;
	v21 =	vld [tilespmem:s6+$0xFFFFFFE0];
	[tilespmem:s12+$0xC480] =	vst.msk vm4, v22;
	vm4 =	vmmov vm9  }
0x111: {  	s12 =	sadd.s32 $0xFFFFFFB0, s26;
	v24 =	vor.u32 s13, v0;
	v22 =	vld [tilespmem:s6+$0xFFFFFFF0];
	[tilespmem:s8+$0xC480] =	vst.msk vm2, v23;
	vm2 =	vmmov vm8  }
0x112: {  	s8 =	sadd.s32 $0xFFFFFFA0, s26;
	v25 =	vor.u32 s12, v0;
	v23 =	vld [tilespmem:s6+$0x0];
	[tilespmem:s7+$0xC480] =	vst.msk vm1, v24;
	vm1 =	vmmov vm7  }
0x113: {  	s26 =	sadd.s32 $0x80, s26;
	v26 =	vor.u32 s8, v0;
	vm15 =	vle.f32 v20, v10;
	v24 =	vld [tilespmem:s6+$0x10];
	[tilespmem:s4+$0xC480] =	vst.msk vm3, v25;
	vm3 =	vmmov vm6  }
0x114: {  	s4 =	sadd.s32 $0xFFFFFF90, s26;
	v25 =	vmpcnt.ones.xlane vm15;
	v27 =	vld [tilespmem:s6+$0x20];
	[tilespmem:s25+$0xC480] =	vst.msk vm5, v26;
	vm5 =	vmmov vm0;
	vm0 =	vle.f32 v19, v10  }
0x115: {  	v29 =	vor.u32 s4, v0;
	v26 =	vmpcnt.ones.xlane vm0;
	vm6 =	vle.f32 v21, v10;
	v28 =	vld [tilespmem:s6+$0x30];
	[tilespmem:s9+$0xA400] =	vst.msk vm14, v18;
	s4 =	spop (v2sf);
	v18 =	vmovc v20  }
0x116: {  	v20 =	vmpcnt.ones.xlane vm6;
	vm7 =	vle.f32 v22, v10;
	(v2sf) =	vpush v25, $0x0;
	[tilespmem:s9+$0xC480] =	vst.msk vm14, v29;
	s25 =	sadd.s32 s9, s4;
	s4 =	spop (v2sf)  }
0x117: {  	v25 =	vmpcnt.ones.xlane vm7;
	vm8 =	vle.f32 v23, v10;
	(v2sf) =	vpush v26, $0x0;
	[tilespmem:s25+$0xA400] =	vst.msk vm5, v17;
	s4 =	sadd.s32 s25, s4;
	s7 =	spop (v2sf);
	v17 =	vmovc v19  }
0x118: {  	v19 =	vmpcnt.ones.xlane vm8;
	vm9 =	vle.f32 v24, v10;
	(v2sf) =	vpush v20, $0x0;
	[tilespmem:s4+$0xA400] =	vst.msk vm3, v16;
	s7 =	sadd.s32 s4, s7;
	s8 =	spop (v2sf);
	v16 =	vmovc v21  }
.Ltmp11:
0x119: {  	v20 =	vmpcnt.ones.xlane vm9;
	vm12 =	vle.f32 v27, v10;
	(v2sf) =	vpush v25, $0x0;
	[tilespmem:s7+$0xA400] =	vst.msk vm1, v12;
	s8 =	sadd.s32 s7, s8;
	s9 =	spop (v2sf);
	v12 =	vmovc v22;
	(pc) =	sbr.rel @p1 .LBB2_15-.Ltmp11, $4  }
0x11a: {  	v21 =	vmpcnt.ones.xlane vm12;
	vm13 =	vle.f32 v28, v10;
	(v2sf) =	vpush v19, $0x0;
	[tilespmem:s8+$0xA400] =	vst.msk vm2, v13;
	s12 =	sadd.s32 s8, s9;
	s9 =	spop (v2sf);
	v13 =	vmovc v23  }
0x11b: {  	vm14 =	vmmov vm15;
	v19 =	vmpcnt.ones.xlane vm13;
	(v2sf) =	vpush v20, $0x0;
	[tilespmem:s12+$0xA400] =	vst.msk vm4, v11;
	s13 =	sadd.s32 s12, s9;
	s9 =	spop (v2sf);
	v11 =	vmovc v24  }
0x11c: {  	(v2sf) =	vpush v21, $0x0;
	[tilespmem:s13+$0xA400] =	vst.msk vm10, v14;
	s14 =	sadd.s32 s13, s9;
	s9 =	spop (v2sf);
	v14 =	vmov v27  }
0x11d: {  	s15 =	sadd.s32 $0xFFFFFFF0, s26;
	s6 =	sadd.s32 $0x80, s6;
	(v2sf) =	vpush v19, $0x0;
	v19 =	vor.u32 s26, v0;
	[tilespmem:s14+$0xA400] =	vst.msk vm11, v15;
	s9 =	sadd.s32 s14, s9;
	v15 =	vmov v28  }
0x11e: {  	[tilespmem:s14+$0xC480] =	vst.msk vm11, v19  }
0x11f: {  	s5 =	sadd.s32 $0xFFFFFFE0, s26;
	v10 =	vor.u32 s15, v0;
	[tilespmem:s9+$0xA400] =	vst.msk vm14, v18  }
0x120: {  	s6 =	sadd.s32 $0xFFFFFFD0, s26;
	v61 =	vor.u32 s5, v0;
	[tilespmem:s13+$0xC480] =	vst.msk vm10, v10  }
0x121: {  	s15 =	sadd.s32 $0xFFFFFFB0, s26;
	v10 =	vor.u32 s6, v0;
	[tilespmem:s12+$0xC480] =	vst.msk vm4, v61  }
0x122: {  	s14 =	sadd.s32 $0xFFFFFFC0, s26;
	[tilespmem:s8+$0xC480] =	vst.msk vm2, v10;
	v10 =	vor.u32 s15, v0  }
0x123: {  	s16 =	sadd.s32 $0xFFFFFFA0, s26;
	v62 =	vor.u32 s14, v0;
	[tilespmem:s4+$0xC480] =	vst.msk vm3, v10;
	s4 =	sadd.s32 $0x80, s26  }
0x124: {  	v63 =	vor.u32 s16, v0;
	[tilespmem:s7+$0xC480] =	vst.msk vm1, v62;
	s7 =	sadd.s32 $0xFFFFFF90, s4  }
0x125: {  	[tilespmem:s25+$0xC480] =	vst.msk vm5, v63;
	v10 =	vor.u32 s7, v0;
	s8 =	spop (v2sf)  }
0x126: {  	vm0 =	vmmov vm0;
	[tilespmem:s9+$0xC480] =	vst.msk vm14, v10;
	s5 =	sadd.s32 s9, s8;
	s9 =	spop (v2sf)  }
0x127: {  	vm1 =	vmmov vm6;
	[tilespmem:s5+$0xA400] =	vst.msk vm0, v17;
	s6 =	sadd.s32 s5, s9;
	s12 =	spop (v2sf)  }
0x128: {  	vm2 =	vmmov vm7;
	[tilespmem:s6+$0xA400] =	vst.msk vm1, v16;
	s7 =	sadd.s32 s6, s12;
	s13 =	spop (v2sf)  }
0x129: {  	vm10 =	vmmov vm8;
	[tilespmem:s7+$0xA400] =	vst.msk vm2, v12;
	s8 =	sadd.s32 s7, s13;
	s14 =	spop (v2sf)  }
0x12a: {  	vm11 =	vmmov vm9;
	[tilespmem:s8+$0xA400] =	vst.msk vm10, v13;
	s9 =	sadd.s32 s8, s14;
	s15 =	spop (v2sf)  }
0x12b: {  	vm14 =	vmmov vm12;
	[tilespmem:s9+$0xA400] =	vst.msk vm11, v11;
	s12 =	sadd.s32 s9, s15;
	s16 =	spop (v2sf)  }
0x12c: {  	vm15 =	vmmov vm13;
	s25 =	sadd.s32 $0xFFFFFFF0, s4;
	[tilespmem:s12+$0xA400] =	vst.msk vm14, v14;
	s13 =	sadd.s32 s12, s16  }
0x12d: {  	v11 =	vor.u32 s25, v0;
	[tilespmem:s13+$0xA400] =	vst.msk vm15, v15  }
0x12e: {  	s24 =	sshll.u32 s24, $0x5;
	v10 =	vor.u32 s4, v0;
	s25 =	sadd.s32 $0xFFFFFFD0, s4;
	s26 =	spop (v2sf);
	[tilespmem:s12+$0xC480] =	vst.msk vm14, v11  }
0x12f: {  	s16 =	sadd.s32 $0xFFFFFFE0, s4;
	v11 =	vor.u32 s25, v0;
	[tilespmem:s13+$0xC480] =	vst.msk vm15, v10;
	s13 =	sadd.s32 s13, s26;
	s26 =	sadd.s32 $0xFFFFFFC0, s4  }
0x130: {  	v10 =	vor.u32 s16, v0;
	s16 =	sadd.s32 $0xFFFFFFB0, s4;
	[tilespmem:s8+$0xC480] =	vst.msk vm10, v11;
	s4 =	sadd.s32 $0xFFFFFFA0, s4;
	s15 =	sand.u32 $0xF, s13  }
0x131: {  	[tilespmem:s9+$0xC480] =	vst.msk vm11, v10;
	s25 =	sshra.s32 s13, $0x1F;
	v10 =	vor.u32 s26, v0;
	p1 =	slt.s32 s13, $0x1;
	p2 =	sne.s32 s15, $0x0  }
.Ltmp12:
0x132: {  	v11 =	vor.u32 s16, v0;
	s26 =	sshrl.u32 s25, $0x1C;
	[tilespmem:s7+$0xC480] =	vst.msk vm2, v10;
	p1 =	por !p1, !p2;
	(pc) =	sbr.rel .LBB2_17-.Ltmp12, $4  }
0x133: {  	v10 =	vor.u32 s4, v0;
	[tilespmem:s6+$0xC480] =	vst.msk vm1, v11;
	s4 =	simm.s32 $0x1;
	s12 =	sadd.s32 s26, s13;
	p1 =	por !p1, !p1  }
0x134: {  	s15 =	sand.u32 $0x3FFFFFE0, s24;
	[tilespmem:s5+$0xC480] =	vst.msk vm0, v10;
	s14 =	sshra.s32 s12, $0x4;
	s4 =	simm.s32 @!p1 $0x0  }
0x135: {  	v14 =	vimm.s32 $0xFFFFFFFF;
	s16 =	sadd.s32 $0xE500, s15;
	[tilespmem:s13+$0xA400] =	vst v1;
	s4 =	ssub.s32 s14, s4  }
0x136: {  	v15 =	vimm.f32 $-Inf;
	s26 =	simm.s32 $0x0;
	v10 =	vimm.s32 $0x0;
	[tilespmem:s13+$0xC480] =	vst v2;
	v11 =	vmov s16;
	s25 =	sadd.s32 $0x1, s4;
	p1 =	slt.s32 s4, $0x0  }
.LBB2_19:
0x137: {  	v18 =	vimm.f32 $+Inf;
	v19 =	vimm.s32 $0x40000000  }
.LBB2_24:
0x138: {  	vm3 =	veq.f32 v22, v15;
	vm4 =	vgt.s32 v21, v14;
	vm1 =	vmor @p2 vm1, vm2  }
0x139: {  	vm3 =	vmand vm3, vm4;
	v14 =	vsel @p2 vm1, v16, v18  }
0x13a: {  	v15 =	vsel @p2 vm1, v17, v19;
	vm0 =	vmor vm0, vm3;
	v13 =	vpsel p2, v14, v13  }
0x13b: {  	v12 =	vpsel p2, v15, v12;
	v62 =	vnsel vm0, $0x7F800000, v22;
	v63 =	vnsel vm0, $0x40000000, v21  }
0x13c: {  	vm13 =	veq.f32 v62, v13;
	vm14 =	vlt.s32 v63, v12  }
0x13d: {  	vm15 =	vlt.f32 v62, v13;
	vm0 =	vmand vm13, vm14  }
0x13e: {  	vm0 =	vmor vm15, vm0  }
0x13f: {  	v13 =	vsel vm0, v62, v13;
	v12 =	vsel vm0, v63, v12  }
.LBB2_25:
0x140: {  	v14 =	vperm.xlane v13, v3;
	v15 =	vperm.xlane v12, v3;
	_ =	sdelay $0x1  }
0x141: {  	vm0 =	veq.f32 v14, v13;
	vm1 =	vlt.s32 v15, v12  }
0x142: {  	vm2 =	vlt.f32 v14, v13;
	vm0 =	vmand vm0, vm1  }
0x143: {  	vm0 =	vmor vm2, vm0  }
0x144: {  	v13 =	vsel vm0, v14, v13;
	v12 =	vsel vm0, v15, v12  }
0x145: {  	v14 =	vperm.xlane v13, v4;
	v15 =	vperm.xlane v12, v4;
	_ =	sdelay $0x1  }
0x146: {  	vm6 =	veq.f32 v14, v13;
	vm7 =	vlt.s32 v15, v12  }
0x147: {  	vm8 =	vlt.f32 v14, v13;
	vm0 =	vmand vm6, vm7  }
0x148: {  	vm0 =	vmor vm8, vm0  }
0x149: {  	v13 =	vsel vm0, v14, v13;
	v12 =	vsel vm0, v15, v12  }
0x14a: {  	v14 =	vperm.xlane v13, v5;
	v15 =	vperm.xlane v12, v5;
	_ =	sdelay $0x1  }
0x14b: {  	vm9 =	veq.f32 v14, v13;
	vm10 =	vlt.s32 v15, v12  }
0x14c: {  	vm11 =	vlt.f32 v14, v13;
	vm0 =	vmand vm9, vm10  }
0x14d: {  	vm0 =	vmor vm11, vm0  }
0x14e: {  	s4 =	sand.u32 $0xF, s26;
	v13 =	vsel vm0, v14, v13;
	v12 =	vsel vm0, v15, v12  }
0x14f: {  	p2 =	sne.s32 s4, $0xF;
	v15 =	vperm.xlane v13, v6;
	v14 =	vperm.xlane v12, v6  }
0x150: {  	v16 =	vmov s4;
	s4 =	sand.u32 @!p2 $0x10, s26;
	s26 =	sadd.s32 $0x1, s26  }
0x151: {  	p3 =	sne.s32 s26, $0x20;
	vm12 =	veq.f32 v15, v13;
	vm13 =	vlt.s32 v14, v12  }
.Ltmp13:
0x152: {  	vm14 =	vlt.f32 v15, v13;
	vm0 =	vmand vm12, vm13;
	(pc) =	sbr.rel @!p3 .LBB2_26-.Ltmp13, $4  }
0x153: {  	vm0 =	vmor vm14, vm0  }
0x154: {  	vm15 =	veq.s32 v16, v0;
	v14 =	vsel vm0, v14, v12  }
0x155: {  	v10 =	vsel vm15, v14, v10  }
0x156: {  	v15 =	vsel vm0, v15, v13;
	[tilespmem:v11+s4+$0x0 ss:$0x1] =	vst.idx.msk @!p2 $0xffff, v10  }
.LBB2_17:
.Ltmp14:
0x157: {  	(pc) =	sbr.rel @p1 .LBB2_25-.Ltmp14, $2  }
0x158: {  	_ =	sdelay $0x2  }
0x159: {  	v12 =	vimm.s32 $0x40000000;
	v13 =	vimm.f32 $+Inf  }
0x15a: {  	s4 =	simm.s32 $0xA400  }
0x15b: {  	s16 =	simm.s32 $0xC480;
	p3 =	sne.s32 s25, $0x1;
	v22 =	vld [tilespmem:s4+$0x0]  }
.Ltmp15:
0x15c: {  	v21 =	vld [tilespmem:s16+$0x0];
	(pc) =	sbr.rel @!p3 .LBB2_19-.Ltmp15, $2  }
0x15d: {  	_ =	sdelay $0x2  }
0x15e: {  	s5 =	sadd.s32 $0xFFFFFFFF, s25;
	p2 =	por $0x0, $0x0;
	s4 =	simm.s32 $0xA410;
	vm0 =	vgt.f32 v22, v15  }
0x15f: {  	vm1 =	veq.f32 v22, v15;
	vm2 =	vgt.s32 v21, v14  }
0x160: {  	vm1 =	vmand vm1, vm2  }
0x161: {  	v20 =	vld [tilespmem:s4+$0x0];
	s4 =	simm.s32 $0xC490;
	p3 =	sne.s32 s5, $0x1;
	vm0 =	vmor vm0, vm1  }
.Ltmp16:
0x162: {  	v17 =	vnsel vm0, $0x40000000, v21;
	v21 =	vld [tilespmem:s4+$0x0];
	(pc) =	sbr.rel @!p3 .LBB2_21-.Ltmp16, $4  }
0x163: {  	_ = 	snop  }
0x164: {  	v18 =	vimm.f32 $+Inf;
	v16 =	vnsel vm0, $0x7F800000, v22  }
0x165: {  	v19 =	vimm.s32 $0x40000000;
	vm2 =	veq.f32 v16, v13;
	vm3 =	vlt.s32 v17, v12  }
0x166: {  	s5 =	sadd.s32 $0xFFFFFFFF, s5;
	s6 =	simm.s32 $0xA420;
	p2 =	por $0x1, $0x1;
	vm1 =	vlt.f32 v16, v13;
	vm0 =	vgt.f32 v20, v15;
	vm2 =	vmand vm2, vm3  }
.LBB2_22:
0x167: {  	v22 =	vld [tilespmem:s6+$0x0];
	vm3 =	veq.f32 v20, v15;
	vm4 =	vgt.s32 v21, v14;
	s4 =	sadd.s32 $0x10, s4;
	vm1 =	vmor vm1, vm2;
	v23 =	vmovc v21;
	p3 =	sne.s32 s5, $0x1  }
.Ltmp17:
0x168: {  	s5 =	sadd.s32 $0xFFFFFFFF, s5;
	v21 =	vld [tilespmem:s4+$0x0];
	vm2 =	vmand vm3, vm4;
	v18 =	vsel vm1, v16, v18;
	v19 =	vsel vm1, v17, v19;
	(pc) =	sbr.rel @p3 .LBB2_22-.Ltmp17, $4  }
0x169: {  	vm0 =	vmor vm0, vm2  }
0x16a: {  	v16 =	vnsel vm0, $0x7F800000, v20;
	v17 =	vnsel vm0, $0x40000000, v23  }
0x16b: {  	vm2 =	veq.f32 v16, v18;
	vm3 =	vlt.s32 v17, v19  }
0x16c: {  	s6 =	sadd.s32 $0x10, s6;
	vm1 =	vlt.f32 v16, v18;
	vm0 =	vgt.f32 v22, v15;
	vm2 =	vmand vm2, vm3;
	v20 =	vmovc v22  }
.Ltmp18:
0x16d: {  	(pc) =	sbr.rel .LBB2_24-.Ltmp18, $2  }
0x16e: {  	_ =	sdelay $0x2  }
0x16f: {  	v22 =	vmov v20  }
.LBB2_21:
.Ltmp19:
0x170: {  	(pc) =	sbr.rel .LBB2_24-.Ltmp19, $2  }
0x171: {  	_ =	sdelay $0x2  }
0x172: {  	v22 =	vmov v20;
	v18 =	vimm.f32 $+Inf;
	v19 =	vimm.s32 $0x40000000  }
.LBB2_26:
0x173: {  	v10 =	vld [tilespmem:s24+$0xE500];
	_ =	sdelay $0x6  }
0x174: {  	v13 =	vld [tilespmem:s24+$0xE510]  }
0x175: {  	v11 =	vld.idx.msk [tilespmem:v10+s2+$0x0], $0xffff  }
0x176: {  	v12 =	vld.idx.msk [tilespmem:v10+s22+$0x0], $0xffff  }
0x177: {  	v10 =	vld.idx.msk [tilespmem:v10+s23+$0x0], $0xffff  }
0x178: {  	v7 =	vbroadcast v7, $0x0  }
0x179: {  	v8 =	vbroadcast v8, $0x0  }
0x17a: {  	v9 =	vbroadcast v9, $0x0;
	v11 =	vsub.f32 v11, v7  }
0x17b: {  	v12 =	vsub.f32 v12, v8  }
0x17c: {  	v10 =	vsub.f32 v10, v9;
	[tilespmem:s24+$0xF500] =	vst v11  }
0x17d: {  	[tilespmem:s24+$0x10500] =	vst v12  }
0x17e: {  	[tilespmem:s24+$0x11500] =	vst v10  }
0x17f: {  	v10 =	vld.idx.msk [tilespmem:v13+s2+$0x0], $0xffff  }
0x180: {  	v11 =	vld.idx.msk [tilespmem:v13+s22+$0x0], $0xffff  }
0x181: {  	v12 =	vld.idx.msk [tilespmem:v13+s23+$0x0], $0xffff;
	_ =	sdelay $0x2  }
.Ltmp20:
0x182: {  	v7 =	vsub.f32 v10, v7;
	(pc) =	sbr.rel @p0 .LBB2_28-.Ltmp20, $4  }
0x183: {  	v8 =	vsub.f32 v11, v8  }
0x184: {  	[tilespmem:s24+$0xF510] =	vst v7;
	v7 =	vsub.f32 v12, v9  }
0x185: {  	[tilespmem:s24+$0x10510] =	vst v8  }
0x186: {  	[tilespmem:s24+$0x11510] =	vst v7  }
0x187: {  	s0 =	sadd.s32 $0x3, s0  }
0x188: {  	s4 =	sshll.u32 s0, $0xD  }
0x189: {  	s0 =	sshll.u32 s0, $0x7;
	s4 =	sand.u32 $0x1F0000, s4  }
.Ltmp21:
0x18a: {  	s0 =	sand.u32 $0x380, s0;
	s4 =	sadd.s32 s10, s4;
	(pc) =	sbr.rel .LBB2_2-.Ltmp21, $4  }
0x18b: {  	s0 =	sor.u32 s0, s4  }
0x18c: {  	s0 =	sshrl.u32 s0, $0x3  }
0x18d: {  	s29 =	sadd.s32 $0x1, s29;
	s0 =	sadd.s32 s3, s0  }
0x18e: {  	[tilespmem:s30], [sflag:$0x2] =	stream.strided.gather [hbm4b:s0+s19], $0x2000, s20, s19, $0x38;
	[tilespmem:$0x12500] =	vst v63  }
.LBB2_29:
0x18f: {  	_ =	sfence.sel $0x180000  }
0x190: {  	[bflag:$0x0] =	sbarrier.arrive $0xFFFF  }
0x191: {  	_ =	strace $0x90000047  }
0x192: {  	s0 =	stileid.u32;
	[bflag:$0x2] =	sbarrier.arrive $0xFFFF  }
0x193: {  	p0 =	sne.s32 s0, $0x0;
	s0 =	rddreg [dreg:$0x3]  }
0x194: {  	s0 =	sadd.s32 @!p0 $0x100000, s0  }
0x195: {  	[sflag:s0] =	ssyncadd.tile.s32 @!p0 $0x1;
	_ =	shalt  }
.Lfunc_end2:
_tile_overlayer_lowered:
.L_overlay_start_2:
0x196: {  	(tag) =	ssettag $0x2  }
0x197: {  	s0 =	rddreg [dreg:$0x0];
	s2 =	stileid.u32  }
0x198: {  	s1 =	rddreg [dreg:$0x1];
	p0 =	sne.s32 s2, $0x0  }
0x199: {  	s3 =	rddreg [dreg:$0x2];
	[bflag:$0x3] =	sbarrier.arrive $0xFFFF;
	s2 =	simm.s32 @!p0 $0x1C03  }
0x19a: {  	[timem:s3], [sflag:s2] =	dma.local @!p0 [hbm:s0], s1  }
0x19b: {  	s0 =	simm.s32 @!p0 $0x3  }
0x19c: {  	_ =	swait.ge @!p0 [sflag:s0], s1  }
0x19d: {  	s1 =	ssub.s32 @!p0 $0x0, s1;
	[sflag:s0] =	ssyncset.done @!p0 $0x0  }
0x19e: {  	[sflag:s0] =	ssyncadd.s32 @!p0 s1  }
0x19f: {  	[bflag:$0x3] =	sbarrier.arrive $0xFFFF  }
0x1a0: {  	_ =	shalt  }

</sc_bundles>
